<compile_context>
chip_gen: v7x
topology: tpu7x:2x2x1
jax: 0.10.2.dev20260603
libtpu: 0.0.44.dev20260713+nightly
codegen_flags: <defaults>
</compile_context>

<pallas_src>
import functools

import jax
import jax.numpy as jnp
from jax import lax
from jax.experimental import pallas as pl
from jax.experimental.pallas import tpu as pltpu
from jax.experimental.pallas import tpu_sc as plsc

N = 10000
E = 320000
D = 128
HD = D // 2

NS = 16
EPT = E // NS
K = 80
NCH = EPT // K
HB = 10240
ZB = HB // NS
NPAD = 10240
RPT = NPAD // NS
ZR = 128

_mesh = plsc.VectorSubcoreMesh(core_axis_name="c", subcore_axis_name="s")


def _hist_body(s0_ref, d0_ref, s1_ref, d1_ref, out_ref,
               sidx, didx, ones_v, zb, bins_s, bins_d):
    c = lax.axis_index("c")
    s = lax.axis_index("s")

    zero16 = jnp.zeros((16,), jnp.float32)
    one16 = jnp.ones((16,), jnp.float32)
    for i in range(ZB // 16):
        zb[pl.ds(i * 16, 16)] = zero16
    for i in range(K // 16):
        ones_v[pl.ds(i * 16, 16)] = one16

    pltpu.sync_copy(zb, bins_s.at[pl.ds(s * ZB, ZB)])
    pltpu.sync_copy(zb, bins_d.at[pl.ds(s * ZB, ZB)])

    @pl.when(c == 0)
    def _():
        pltpu.sync_copy(s0_ref.at[s], sidx)
        pltpu.sync_copy(d0_ref.at[s], didx)

    @pl.when(c == 1)
    def _():
        pltpu.sync_copy(s1_ref.at[s], sidx)
        pltpu.sync_copy(d1_ref.at[s], didx)

    plsc.subcore_barrier()

    @pl.loop(0, NCH)
    def _(j):
        pltpu.sync_copy(ones_v, bins_s.at[sidx.at[j]], add=True)
        pltpu.sync_copy(ones_v, bins_d.at[didx.at[j]], add=True)

    plsc.subcore_barrier()

    @pl.when(c == 0)
    def _():
        @pl.when(s == 0)
        def _():
            pltpu.sync_copy(bins_s, out_ref.at[0])

        @pl.when(s == 1)
        def _():
            pltpu.sync_copy(bins_d, out_ref.at[1])

    @pl.when(c == 1)
    def _():
        @pl.when(s == 0)
        def _():
            pltpu.sync_copy(bins_s, out_ref.at[2])

        @pl.when(s == 1)
        def _():
            pltpu.sync_copy(bins_d, out_ref.at[3])


_hist = pl.kernel(
    _hist_body,
    out_type=jax.ShapeDtypeStruct((4, HB), jnp.float32),
    mesh=_mesh,
    scratch_types=[
        pltpu.VMEM((NCH, K), jnp.int32),
        pltpu.VMEM((NCH, K), jnp.int32),
        pltpu.VMEM((K,), jnp.float32),
        pltpu.VMEM((ZB,), jnp.float32),
        pltpu.VMEM_SHARED((HB,), jnp.float32),
        pltpu.VMEM_SHARED((HB,), jnp.float32),
    ],
)


NBUF = 5


def _agg_body(h0a_ref, h0b_ref, h1a_ref, h1b_ref,
              s0_ref, d0_ref, s1_ref, d1_ref,
              a0a_ref, a0b_ref, a1a_ref, a1b_ref,
              sidx, didx, g0, g1, g2, g3, g4, zrow, aggsp,
              e0, e1, e2, e3, e4):
    c = lax.axis_index("c")
    s = lax.axis_index("s")
    grows = (g0, g1, g2, g3, g4)
    sems = (e0, e1, e2, e3, e4)

    zero16 = jnp.zeros((16,), jnp.float32)

    @pl.loop(0, ZR)
    def _(r):
        for i in range(HD // 16):
            zrow[r, pl.ds(i * 16, 16)] = zero16

    @pl.when(c == 0)
    def _():
        pltpu.sync_copy(s0_ref.at[s], sidx)
        pltpu.sync_copy(d0_ref.at[s], didx)

    @pl.when(c == 1)
    def _():
        pltpu.sync_copy(s1_ref.at[s], sidx)
        pltpu.sync_copy(d1_ref.at[s], didx)

    h0_refs = (h0a_ref, h0b_ref)
    h1_refs = (h1a_ref, h1b_ref)
    a0_refs = (a0a_ref, a0b_ref)
    a1_refs = (a1a_ref, a1b_ref)

    for p in range(2):
        def _start(b, j):
            @pl.when(c == 0)
            def _():
                pltpu.async_copy(h0_refs[p].at[sidx.at[j]], grows[b],
                                 sems[b])

            @pl.when(c == 1)
            def _():
                pltpu.async_copy(h1_refs[p].at[sidx.at[j]], grows[b],
                                 sems[b])

        def _wait(b, j):
            pltpu.make_async_copy(h0_refs[p].at[sidx.at[j]], grows[b],
                                  sems[b]).wait()

        for b in range(NBUF):
            _start(b, b)

        for i in range(RPT // ZR):
            pltpu.sync_copy(zrow, aggsp.at[pl.ds(s * RPT + i * ZR, ZR)])

        plsc.subcore_barrier()

        @pl.loop(0, NCH, step=NBUF)
        def _(j):
            for b in range(NBUF):
                _wait(b, j + b)
                pltpu.sync_copy(grows[b], aggsp.at[didx.at[j + b]],
                                add=True)

                @pl.when(j + b + NBUF < NCH)
                def _():
                    _start(b, j + b + NBUF)

        plsc.subcore_barrier()

        @pl.when(c == 0)
        def _():
            pltpu.sync_copy(aggsp.at[pl.ds(s * RPT, RPT)],
                            a0_refs[p].at[pl.ds(s * RPT, RPT)])

        @pl.when(c == 1)
        def _():
            pltpu.sync_copy(aggsp.at[pl.ds(s * RPT, RPT)],
                            a1_refs[p].at[pl.ds(s * RPT, RPT)])


_agg = pl.kernel(
    _agg_body,
    out_type=[jax.ShapeDtypeStruct((NPAD, HD), jnp.float32)] * 4,
    mesh=_mesh,
    compiler_params=pltpu.CompilerParams(use_tc_tiling_on_sc=False),
    scratch_types=[
        pltpu.VMEM((NCH, K), jnp.int32),
        pltpu.VMEM((NCH, K), jnp.int32),
    ] + [pltpu.VMEM((K, HD), jnp.float32)] * NBUF +
    [
        pltpu.VMEM((ZR, HD), jnp.float32),
        pltpu.VMEM_SHARED((NPAD, HD), jnp.float32),
    ] + [pltpu.SemaphoreType.DMA] * NBUF,
)


_RB = 1000


def _scale_body(x_ref, dt_ref, h0a_ref, h0b_ref, h1a_ref, h1b_ref):
    xb = x_ref[...]
    s0 = lax.rsqrt(jnp.maximum(dt_ref[:, 0:1], 1.0))
    s1 = lax.rsqrt(jnp.maximum(dt_ref[:, 2:3], 1.0))
    h0 = xb * s0
    h1 = xb * s1
    h0a_ref[...] = h0[:, :HD]
    h0b_ref[...] = h0[:, HD:]
    h1a_ref[...] = h1[:, :HD]
    h1b_ref[...] = h1[:, HD:]


def _scale(x, degs_t):
    return pl.pallas_call(
        _scale_body,
        grid=(N // _RB,),
        in_specs=[pl.BlockSpec((_RB, D), lambda j: (j, 0)),
                  pl.BlockSpec((_RB, 4), lambda j: (j, 0))],
        out_specs=[pl.BlockSpec((_RB, HD), lambda j: (j, 0))] * 4,
        out_shape=[jax.ShapeDtypeStruct((N, HD), jnp.float32)] * 4,
    )(x, degs_t)


def _finish_body(a0a_ref, a0b_ref, a1a_ref, a1b_ref, dt_ref,
                 w0_ref, w1_ref, b0_ref, b1_ref, out_ref):
    si0 = lax.rsqrt(jnp.maximum(dt_ref[:, 1:2], 1.0))
    si1 = lax.rsqrt(jnp.maximum(dt_ref[:, 3:4], 1.0))
    a0 = jnp.concatenate([a0a_ref[...], a0b_ref[...]], axis=1)
    a1 = jnp.concatenate([a1a_ref[...], a1b_ref[...]], axis=1)
    h = jnp.dot(a0 * si0, w0_ref[...],
                preferred_element_type=jnp.float32) + b0_ref[...]
    h = h + jnp.dot(a1 * si1, w1_ref[...],
                    preferred_element_type=jnp.float32) + b1_ref[...]
    nrm = jnp.maximum(jnp.sqrt(jnp.sum(h * h, axis=-1, keepdims=True)),
                      1e-12)
    out_ref[...] = h / nrm


def _finish(a0a, a0b, a1a, a1b, degs_t, W0, W1, b0, b1):
    return pl.pallas_call(
        _finish_body,
        grid=(N // _RB,),
        in_specs=[pl.BlockSpec((_RB, HD), lambda j: (j, 0)),
                  pl.BlockSpec((_RB, HD), lambda j: (j, 0)),
                  pl.BlockSpec((_RB, HD), lambda j: (j, 0)),
                  pl.BlockSpec((_RB, HD), lambda j: (j, 0)),
                  pl.BlockSpec((_RB, 4), lambda j: (j, 0)),
                  pl.BlockSpec((D, D), lambda j: (0, 0)),
                  pl.BlockSpec((D, D), lambda j: (0, 0)),
                  pl.BlockSpec((1, D), lambda j: (0, 0)),
                  pl.BlockSpec((1, D), lambda j: (0, 0))],
        out_specs=pl.BlockSpec((_RB, D), lambda j: (j, 0)),
        out_shape=jax.ShapeDtypeStruct((N, D), jnp.float32),
    )(a0a, a0b, a1a, a1b, degs_t, W0, W1, b0, b1)


def kernel(x, edge_index_r0, edge_index_r1, W_r0, b_r0, W_r1, b_r1):
    s0r = edge_index_r0[0].reshape(NS, NCH, K)
    d0r = edge_index_r0[1].reshape(NS, NCH, K)
    s1r = edge_index_r1[0].reshape(NS, NCH, K)
    d1r = edge_index_r1[1].reshape(NS, NCH, K)

    degs = _hist(s0r, d0r, s1r, d1r)
    degs_t = degs[:, :N].T

    h0a, h0b, h1a, h1b = _scale(x, degs_t)
    a0a, a0b, a1a, a1b = _agg(h0a, h0b, h1a, h1b, s0r, d0r, s1r, d1r)
    return _finish(a0a, a0b, a1a, a1b, degs_t, W_r0, W_r1,
                   b_r0.reshape(1, D), b_r1.reshape(1, D))

# --- scband reference (transcript-rebuilt; emitter-appended) ---
"""Pipeline reference for scband-hetero-general-layer-12232066859020 (READ-ONLY COPY).

The authoritative reference and input builder live on the scoring server;
editing this copy changes nothing except your own understanding.
"""

import jax, jax.numpy as jnp
import numpy as np

N = 10000
E = 320000
D = 128


def setup_inputs(seed: int = 0) -> dict:
    key = jax.random.key(seed)
    ks = jax.random.split(key, 8)
    x = jax.random.normal(ks[0], (N, D), dtype=jnp.float32)
    edge_index_r0 = jax.random.randint(ks[1], (2, E), 0, N, dtype=jnp.int32)
    edge_index_r1 = jax.random.randint(ks[2], (2, E), 0, N, dtype=jnp.int32)
    # Learned params: one GraphConv (GCN, norm='both', bias=True since has_bn=False) per relation
    scale = 1.0 / np.sqrt(D)
    W_r0 = jax.random.normal(ks[3], (D, D), dtype=jnp.float32) * scale
    b_r0 = jnp.zeros((D,), dtype=jnp.float32)
    W_r1 = jax.random.normal(ks[4], (D, D), dtype=jnp.float32) * scale
    b_r1 = jnp.zeros((D,), dtype=jnp.float32)
    return {"x": x, "edge_index_r0": edge_index_r0, "edge_index_r1": edge_index_r1,
            "W_r0": W_r0, "b_r0": b_r0, "W_r1": W_r1, "b_r1": b_r1}


def _gcn_conv(x, src, dst, W, b):
    # DGL GraphConv, norm='both', in_feats == out_feats -> aggregate first, then weight
    deg_out = jnp.zeros((N,), jnp.float32).at[src].add(1.0)
    deg_out = jnp.clip(deg_out, 1.0, None)
    h = x * (deg_out ** -0.5)[:, None]
    agg = jnp.zeros((N, D), jnp.float32).at[dst].add(jnp.take(h, src, axis=0))
    deg_in = jnp.zeros((N,), jnp.float32).at[dst].add(1.0)
    deg_in = jnp.clip(deg_in, 1.0, None)
    agg = agg * (deg_in ** -0.5)[:, None]
    return agg @ W + b


def reference(x, edge_index_r0, edge_index_r1, W_r0, b_r0, W_r1, b_r1):
    # HeteroGraphConv over 2 relations, aggregate='sum' (macro_func)
    h0 = _gcn_conv(x, edge_index_r0[0], edge_index_r0[1], W_r0, b_r0)
    h1 = _gcn_conv(x, edge_index_r1[0], edge_index_r1[1], W_r1, b_r1)
    h = h0 + h1
    # has_l2norm=True: post_layer is empty (no BN/dropout/act), then F.normalize(p=2, dim=-1)
    norm = jnp.clip(jnp.linalg.norm(h, axis=-1, keepdims=True), 1e-12, None)
    return h / norm

if __name__ == "__main__":
    import jax
    _d = setup_inputs()
    print(jax.jit(kernel)(*tuple(_d.values())))

</pallas_src>

<mosaic_0001>
#map = affine_map<(d0, d1) -> (0, 0)>
#map1 = affine_map<(d0, d1) -> (0, 0, 0)>
module attributes {stable_mosaic.version = 14 : i64} {
  func.func @_agg_body(%arg0: i32, %arg1: i32, %arg2: memref<10000x64xf32, #tpu.memory_space<hbm>>, %arg3: memref<10000x64xf32, #tpu.memory_space<hbm>>, %arg4: memref<10000x64xf32, #tpu.memory_space<hbm>>, %arg5: memref<10000x64xf32, #tpu.memory_space<hbm>>, %arg6: memref<16x250x80xi32, #tpu.memory_space<hbm>>, %arg7: memref<16x250x80xi32, #tpu.memory_space<hbm>>, %arg8: memref<16x250x80xi32, #tpu.memory_space<hbm>>, %arg9: memref<16x250x80xi32, #tpu.memory_space<hbm>>, %arg10: memref<10240x64xf32, #tpu.memory_space<hbm>>, %arg11: memref<10240x64xf32, #tpu.memory_space<hbm>>, %arg12: memref<10240x64xf32, #tpu.memory_space<hbm>>, %arg13: memref<10240x64xf32, #tpu.memory_space<hbm>>, %arg14: memref<250x80xi32, #tpu.memory_space<vmem>>, %arg15: memref<250x80xi32, #tpu.memory_space<vmem>>, %arg16: memref<80x64xf32, #tpu.memory_space<vmem>>, %arg17: memref<80x64xf32, #tpu.memory_space<vmem>>, %arg18: memref<80x64xf32, #tpu.memory_space<vmem>>, %arg19: memref<80x64xf32, #tpu.memory_space<vmem>>, %arg20: memref<80x64xf32, #tpu.memory_space<vmem>>, %arg21: memref<128x64xf32, #tpu.memory_space<vmem>>, %arg22: memref<10240x64xf32, #tpu.memory_space<vmem_shared>>, %arg23: memref<!tpu.dma_semaphore, #tpu.memory_space<semaphore_mem>>, %arg24: memref<!tpu.dma_semaphore, #tpu.memory_space<semaphore_mem>>, %arg25: memref<!tpu.dma_semaphore, #tpu.memory_space<semaphore_mem>>, %arg26: memref<!tpu.dma_semaphore, #tpu.memory_space<semaphore_mem>>, %arg27: memref<!tpu.dma_semaphore, #tpu.memory_space<semaphore_mem>>) attributes {dimension_semantics = [#tpu.dimension_semantics<core_parallel>, #tpu.dimension_semantics<subcore_parallel>], iteration_bounds = array<i64: 2, 16>, scalar_prefetch = 0 : i64, scratch_operands = 14 : i64, tpu.core_type = #tpu.core_type<sc_vector_subcore>, window_params = [{transform_indices = #map}, {transform_indices = #map}, {transform_indices = #map}, {transform_indices = #map}, {transform_indices = #map1}, {transform_indices = #map1}, {transform_indices = #map1}, {transform_indices = #map1}, {transform_indices = #map}, {transform_indices = #map}, {transform_indices = #map}, {transform_indices = #map}]} {
    %broadcast_in_dim3A = arith.constant 0.000000e+00 : f32
    %broadcast_in_dim3A_0 = vector.broadcast %broadcast_in_dim3A : f32 to vector<16xf32>
    %scan3A = arith.constant 0 : i32
    %scan3A_1 = arith.constant 128 : i32
    %scan3A_2 = arith.addi %scan3A, %scan3A_1 : i32
    %scan3A_3 = arith.constant 1 : i32
    scf.for %scan3A_183 = %scan3A to %scan3A_2 step %scan3A_3  : i32 {
      %mul3A_184 = arith.constant 1 : i32
      %mul3A_185 = arith.muli %scan3A_183, %mul3A_184 : i32
      %add3A_186 = arith.constant 0 : i32
      %add3A_187 = arith.addi %add3A_186, %mul3A_185 : i32
      %swap3A = arith.index_cast %add3A_187 : i32 to index
      %swap3A_188 = arith.constant 0 : index
      %swap3A_189 = tpu.vector_load %arg21[%swap3A, %swap3A_188] {strides = array<i32>} : memref<128x64xf32, #tpu.memory_space<vmem>>, vector<1x16xf32>,
      %swap3A_190 = vector.shape_cast %swap3A_189 : vector<1x16xf32> to vector<16xf32>
      %swap3A_191 = vector.shape_cast %broadcast_in_dim3A_0 : vector<16xf32> to vector<1x16xf32>
      tpu.vector_store %arg21[%swap3A, %swap3A_188], %swap3A_191 {strides = array<i32>} : memref<128x64xf32, #tpu.memory_space<vmem>>, vector<1x16xf32>,
      %swap3A_192 = arith.index_cast %add3A_187 : i32 to index
      %swap3A_193 = arith.constant 16 : index
      %swap3A_194 = tpu.vector_load %arg21[%swap3A_192, %swap3A_193] {strides = array<i32>} : memref<128x64xf32, #tpu.memory_space<vmem>>, vector<1x16xf32>,
      %swap3A_195 = vector.shape_cast %swap3A_194 : vector<1x16xf32> to vector<16xf32>
      %swap3A_196 = vector.shape_cast %broadcast_in_dim3A_0 : vector<16xf32> to vector<1x16xf32>
      tpu.vector_store %arg21[%swap3A_192, %swap3A_193], %swap3A_196 {strides = array<i32>} : memref<128x64xf32, #tpu.memory_space<vmem>>, vector<1x16xf32>,
      %swap3A_197 = arith.index_cast %add3A_187 : i32 to index
      %swap3A_198 = arith.constant 32 : index
      %swap3A_199 = tpu.vector_load %arg21[%swap3A_197, %swap3A_198] {strides = array<i32>} : memref<128x64xf32, #tpu.memory_space<vmem>>, vector<1x16xf32>,
      %swap3A_200 = vector.shape_cast %swap3A_199 : vector<1x16xf32> to vector<16xf32>
      %swap3A_201 = vector.shape_cast %broadcast_in_dim3A_0 : vector<16xf32> to vector<1x16xf32>
      tpu.vector_store %arg21[%swap3A_197, %swap3A_198], %swap3A_201 {strides = array<i32>} : memref<128x64xf32, #tpu.memory_space<vmem>>, vector<1x16xf32>,
      %swap3A_202 = arith.index_cast %add3A_187 : i32 to index
      %swap3A_203 = arith.constant 48 : index
      %swap3A_204 = tpu.vector_load %arg21[%swap3A_202, %swap3A_203] {strides = array<i32>} : memref<128x64xf32, #tpu.memory_space<vmem>>, vector<1x16xf32>,
      %swap3A_205 = vector.shape_cast %swap3A_204 : vector<1x16xf32> to vector<16xf32>
      %swap3A_206 = vector.shape_cast %broadcast_in_dim3A_0 : vector<16xf32> to vector<1x16xf32>
      tpu.vector_store %arg21[%swap3A_202, %swap3A_203], %swap3A_206 {strides = array<i32>} : memref<128x64xf32, #tpu.memory_space<vmem>>, vector<1x16xf32>,
    }
    %scan3A_4 = arith.constant 128 : i32
    %eq3A = arith.constant 0 : i32
    %eq3A_5 = arith.cmpi eq, %arg0, %eq3A : i32
    %convert_element_type3A = arith.extui %eq3A_5 : i1 to i32
    %cond3A = arith.constant 0 : i32
    %cond3A_6 = arith.cmpi ne, %convert_element_type3A, %cond3A : i32
    scf.if %cond3A_6 {
      "tpu.region"() ({
        %run_scoped3A = tpu.sem_alloc : memref<!tpu.dma_semaphore, #tpu.memory_space<semaphore_mem>>
        %dma_start3A = arith.constant 0 : i32
        %dma_start3A_183 = arith.constant 0 : i32
        %dma_start3A_184 = tpu.memref_slice %arg6[%arg1, %dma_start3A, %dma_start3A_183] : memref<16x250x80xi32, #tpu.memory_space<hbm>> -> memref<1x250x80xi32, #tpu.memory_space<hbm>>
        %dma_start3A_185 = tpu.memref_squeeze %dma_start3A_184 : memref<1x250x80xi32, #tpu.memory_space<hbm>> -> memref<250x80xi32, #tpu.memory_space<hbm>>
        %dma_start3A_186 = arith.constant 0 : i32
        %dma_start3A_187 = arith.constant 0 : i32
        %dma_start3A_188 = tpu.memref_slice %arg6[%arg1, %dma_start3A_186, %dma_start3A_187] : memref<16x250x80xi32, #tpu.memory_space<hbm>> -> memref<1x250x80xi32, #tpu.memory_space<hbm>>
        %dma_start3A_189 = tpu.memref_squeeze %dma_start3A_188 : memref<1x250x80xi32, #tpu.memory_space<hbm>> -> memref<250x80xi32, #tpu.memory_space<hbm>>
        tpu.enqueue_dma source(%dma_start3A_189 : memref<250x80xi32, #tpu.memory_space<hbm>>) target(%arg14 : memref<250x80xi32, #tpu.memory_space<vmem>>) target_semaphore(%run_scoped3A : memref<!tpu.dma_semaphore, #tpu.memory_space<semaphore_mem>>)
        %dma_wait3A = arith.constant 0 : i32
        %dma_wait3A_190 = arith.constant 0 : i32
        %dma_wait3A_191 = tpu.memref_slice %arg6[%arg1, %dma_wait3A, %dma_wait3A_190] : memref<16x250x80xi32, #tpu.memory_space<hbm>> -> memref<1x250x80xi32, #tpu.memory_space<hbm>>
        %dma_wait3A_192 = tpu.memref_squeeze %dma_wait3A_191 : memref<1x250x80xi32, #tpu.memory_space<hbm>> -> memref<250x80xi32, #tpu.memory_space<hbm>>
        %dma_wait3A_193 = arith.constant 0 : i32
        %dma_wait3A_194 = arith.constant 0 : i32
        %dma_wait3A_195 = tpu.memref_slice %arg6[%arg1, %dma_wait3A_193, %dma_wait3A_194] : memref<16x250x80xi32, #tpu.memory_space<hbm>> -> memref<1x250x80xi32, #tpu.memory_space<hbm>>
        %dma_wait3A_196 = tpu.memref_squeeze %dma_wait3A_195 : memref<1x250x80xi32, #tpu.memory_space<hbm>> -> memref<250x80xi32, #tpu.memory_space<hbm>>
        tpu.wait_dma2 semaphore(%run_scoped3A : memref<!tpu.dma_semaphore, #tpu.memory_space<semaphore_mem>>) src(%dma_wait3A_196 : memref<250x80xi32, #tpu.memory_space<hbm>>) dst(%arg14 : memref<250x80xi32, #tpu.memory_space<vmem>>)
        tpu.yield
      }) : () -> ()
      "tpu.region"() ({
        %run_scoped3A = tpu.sem_alloc : memref<!tpu.dma_semaphore, #tpu.memory_space<semaphore_mem>>
        %dma_start3A = arith.constant 0 : i32
        %dma_start3A_183 = arith.constant 0 : i32
        %dma_start3A_184 = tpu.memref_slice %arg7[%arg1, %dma_start3A, %dma_start3A_183] : memref<16x250x80xi32, #tpu.memory_space<hbm>> -> memref<1x250x80xi32, #tpu.memory_space<hbm>>
        %dma_start3A_185 = tpu.memref_squeeze %dma_start3A_184 : memref<1x250x80xi32, #tpu.memory_space<hbm>> -> memref<250x80xi32, #tpu.memory_space<hbm>>
        %dma_start3A_186 = arith.constant 0 : i32
        %dma_start3A_187 = arith.constant 0 : i32
        %dma_start3A_188 = tpu.memref_slice %arg7[%arg1, %dma_start3A_186, %dma_start3A_187] : memref<16x250x80xi32, #tpu.memory_space<hbm>> -> memref<1x250x80xi32, #tpu.memory_space<hbm>>
        %dma_start3A_189 = tpu.memref_squeeze %dma_start3A_188 : memref<1x250x80xi32, #tpu.memory_space<hbm>> -> memref<250x80xi32, #tpu.memory_space<hbm>>
        tpu.enqueue_dma source(%dma_start3A_189 : memref<250x80xi32, #tpu.memory_space<hbm>>) target(%arg15 : memref<250x80xi32, #tpu.memory_space<vmem>>) target_semaphore(%run_scoped3A : memref<!tpu.dma_semaphore, #tpu.memory_space<semaphore_mem>>)
        %dma_wait3A = arith.constant 0 : i32
        %dma_wait3A_190 = arith.constant 0 : i32
        %dma_wait3A_191 = tpu.memref_slice %arg7[%arg1, %dma_wait3A, %dma_wait3A_190] : memref<16x250x80xi32, #tpu.memory_space<hbm>> -> memref<1x250x80xi32, #tpu.memory_space<hbm>>
        %dma_wait3A_192 = tpu.memref_squeeze %dma_wait3A_191 : memref<1x250x80xi32, #tpu.memory_space<hbm>> -> memref<250x80xi32, #tpu.memory_space<hbm>>
        %dma_wait3A_193 = arith.constant 0 : i32
        %dma_wait3A_194 = arith.constant 0 : i32
        %dma_wait3A_195 = tpu.memref_slice %arg7[%arg1, %dma_wait3A_193, %dma_wait3A_194] : memref<16x250x80xi32, #tpu.memory_space<hbm>> -> memref<1x250x80xi32, #tpu.memory_space<hbm>>
        %dma_wait3A_196 = tpu.memref_squeeze %dma_wait3A_195 : memref<1x250x80xi32, #tpu.memory_space<hbm>> -> memref<250x80xi32, #tpu.memory_space<hbm>>
        tpu.wait_dma2 semaphore(%run_scoped3A : memref<!tpu.dma_semaphore, #tpu.memory_space<semaphore_mem>>) src(%dma_wait3A_196 : memref<250x80xi32, #tpu.memory_space<hbm>>) dst(%arg15 : memref<250x80xi32, #tpu.memory_space<vmem>>)
        tpu.yield
      }) : () -> ()
    } else {
    }
    %eq3A_7 = arith.constant 1 : i32
    %eq3A_8 = arith.cmpi eq, %arg0, %eq3A_7 : i32
    %convert_element_type3A_9 = arith.extui %eq3A_8 : i1 to i32
    %cond3A_10 = arith.constant 0 : i32
    %cond3A_11 = arith.cmpi ne, %convert_element_type3A_9, %cond3A_10 : i32
    scf.if %cond3A_11 {
      "tpu.region"() ({
        %run_scoped3A = tpu.sem_alloc : memref<!tpu.dma_semaphore, #tpu.memory_space<semaphore_mem>>
        %dma_start3A = arith.constant 0 : i32
        %dma_start3A_183 = arith.constant 0 : i32
        %dma_start3A_184 = tpu.memref_slice %arg8[%arg1, %dma_start3A, %dma_start3A_183] : memref<16x250x80xi32, #tpu.memory_space<hbm>> -> memref<1x250x80xi32, #tpu.memory_space<hbm>>
        %dma_start3A_185 = tpu.memref_squeeze %dma_start3A_184 : memref<1x250x80xi32, #tpu.memory_space<hbm>> -> memref<250x80xi32, #tpu.memory_space<hbm>>
        %dma_start3A_186 = arith.constant 0 : i32
        %dma_start3A_187 = arith.constant 0 : i32
        %dma_start3A_188 = tpu.memref_slice %arg8[%arg1, %dma_start3A_186, %dma_start3A_187] : memref<16x250x80xi32, #tpu.memory_space<hbm>> -> memref<1x250x80xi32, #tpu.memory_space<hbm>>
        %dma_start3A_189 = tpu.memref_squeeze %dma_start3A_188 : memref<1x250x80xi32, #tpu.memory_space<hbm>> -> memref<250x80xi32, #tpu.memory_space<hbm>>
        tpu.enqueue_dma source(%dma_start3A_189 : memref<250x80xi32, #tpu.memory_space<hbm>>) target(%arg14 : memref<250x80xi32, #tpu.memory_space<vmem>>) target_semaphore(%run_scoped3A : memref<!tpu.dma_semaphore, #tpu.memory_space<semaphore_mem>>)
        %dma_wait3A = arith.constant 0 : i32
        %dma_wait3A_190 = arith.constant 0 : i32
        %dma_wait3A_191 = tpu.memref_slice %arg8[%arg1, %dma_wait3A, %dma_wait3A_190] : memref<16x250x80xi32, #tpu.memory_space<hbm>> -> memref<1x250x80xi32, #tpu.memory_space<hbm>>
        %dma_wait3A_192 = tpu.memref_squeeze %dma_wait3A_191 : memref<1x250x80xi32, #tpu.memory_space<hbm>> -> memref<250x80xi32, #tpu.memory_space<hbm>>
        %dma_wait3A_193 = arith.constant 0 : i32
        %dma_wait3A_194 = arith.constant 0 : i32
        %dma_wait3A_195 = tpu.memref_slice %arg8[%arg1, %dma_wait3A_193, %dma_wait3A_194] : memref<16x250x80xi32, #tpu.memory_space<hbm>> -> memref<1x250x80xi32, #tpu.memory_space<hbm>>
        %dma_wait3A_196 = tpu.memref_squeeze %dma_wait3A_195 : memref<1x250x80xi32, #tpu.memory_space<hbm>> -> memref<250x80xi32, #tpu.memory_space<hbm>>
        tpu.wait_dma2 semaphore(%run_scoped3A : memref<!tpu.dma_semaphore, #tpu.memory_space<semaphore_mem>>) src(%dma_wait3A_196 : memref<250x80xi32, #tpu.memory_space<hbm>>) dst(%arg14 : memref<250x80xi32, #tpu.memory_space<vmem>>)
        tpu.yield
      }) : () -> ()
      "tpu.region"() ({
        %run_scoped3A = tpu.sem_alloc : memref<!tpu.dma_semaphore, #tpu.memory_space<semaphore_mem>>
        %dma_start3A = arith.constant 0 : i32
        %dma_start3A_183 = arith.constant 0 : i32
        %dma_start3A_184 = tpu.memref_slice %arg9[%arg1, %dma_start3A, %dma_start3A_183] : memref<16x250x80xi32, #tpu.memory_space<hbm>> -> memref<1x250x80xi32, #tpu.memory_space<hbm>>
        %dma_start3A_185 = tpu.memref_squeeze %dma_start3A_184 : memref<1x250x80xi32, #tpu.memory_space<hbm>> -> memref<250x80xi32, #tpu.memory_space<hbm>>
        %dma_start3A_186 = arith.constant 0 : i32
        %dma_start3A_187 = arith.constant 0 : i32
        %dma_start3A_188 = tpu.memref_slice %arg9[%arg1, %dma_start3A_186, %dma_start3A_187] : memref<16x250x80xi32, #tpu.memory_space<hbm>> -> memref<1x250x80xi32, #tpu.memory_space<hbm>>
        %dma_start3A_189 = tpu.memref_squeeze %dma_start3A_188 : memref<1x250x80xi32, #tpu.memory_space<hbm>> -> memref<250x80xi32, #tpu.memory_space<hbm>>
        tpu.enqueue_dma source(%dma_start3A_189 : memref<250x80xi32, #tpu.memory_space<hbm>>) target(%arg15 : memref<250x80xi32, #tpu.memory_space<vmem>>) target_semaphore(%run_scoped3A : memref<!tpu.dma_semaphore, #tpu.memory_space<semaphore_mem>>)
        %dma_wait3A = arith.constant 0 : i32
        %dma_wait3A_190 = arith.constant 0 : i32
        %dma_wait3A_191 = tpu.memref_slice %arg9[%arg1, %dma_wait3A, %dma_wait3A_190] : memref<16x250x80xi32, #tpu.memory_space<hbm>> -> memref<1x250x80xi32, #tpu.memory_space<hbm>>
        %dma_wait3A_192 = tpu.memref_squeeze %dma_wait3A_191 : memref<1x250x80xi32, #tpu.memory_space<hbm>> -> memref<250x80xi32, #tpu.memory_space<hbm>>
        %dma_wait3A_193 = arith.constant 0 : i32
        %dma_wait3A_194 = arith.constant 0 : i32
        %dma_wait3A_195 = tpu.memref_slice %arg9[%arg1, %dma_wait3A_193, %dma_wait3A_194] : memref<16x250x80xi32, #tpu.memory_space<hbm>> -> memref<1x250x80xi32, #tpu.memory_space<hbm>>
        %dma_wait3A_196 = tpu.memref_squeeze %dma_wait3A_195 : memref<1x250x80xi32, #tpu.memory_space<hbm>> -> memref<250x80xi32, #tpu.memory_space<hbm>>
        tpu.wait_dma2 semaphore(%run_scoped3A : memref<!tpu.dma_semaphore, #tpu.memory_space<semaphore_mem>>) src(%dma_wait3A_196 : memref<250x80xi32, #tpu.memory_space<hbm>>) dst(%arg15 : memref<250x80xi32, #tpu.memory_space<vmem>>)
        tpu.yield
      }) : () -> ()
    } else {
    }
    %eq3A_12 = arith.constant 0 : i32
    %eq3A_13 = arith.cmpi eq, %arg0, %eq3A_12 : i32
    %convert_element_type3A_14 = arith.extui %eq3A_13 : i1 to i32
    %cond3A_15 = arith.constant 0 : i32
    %cond3A_16 = arith.cmpi ne, %convert_element_type3A_14, %cond3A_15 : i32
    scf.if %cond3A_16 {
      %dma_start3A = arith.constant 0 : i32
      %dma_start3A_183 = arith.constant 0 : i32
      %dma_start3A_184 = tpu.memref_slice %arg14[%dma_start3A, %dma_start3A_183] : memref<250x80xi32, #tpu.memory_space<vmem>> -> memref<1x80xi32, #tpu.memory_space<vmem>>
      %dma_start3A_185 = tpu.memref_squeeze %dma_start3A_184 : memref<1x80xi32, #tpu.memory_space<vmem>> -> memref<80xi32, #tpu.memory_space<vmem>>
      %dma_start3A_186 = arith.constant 0 : i32
      %dma_start3A_187 = arith.constant 0 : i32
      %dma_start3A_188 = tpu.memref_slice %arg2[%dma_start3A_186, %dma_start3A_187] : memref<10000x64xf32, #tpu.memory_space<hbm>> -> memref<10000x64xf32, #tpu.memory_space<hbm>>
      tpu.enqueue_indirect_dma source(%dma_start3A_188 : memref<10000x64xf32, #tpu.memory_space<hbm>>) target(%arg16 : memref<80x64xf32, #tpu.memory_space<vmem>>) offsets(%dma_start3A_185 : memref<80xi32, #tpu.memory_space<vmem>>) semaphore(%arg23 : memref<!tpu.dma_semaphore, #tpu.memory_space<semaphore_mem>>)
    } else {
    }
    %eq3A_17 = arith.constant 1 : i32
    %eq3A_18 = arith.cmpi eq, %arg0, %eq3A_17 : i32
    %convert_element_type3A_19 = arith.extui %eq3A_18 : i1 to i32
    %cond3A_20 = arith.constant 0 : i32
    %cond3A_21 = arith.cmpi ne, %convert_element_type3A_19, %cond3A_20 : i32
    scf.if %cond3A_21 {
      %dma_start3A = arith.constant 0 : i32
      %dma_start3A_183 = arith.constant 0 : i32
      %dma_start3A_184 = tpu.memref_slice %arg14[%dma_start3A, %dma_start3A_183] : memref<250x80xi32, #tpu.memory_space<vmem>> -> memref<1x80xi32, #tpu.memory_space<vmem>>
      %dma_start3A_185 = tpu.memref_squeeze %dma_start3A_184 : memref<1x80xi32, #tpu.memory_space<vmem>> -> memref<80xi32, #tpu.memory_space<vmem>>
      %dma_start3A_186 = arith.constant 0 : i32
      %dma_start3A_187 = arith.constant 0 : i32
      %dma_start3A_188 = tpu.memref_slice %arg4[%dma_start3A_186, %dma_start3A_187] : memref<10000x64xf32, #tpu.memory_space<hbm>> -> memref<10000x64xf32, #tpu.memory_space<hbm>>
      tpu.enqueue_indirect_dma source(%dma_start3A_188 : memref<10000x64xf32, #tpu.memory_space<hbm>>) target(%arg16 : memref<80x64xf32, #tpu.memory_space<vmem>>) offsets(%dma_start3A_185 : memref<80xi32, #tpu.memory_space<vmem>>) semaphore(%arg23 : memref<!tpu.dma_semaphore, #tpu.memory_space<semaphore_mem>>)
    } else {
    }
    %eq3A_22 = arith.constant 0 : i32
    %eq3A_23 = arith.cmpi eq, %arg0, %eq3A_22 : i32
    %convert_element_type3A_24 = arith.extui %eq3A_23 : i1 to i32
    %cond3A_25 = arith.constant 0 : i32
    %cond3A_26 = arith.cmpi ne, %convert_element_type3A_24, %cond3A_25 : i32
    scf.if %cond3A_26 {
      %dma_start3A = arith.constant 1 : i32
      %dma_start3A_183 = arith.constant 0 : i32
      %dma_start3A_184 = tpu.memref_slice %arg14[%dma_start3A, %dma_start3A_183] : memref<250x80xi32, #tpu.memory_space<vmem>> -> memref<1x80xi32, #tpu.memory_space<vmem>>
      %dma_start3A_185 = tpu.memref_squeeze %dma_start3A_184 : memref<1x80xi32, #tpu.memory_space<vmem>> -> memref<80xi32, #tpu.memory_space<vmem>>
      %dma_start3A_186 = arith.constant 0 : i32
      %dma_start3A_187 = arith.constant 0 : i32
      %dma_start3A_188 = tpu.memref_slice %arg2[%dma_start3A_186, %dma_start3A_187] : memref<10000x64xf32, #tpu.memory_space<hbm>> -> memref<10000x64xf32, #tpu.memory_space<hbm>>
      tpu.enqueue_indirect_dma source(%dma_start3A_188 : memref<10000x64xf32, #tpu.memory_space<hbm>>) target(%arg17 : memref<80x64xf32, #tpu.memory_space<vmem>>) offsets(%dma_start3A_185 : memref<80xi32, #tpu.memory_space<vmem>>) semaphore(%arg24 : memref<!tpu.dma_semaphore, #tpu.memory_space<semaphore_mem>>)
    } else {
    }
    %eq3A_27 = arith.constant 1 : i32
    %eq3A_28 = arith.cmpi eq, %arg0, %eq3A_27 : i32
    %convert_element_type3A_29 = arith.extui %eq3A_28 : i1 to i32
    %cond3A_30 = arith.constant 0 : i32
    %cond3A_31 = arith.cmpi ne, %convert_element_type3A_29, %cond3A_30 : i32
    scf.if %cond3A_31 {
      %dma_start3A = arith.constant 1 : i32
      %dma_start3A_183 = arith.constant 0 : i32
      %dma_start3A_184 = tpu.memref_slice %arg14[%dma_start3A, %dma_start3A_183] : memref<250x80xi32, #tpu.memory_space<vmem>> -> memref<1x80xi32, #tpu.memory_space<vmem>>
      %dma_start3A_185 = tpu.memref_squeeze %dma_start3A_184 : memref<1x80xi32, #tpu.memory_space<vmem>> -> memref<80xi32, #tpu.memory_space<vmem>>
      %dma_start3A_186 = arith.constant 0 : i32
      %dma_start3A_187 = arith.constant 0 : i32
      %dma_start3A_188 = tpu.memref_slice %arg4[%dma_start3A_186, %dma_start3A_187] : memref<10000x64xf32, #tpu.memory_space<hbm>> -> memref<10000x64xf32, #tpu.memory_space<hbm>>
      tpu.enqueue_indirect_dma source(%dma_start3A_188 : memref<10000x64xf32, #tpu.memory_space<hbm>>) target(%arg17 : memref<80x64xf32, #tpu.memory_space<vmem>>) offsets(%dma_start3A_185 : memref<80xi32, #tpu.memory_space<vmem>>) semaphore(%arg24 : memref<!tpu.dma_semaphore, #tpu.memory_space<semaphore_mem>>)
    } else {
    }
    %eq3A_32 = arith.constant 0 : i32
    %eq3A_33 = arith.cmpi eq, %arg0, %eq3A_32 : i32
    %convert_element_type3A_34 = arith.extui %eq3A_33 : i1 to i32
    %cond3A_35 = arith.constant 0 : i32
    %cond3A_36 = arith.cmpi ne, %convert_element_type3A_34, %cond3A_35 : i32
    scf.if %cond3A_36 {
      %dma_start3A = arith.constant 2 : i32
      %dma_start3A_183 = arith.constant 0 : i32
      %dma_start3A_184 = tpu.memref_slice %arg14[%dma_start3A, %dma_start3A_183] : memref<250x80xi32, #tpu.memory_space<vmem>> -> memref<1x80xi32, #tpu.memory_space<vmem>>
      %dma_start3A_185 = tpu.memref_squeeze %dma_start3A_184 : memref<1x80xi32, #tpu.memory_space<vmem>> -> memref<80xi32, #tpu.memory_space<vmem>>
      %dma_start3A_186 = arith.constant 0 : i32
      %dma_start3A_187 = arith.constant 0 : i32
      %dma_start3A_188 = tpu.memref_slice %arg2[%dma_start3A_186, %dma_start3A_187] : memref<10000x64xf32, #tpu.memory_space<hbm>> -> memref<10000x64xf32, #tpu.memory_space<hbm>>
      tpu.enqueue_indirect_dma source(%dma_start3A_188 : memref<10000x64xf32, #tpu.memory_space<hbm>>) target(%arg18 : memref<80x64xf32, #tpu.memory_space<vmem>>) offsets(%dma_start3A_185 : memref<80xi32, #tpu.memory_space<vmem>>) semaphore(%arg25 : memref<!tpu.dma_semaphore, #tpu.memory_space<semaphore_mem>>)
    } else {
    }
    %eq3A_37 = arith.constant 1 : i32
    %eq3A_38 = arith.cmpi eq, %arg0, %eq3A_37 : i32
    %convert_element_type3A_39 = arith.extui %eq3A_38 : i1 to i32
    %cond3A_40 = arith.constant 0 : i32
    %cond3A_41 = arith.cmpi ne, %convert_element_type3A_39, %cond3A_40 : i32
    scf.if %cond3A_41 {
      %dma_start3A = arith.constant 2 : i32
      %dma_start3A_183 = arith.constant 0 : i32
      %dma_start3A_184 = tpu.memref_slice %arg14[%dma_start3A, %dma_start3A_183] : memref<250x80xi32, #tpu.memory_space<vmem>> -> memref<1x80xi32, #tpu.memory_space<vmem>>
      %dma_start3A_185 = tpu.memref_squeeze %dma_start3A_184 : memref<1x80xi32, #tpu.memory_space<vmem>> -> memref<80xi32, #tpu.memory_space<vmem>>
      %dma_start3A_186 = arith.constant 0 : i32
      %dma_start3A_187 = arith.constant 0 : i32
      %dma_start3A_188 = tpu.memref_slice %arg4[%dma_start3A_186, %dma_start3A_187] : memref<10000x64xf32, #tpu.memory_space<hbm>> -> memref<10000x64xf32, #tpu.memory_space<hbm>>
      tpu.enqueue_indirect_dma source(%dma_start3A_188 : memref<10000x64xf32, #tpu.memory_space<hbm>>) target(%arg18 : memref<80x64xf32, #tpu.memory_space<vmem>>) offsets(%dma_start3A_185 : memref<80xi32, #tpu.memory_space<vmem>>) semaphore(%arg25 : memref<!tpu.dma_semaphore, #tpu.memory_space<semaphore_mem>>)
    } else {
    }
    %eq3A_42 = arith.constant 0 : i32
    %eq3A_43 = arith.cmpi eq, %arg0, %eq3A_42 : i32
    %convert_element_type3A_44 = arith.extui %eq3A_43 : i1 to i32
    %cond3A_45 = arith.constant 0 : i32
    %cond3A_46 = arith.cmpi ne, %convert_element_type3A_44, %cond3A_45 : i32
    scf.if %cond3A_46 {
      %dma_start3A = arith.constant 3 : i32
      %dma_start3A_183 = arith.constant 0 : i32
      %dma_start3A_184 = tpu.memref_slice %arg14[%dma_start3A, %dma_start3A_183] : memref<250x80xi32, #tpu.memory_space<vmem>> -> memref<1x80xi32, #tpu.memory_space<vmem>>
      %dma_start3A_185 = tpu.memref_squeeze %dma_start3A_184 : memref<1x80xi32, #tpu.memory_space<vmem>> -> memref<80xi32, #tpu.memory_space<vmem>>
      %dma_start3A_186 = arith.constant 0 : i32
      %dma_start3A_187 = arith.constant 0 : i32
      %dma_start3A_188 = tpu.memref_slice %arg2[%dma_start3A_186, %dma_start3A_187] : memref<10000x64xf32, #tpu.memory_space<hbm>> -> memref<10000x64xf32, #tpu.memory_space<hbm>>
      tpu.enqueue_indirect_dma source(%dma_start3A_188 : memref<10000x64xf32, #tpu.memory_space<hbm>>) target(%arg19 : memref<80x64xf32, #tpu.memory_space<vmem>>) offsets(%dma_start3A_185 : memref<80xi32, #tpu.memory_space<vmem>>) semaphore(%arg26 : memref<!tpu.dma_semaphore, #tpu.memory_space<semaphore_mem>>)
    } else {
    }
    %eq3A_47 = arith.constant 1 : i32
    %eq3A_48 = arith.cmpi eq, %arg0, %eq3A_47 : i32
    %convert_element_type3A_49 = arith.extui %eq3A_48 : i1 to i32
    %cond3A_50 = arith.constant 0 : i32
    %cond3A_51 = arith.cmpi ne, %convert_element_type3A_49, %cond3A_50 : i32
    scf.if %cond3A_51 {
      %dma_start3A = arith.constant 3 : i32
      %dma_start3A_183 = arith.constant 0 : i32
      %dma_start3A_184 = tpu.memref_slice %arg14[%dma_start3A, %dma_start3A_183] : memref<250x80xi32, #tpu.memory_space<vmem>> -> memref<1x80xi32, #tpu.memory_space<vmem>>
      %dma_start3A_185 = tpu.memref_squeeze %dma_start3A_184 : memref<1x80xi32, #tpu.memory_space<vmem>> -> memref<80xi32, #tpu.memory_space<vmem>>
      %dma_start3A_186 = arith.constant 0 : i32
      %dma_start3A_187 = arith.constant 0 : i32
      %dma_start3A_188 = tpu.memref_slice %arg4[%dma_start3A_186, %dma_start3A_187] : memref<10000x64xf32, #tpu.memory_space<hbm>> -> memref<10000x64xf32, #tpu.memory_space<hbm>>
      tpu.enqueue_indirect_dma source(%dma_start3A_188 : memref<10000x64xf32, #tpu.memory_space<hbm>>) target(%arg19 : memref<80x64xf32, #tpu.memory_space<vmem>>) offsets(%dma_start3A_185 : memref<80xi32, #tpu.memory_space<vmem>>) semaphore(%arg26 : memref<!tpu.dma_semaphore, #tpu.memory_space<semaphore_mem>>)
    } else {
    }
    %eq3A_52 = arith.constant 0 : i32
    %eq3A_53 = arith.cmpi eq, %arg0, %eq3A_52 : i32
    %convert_element_type3A_54 = arith.extui %eq3A_53 : i1 to i32
    %cond3A_55 = arith.constant 0 : i32
    %cond3A_56 = arith.cmpi ne, %convert_element_type3A_54, %cond3A_55 : i32
    scf.if %cond3A_56 {
      %dma_start3A = arith.constant 4 : i32
      %dma_start3A_183 = arith.constant 0 : i32
      %dma_start3A_184 = tpu.memref_slice %arg14[%dma_start3A, %dma_start3A_183] : memref<250x80xi32, #tpu.memory_space<vmem>> -> memref<1x80xi32, #tpu.memory_space<vmem>>
      %dma_start3A_185 = tpu.memref_squeeze %dma_start3A_184 : memref<1x80xi32, #tpu.memory_space<vmem>> -> memref<80xi32, #tpu.memory_space<vmem>>
      %dma_start3A_186 = arith.constant 0 : i32
      %dma_start3A_187 = arith.constant 0 : i32
      %dma_start3A_188 = tpu.memref_slice %arg2[%dma_start3A_186, %dma_start3A_187] : memref<10000x64xf32, #tpu.memory_space<hbm>> -> memref<10000x64xf32, #tpu.memory_space<hbm>>
      tpu.enqueue_indirect_dma source(%dma_start3A_188 : memref<10000x64xf32, #tpu.memory_space<hbm>>) target(%arg20 : memref<80x64xf32, #tpu.memory_space<vmem>>) offsets(%dma_start3A_185 : memref<80xi32, #tpu.memory_space<vmem>>) semaphore(%arg27 : memref<!tpu.dma_semaphore, #tpu.memory_space<semaphore_mem>>)
    } else {
    }
    %eq3A_57 = arith.constant 1 : i32
    %eq3A_58 = arith.cmpi eq, %arg0, %eq3A_57 : i32
    %convert_element_type3A_59 = arith.extui %eq3A_58 : i1 to i32
    %cond3A_60 = arith.constant 0 : i32
    %cond3A_61 = arith.cmpi ne, %convert_element_type3A_59, %cond3A_60 : i32
    scf.if %cond3A_61 {
      %dma_start3A = arith.constant 4 : i32
      %dma_start3A_183 = arith.constant 0 : i32
      %dma_start3A_184 = tpu.memref_slice %arg14[%dma_start3A, %dma_start3A_183] : memref<250x80xi32, #tpu.memory_space<vmem>> -> memref<1x80xi32, #tpu.memory_space<vmem>>
      %dma_start3A_185 = tpu.memref_squeeze %dma_start3A_184 : memref<1x80xi32, #tpu.memory_space<vmem>> -> memref<80xi32, #tpu.memory_space<vmem>>
      %dma_start3A_186 = arith.constant 0 : i32
      %dma_start3A_187 = arith.constant 0 : i32
      %dma_start3A_188 = tpu.memref_slice %arg4[%dma_start3A_186, %dma_start3A_187] : memref<10000x64xf32, #tpu.memory_space<hbm>> -> memref<10000x64xf32, #tpu.memory_space<hbm>>
      tpu.enqueue_indirect_dma source(%dma_start3A_188 : memref<10000x64xf32, #tpu.memory_space<hbm>>) target(%arg20 : memref<80x64xf32, #tpu.memory_space<vmem>>) offsets(%dma_start3A_185 : memref<80xi32, #tpu.memory_space<vmem>>) semaphore(%arg27 : memref<!tpu.dma_semaphore, #tpu.memory_space<semaphore_mem>>)
    } else {
    }
    %mul3A = arith.constant 640 : i32
    %mul3A_62 = arith.muli %arg1, %mul3A : i32
    %add3A = arith.constant 0 : i32
    %add3A_63 = arith.addi %mul3A_62, %add3A : i32
    "tpu.region"() ({
      %run_scoped3A = tpu.sem_alloc : memref<!tpu.dma_semaphore, #tpu.memory_space<semaphore_mem>>
      %dma_start3A = arith.constant 0 : i32
      %dma_start3A_183 = tpu.memref_slice %arg22[%add3A_63, %dma_start3A] : memref<10240x64xf32, #tpu.memory_space<vmem_shared>> -> memref<128x64xf32, #tpu.memory_space<vmem_shared>>
      %dma_start3A_184 = arith.constant 0 : i32
      %dma_start3A_185 = tpu.memref_slice %arg22[%add3A_63, %dma_start3A_184] : memref<10240x64xf32, #tpu.memory_space<vmem_shared>> -> memref<128x64xf32, #tpu.memory_space<vmem_shared>>
      tpu.enqueue_dma source(%arg21 : memref<128x64xf32, #tpu.memory_space<vmem>>) target(%dma_start3A_185 : memref<128x64xf32, #tpu.memory_space<vmem_shared>>) target_semaphore(%run_scoped3A : memref<!tpu.dma_semaphore, #tpu.memory_space<semaphore_mem>>)
      %dma_wait3A = arith.constant 0 : i32
      %dma_wait3A_186 = tpu.memref_slice %arg22[%add3A_63, %dma_wait3A] : memref<10240x64xf32, #tpu.memory_space<vmem_shared>> -> memref<128x64xf32, #tpu.memory_space<vmem_shared>>
      %dma_wait3A_187 = arith.constant 0 : i32
      %dma_wait3A_188 = tpu.memref_slice %arg22[%add3A_63, %dma_wait3A_187] : memref<10240x64xf32, #tpu.memory_space<vmem_shared>> -> memref<128x64xf32, #tpu.memory_space<vmem_shared>>
      tpu.wait_dma2 semaphore(%run_scoped3A : memref<!tpu.dma_semaphore, #tpu.memory_space<semaphore_mem>>) src(%arg21 : memref<128x64xf32, #tpu.memory_space<vmem>>) dst(%dma_wait3A_188 : memref<128x64xf32, #tpu.memory_space<vmem_shared>>)
      tpu.yield
    }) : () -> ()
    %mul3A_64 = arith.constant 640 : i32
    %mul3A_65 = arith.muli %arg1, %mul3A_64 : i32
    %add3A_66 = arith.constant 128 : i32
    %add3A_67 = arith.addi %mul3A_65, %add3A_66 : i32
    "tpu.region"() ({
      %run_scoped3A = tpu.sem_alloc : memref<!tpu.dma_semaphore, #tpu.memory_space<semaphore_mem>>
      %dma_start3A = arith.constant 0 : i32
      %dma_start3A_183 = tpu.memref_slice %arg22[%add3A_67, %dma_start3A] : memref<10240x64xf32, #tpu.memory_space<vmem_shared>> -> memref<128x64xf32, #tpu.memory_space<vmem_shared>>
      %dma_start3A_184 = arith.constant 0 : i32
      %dma_start3A_185 = tpu.memref_slice %arg22[%add3A_67, %dma_start3A_184] : memref<10240x64xf32, #tpu.memory_space<vmem_shared>> -> memref<128x64xf32, #tpu.memory_space<vmem_shared>>
      tpu.enqueue_dma source(%arg21 : memref<128x64xf32, #tpu.memory_space<vmem>>) target(%dma_start3A_185 : memref<128x64xf32, #tpu.memory_space<vmem_shared>>) target_semaphore(%run_scoped3A : memref<!tpu.dma_semaphore, #tpu.memory_space<semaphore_mem>>)
      %dma_wait3A = arith.constant 0 : i32
      %dma_wait3A_186 = tpu.memref_slice %arg22[%add3A_67, %dma_wait3A] : memref<10240x64xf32, #tpu.memory_space<vmem_shared>> -> memref<128x64xf32, #tpu.memory_space<vmem_shared>>
      %dma_wait3A_187 = arith.constant 0 : i32
      %dma_wait3A_188 = tpu.memref_slice %arg22[%add3A_67, %dma_wait3A_187] : memref<10240x64xf32, #tpu.memory_space<vmem_shared>> -> memref<128x64xf32, #tpu.memory_space<vmem_shared>>
      tpu.wait_dma2 semaphore(%run_scoped3A : memref<!tpu.dma_semaphore, #tpu.memory_space<semaphore_mem>>) src(%arg21 : memref<128x64xf32, #tpu.memory_space<vmem>>) dst(%dma_wait3A_188 : memref<128x64xf32, #tpu.memory_space<vmem_shared>>)
      tpu.yield
    }) : () -> ()
    %mul3A_68 = arith.constant 640 : i32
    %mul3A_69 = arith.muli %arg1, %mul3A_68 : i32
    %add3A_70 = arith.constant 256 : i32
    %add3A_71 = arith.addi %mul3A_69, %add3A_70 : i32
    "tpu.region"() ({
      %run_scoped3A = tpu.sem_alloc : memref<!tpu.dma_semaphore, #tpu.memory_space<semaphore_mem>>
      %dma_start3A = arith.constant 0 : i32
      %dma_start3A_183 = tpu.memref_slice %arg22[%add3A_71, %dma_start3A] : memref<10240x64xf32, #tpu.memory_space<vmem_shared>> -> memref<128x64xf32, #tpu.memory_space<vmem_shared>>
      %dma_start3A_184 = arith.constant 0 : i32
      %dma_start3A_185 = tpu.memref_slice %arg22[%add3A_71, %dma_start3A_184] : memref<10240x64xf32, #tpu.memory_space<vmem_shared>> -> memref<128x64xf32, #tpu.memory_space<vmem_shared>>
      tpu.enqueue_dma source(%arg21 : memref<128x64xf32, #tpu.memory_space<vmem>>) target(%dma_start3A_185 : memref<128x64xf32, #tpu.memory_space<vmem_shared>>) target_semaphore(%run_scoped3A : memref<!tpu.dma_semaphore, #tpu.memory_space<semaphore_mem>>)
      %dma_wait3A = arith.constant 0 : i32
      %dma_wait3A_186 = tpu.memref_slice %arg22[%add3A_71, %dma_wait3A] : memref<10240x64xf32, #tpu.memory_space<vmem_shared>> -> memref<128x64xf32, #tpu.memory_space<vmem_shared>>
      %dma_wait3A_187 = arith.constant 0 : i32
      %dma_wait3A_188 = tpu.memref_slice %arg22[%add3A_71, %dma_wait3A_187] : memref<10240x64xf32, #tpu.memory_space<vmem_shared>> -> memref<128x64xf32, #tpu.memory_space<vmem_shared>>
      tpu.wait_dma2 semaphore(%run_scoped3A : memref<!tpu.dma_semaphore, #tpu.memory_space<semaphore_mem>>) src(%arg21 : memref<128x64xf32, #tpu.memory_space<vmem>>) dst(%dma_wait3A_188 : memref<128x64xf32, #tpu.memory_space<vmem_shared>>)
      tpu.yield
    }) : () -> ()
    %mul3A_72 = arith.constant 640 : i32
    %mul3A_73 = arith.muli %arg1, %mul3A_72 : i32
    %add3A_74 = arith.constant 384 : i32
    %add3A_75 = arith.addi %mul3A_73, %add3A_74 : i32
    "tpu.region"() ({
      %run_scoped3A = tpu.sem_alloc : memref<!tpu.dma_semaphore, #tpu.memory_space<semaphore_mem>>
      %dma_start3A = arith.constant 0 : i32
      %dma_start3A_183 = tpu.memref_slice %arg22[%add3A_75, %dma_start3A] : memref<10240x64xf32, #tpu.memory_space<vmem_shared>> -> memref<128x64xf32, #tpu.memory_space<vmem_shared>>
      %dma_start3A_184 = arith.constant 0 : i32
      %dma_start3A_185 = tpu.memref_slice %arg22[%add3A_75, %dma_start3A_184] : memref<10240x64xf32, #tpu.memory_space<vmem_shared>> -> memref<128x64xf32, #tpu.memory_space<vmem_shared>>
      tpu.enqueue_dma source(%arg21 : memref<128x64xf32, #tpu.memory_space<vmem>>) target(%dma_start3A_185 : memref<128x64xf32, #tpu.memory_space<vmem_shared>>) target_semaphore(%run_scoped3A : memref<!tpu.dma_semaphore, #tpu.memory_space<semaphore_mem>>)
      %dma_wait3A = arith.constant 0 : i32
      %dma_wait3A_186 = tpu.memref_slice %arg22[%add3A_75, %dma_wait3A] : memref<10240x64xf32, #tpu.memory_space<vmem_shared>> -> memref<128x64xf32, #tpu.memory_space<vmem_shared>>
      %dma_wait3A_187 = arith.constant 0 : i32
      %dma_wait3A_188 = tpu.memref_slice %arg22[%add3A_75, %dma_wait3A_187] : memref<10240x64xf32, #tpu.memory_space<vmem_shared>> -> memref<128x64xf32, #tpu.memory_space<vmem_shared>>
      tpu.wait_dma2 semaphore(%run_scoped3A : memref<!tpu.dma_semaphore, #tpu.memory_space<semaphore_mem>>) src(%arg21 : memref<128x64xf32, #tpu.memory_space<vmem>>) dst(%dma_wait3A_188 : memref<128x64xf32, #tpu.memory_space<vmem_shared>>)
      tpu.yield
    }) : () -> ()
    %mul3A_76 = arith.constant 640 : i32
    %mul3A_77 = arith.muli %arg1, %mul3A_76 : i32
    %add3A_78 = arith.constant 512 : i32
    %add3A_79 = arith.addi %mul3A_77, %add3A_78 : i32
    "tpu.region"() ({
      %run_scoped3A = tpu.sem_alloc : memref<!tpu.dma_semaphore, #tpu.memory_space<semaphore_mem>>
      %dma_start3A = arith.constant 0 : i32
      %dma_start3A_183 = tpu.memref_slice %arg22[%add3A_79, %dma_start3A] : memref<10240x64xf32, #tpu.memory_space<vmem_shared>> -> memref<128x64xf32, #tpu.memory_space<vmem_shared>>
      %dma_start3A_184 = arith.constant 0 : i32
      %dma_start3A_185 = tpu.memref_slice %arg22[%add3A_79, %dma_start3A_184] : memref<10240x64xf32, #tpu.memory_space<vmem_shared>> -> memref<128x64xf32, #tpu.memory_space<vmem_shared>>
      tpu.enqueue_dma source(%arg21 : memref<128x64xf32, #tpu.memory_space<vmem>>) target(%dma_start3A_185 : memref<128x64xf32, #tpu.memory_space<vmem_shared>>) target_semaphore(%run_scoped3A : memref<!tpu.dma_semaphore, #tpu.memory_space<semaphore_mem>>)
      %dma_wait3A = arith.constant 0 : i32
      %dma_wait3A_186 = tpu.memref_slice %arg22[%add3A_79, %dma_wait3A] : memref<10240x64xf32, #tpu.memory_space<vmem_shared>> -> memref<128x64xf32, #tpu.memory_space<vmem_shared>>
      %dma_wait3A_187 = arith.constant 0 : i32
      %dma_wait3A_188 = tpu.memref_slice %arg22[%add3A_79, %dma_wait3A_187] : memref<10240x64xf32, #tpu.memory_space<vmem_shared>> -> memref<128x64xf32, #tpu.memory_space<vmem_shared>>
      tpu.wait_dma2 semaphore(%run_scoped3A : memref<!tpu.dma_semaphore, #tpu.memory_space<semaphore_mem>>) src(%arg21 : memref<128x64xf32, #tpu.memory_space<vmem>>) dst(%dma_wait3A_188 : memref<128x64xf32, #tpu.memory_space<vmem_shared>>)
      tpu.yield
    }) : () -> ()
    %barrier3A = arith.constant 0 : index
    tpu.barrier barrier_id(%barrier3A)
    %scan3A_80 = arith.constant 0 : i32
    %scan3A_81 = arith.constant 50 : i32
    %scan3A_82 = arith.addi %scan3A_80, %scan3A_81 : i32
    %scan3A_83 = arith.constant 1 : i32
    scf.for %scan3A_183 = %scan3A_80 to %scan3A_82 step %scan3A_83  : i32 {
      %mul3A_184 = arith.constant 5 : i32
      %mul3A_185 = arith.muli %scan3A_183, %mul3A_184 : i32
      %add3A_186 = arith.constant 0 : i32
      %add3A_187 = arith.addi %add3A_186, %mul3A_185 : i32
      %add3A_188 = arith.constant 0 : i32
      %add3A_189 = arith.addi %add3A_187, %add3A_188 : i32
      %dma_wait3A = arith.constant 0 : i32
      %dma_wait3A_190 = tpu.memref_slice %arg14[%add3A_189, %dma_wait3A] : memref<250x80xi32, #tpu.memory_space<vmem>> -> memref<1x80xi32, #tpu.memory_space<vmem>>
      %dma_wait3A_191 = tpu.memref_squeeze %dma_wait3A_190 : memref<1x80xi32, #tpu.memory_space<vmem>> -> memref<80xi32, #tpu.memory_space<vmem>>
      %dma_wait3A_192 = arith.constant 0 : i32
      %dma_wait3A_193 = arith.constant 0 : i32
      %dma_wait3A_194 = tpu.memref_slice %arg2[%dma_wait3A_192, %dma_wait3A_193] : memref<10000x64xf32, #tpu.memory_space<hbm>> -> memref<10000x64xf32, #tpu.memory_space<hbm>>
      tpu.wait_indirect_dma semaphore(%arg23 : memref<!tpu.dma_semaphore, #tpu.memory_space<semaphore_mem>>) src(%dma_wait3A_194 : memref<10000x64xf32, #tpu.memory_space<hbm>>) dst(%arg16 : memref<80x64xf32, #tpu.memory_space<vmem>>)
      %add3A_195 = arith.constant 0 : i32
      %add3A_196 = arith.addi %add3A_187, %add3A_195 : i32
      "tpu.region"() ({
        %run_scoped3A = tpu.sem_alloc : memref<!tpu.dma_semaphore, #tpu.memory_space<semaphore_mem>>
        %dma_start3A = arith.constant 0 : i32
        %dma_start3A_281 = tpu.memref_slice %arg15[%add3A_196, %dma_start3A] : memref<250x80xi32, #tpu.memory_space<vmem>> -> memref<1x80xi32, #tpu.memory_space<vmem>>
        %dma_start3A_282 = tpu.memref_squeeze %dma_start3A_281 : memref<1x80xi32, #tpu.memory_space<vmem>> -> memref<80xi32, #tpu.memory_space<vmem>>
        %dma_start3A_283 = arith.constant 0 : i32
        %dma_start3A_284 = arith.constant 0 : i32
        %dma_start3A_285 = tpu.memref_slice %arg22[%dma_start3A_283, %dma_start3A_284] : memref<10240x64xf32, #tpu.memory_space<vmem_shared>> -> memref<10240x64xf32, #tpu.memory_space<vmem_shared>>
        tpu.enqueue_indirect_dma source(%arg16 : memref<80x64xf32, #tpu.memory_space<vmem>>) target(%dma_start3A_285 : memref<10240x64xf32, #tpu.memory_space<vmem_shared>>) offsets(%dma_start3A_282 : memref<80xi32, #tpu.memory_space<vmem>>) semaphore(%run_scoped3A : memref<!tpu.dma_semaphore, #tpu.memory_space<semaphore_mem>>) {add = true}
        %dma_wait3A_286 = arith.constant 0 : i32
        %dma_wait3A_287 = tpu.memref_slice %arg15[%add3A_196, %dma_wait3A_286] : memref<250x80xi32, #tpu.memory_space<vmem>> -> memref<1x80xi32, #tpu.memory_space<vmem>>
        %dma_wait3A_288 = tpu.memref_squeeze %dma_wait3A_287 : memref<1x80xi32, #tpu.memory_space<vmem>> -> memref<80xi32, #tpu.memory_space<vmem>>
        %dma_wait3A_289 = arith.constant 0 : i32
        %dma_wait3A_290 = arith.constant 0 : i32
        %dma_wait3A_291 = tpu.memref_slice %arg22[%dma_wait3A_289, %dma_wait3A_290] : memref<10240x64xf32, #tpu.memory_space<vmem_shared>> -> memref<10240x64xf32, #tpu.memory_space<vmem_shared>>
        tpu.wait_indirect_dma semaphore(%run_scoped3A : memref<!tpu.dma_semaphore, #tpu.memory_space<semaphore_mem>>) src(%arg16 : memref<80x64xf32, #tpu.memory_space<vmem>>) dst(%dma_wait3A_291 : memref<10240x64xf32, #tpu.memory_space<vmem_shared>>)
        tpu.yield
      }) : () -> ()
      %add3A_197 = arith.constant 0 : i32
      %add3A_198 = arith.addi %add3A_187, %add3A_197 : i32
      %add3A_199 = arith.constant 5 : i32
      %add3A_200 = arith.addi %add3A_198, %add3A_199 : i32
      %lt3A = arith.constant 250 : i32
      %lt3A_201 = arith.cmpi slt, %add3A_200, %lt3A : i32
      %convert_element_type3A_202 = arith.extui %lt3A_201 : i1 to i32
      %cond3A_203 = arith.constant 0 : i32
      %cond3A_204 = arith.cmpi ne, %convert_element_type3A_202, %cond3A_203 : i32
      scf.if %cond3A_204 {
        %add3A_281 = arith.constant 0 : i32
        %add3A_282 = arith.addi %add3A_187, %add3A_281 : i32
        %add3A_283 = arith.constant 5 : i32
        %add3A_284 = arith.addi %add3A_282, %add3A_283 : i32
        %eq3A_285 = arith.constant 0 : i32
        %eq3A_286 = arith.cmpi eq, %arg0, %eq3A_285 : i32
        %convert_element_type3A_287 = arith.extui %eq3A_286 : i1 to i32
        %cond3A_288 = arith.constant 0 : i32
        %cond3A_289 = arith.cmpi ne, %convert_element_type3A_287, %cond3A_288 : i32
        scf.if %cond3A_289 {
          %dma_start3A = arith.constant 0 : i32
          %dma_start3A_295 = tpu.memref_slice %arg14[%add3A_284, %dma_start3A] : memref<250x80xi32, #tpu.memory_space<vmem>> -> memref<1x80xi32, #tpu.memory_space<vmem>>
          %dma_start3A_296 = tpu.memref_squeeze %dma_start3A_295 : memref<1x80xi32, #tpu.memory_space<vmem>> -> memref<80xi32, #tpu.memory_space<vmem>>
          %dma_start3A_297 = arith.constant 0 : i32
          %dma_start3A_298 = arith.constant 0 : i32
          %dma_start3A_299 = tpu.memref_slice %arg2[%dma_start3A_297, %dma_start3A_298] : memref<10000x64xf32, #tpu.memory_space<hbm>> -> memref<10000x64xf32, #tpu.memory_space<hbm>>
          tpu.enqueue_indirect_dma source(%dma_start3A_299 : memref<10000x64xf32, #tpu.memory_space<hbm>>) target(%arg16 : memref<80x64xf32, #tpu.memory_space<vmem>>) offsets(%dma_start3A_296 : memref<80xi32, #tpu.memory_space<vmem>>) semaphore(%arg23 : memref<!tpu.dma_semaphore, #tpu.memory_space<semaphore_mem>>)
        } else {
        }
        %eq3A_290 = arith.constant 1 : i32
        %eq3A_291 = arith.cmpi eq, %arg0, %eq3A_290 : i32
        %convert_element_type3A_292 = arith.extui %eq3A_291 : i1 to i32
        %cond3A_293 = arith.constant 0 : i32
        %cond3A_294 = arith.cmpi ne, %convert_element_type3A_292, %cond3A_293 : i32
        scf.if %cond3A_294 {
          %dma_start3A = arith.constant 0 : i32
          %dma_start3A_295 = tpu.memref_slice %arg14[%add3A_284, %dma_start3A] : memref<250x80xi32, #tpu.memory_space<vmem>> -> memref<1x80xi32, #tpu.memory_space<vmem>>
          %dma_start3A_296 = tpu.memref_squeeze %dma_start3A_295 : memref<1x80xi32, #tpu.memory_space<vmem>> -> memref<80xi32, #tpu.memory_space<vmem>>
          %dma_start3A_297 = arith.constant 0 : i32
          %dma_start3A_298 = arith.constant 0 : i32
          %dma_start3A_299 = tpu.memref_slice %arg4[%dma_start3A_297, %dma_start3A_298] : memref<10000x64xf32, #tpu.memory_space<hbm>> -> memref<10000x64xf32, #tpu.memory_space<hbm>>
          tpu.enqueue_indirect_dma source(%dma_start3A_299 : memref<10000x64xf32, #tpu.memory_space<hbm>>) target(%arg16 : memref<80x64xf32, #tpu.memory_space<vmem>>) offsets(%dma_start3A_296 : memref<80xi32, #tpu.memory_space<vmem>>) semaphore(%arg23 : memref<!tpu.dma_semaphore, #tpu.memory_space<semaphore_mem>>)
        } else {
        }
      } else {
      }
      %add3A_205 = arith.constant 1 : i32
      %add3A_206 = arith.addi %add3A_187, %add3A_205 : i32
      %dma_wait3A_207 = arith.constant 0 : i32
      %dma_wait3A_208 = tpu.memref_slice %arg14[%add3A_206, %dma_wait3A_207] : memref<250x80xi32, #tpu.memory_space<vmem>> -> memref<1x80xi32, #tpu.memory_space<vmem>>
      %dma_wait3A_209 = tpu.memref_squeeze %dma_wait3A_208 : memref<1x80xi32, #tpu.memory_space<vmem>> -> memref<80xi32, #tpu.memory_space<vmem>>
      %dma_wait3A_210 = arith.constant 0 : i32
      %dma_wait3A_211 = arith.constant 0 : i32
      %dma_wait3A_212 = tpu.memref_slice %arg2[%dma_wait3A_210, %dma_wait3A_211] : memref<10000x64xf32, #tpu.memory_space<hbm>> -> memref<10000x64xf32, #tpu.memory_space<hbm>>
      tpu.wait_indirect_dma semaphore(%arg24 : memref<!tpu.dma_semaphore, #tpu.memory_space<semaphore_mem>>) src(%dma_wait3A_212 : memref<10000x64xf32, #tpu.memory_space<hbm>>) dst(%arg17 : memref<80x64xf32, #tpu.memory_space<vmem>>)
      %add3A_213 = arith.constant 1 : i32
      %add3A_214 = arith.addi %add3A_187, %add3A_213 : i32
      "tpu.region"() ({
        %run_scoped3A = tpu.sem_alloc : memref<!tpu.dma_semaphore, #tpu.memory_space<semaphore_mem>>
        %dma_start3A = arith.constant 0 : i32
        %dma_start3A_281 = tpu.memref_slice %arg15[%add3A_214, %dma_start3A] : memref<250x80xi32, #tpu.memory_space<vmem>> -> memref<1x80xi32, #tpu.memory_space<vmem>>
        %dma_start3A_282 = tpu.memref_squeeze %dma_start3A_281 : memref<1x80xi32, #tpu.memory_space<vmem>> -> memref<80xi32, #tpu.memory_space<vmem>>
        %dma_start3A_283 = arith.constant 0 : i32
        %dma_start3A_284 = arith.constant 0 : i32
        %dma_start3A_285 = tpu.memref_slice %arg22[%dma_start3A_283, %dma_start3A_284] : memref<10240x64xf32, #tpu.memory_space<vmem_shared>> -> memref<10240x64xf32, #tpu.memory_space<vmem_shared>>
        tpu.enqueue_indirect_dma source(%arg17 : memref<80x64xf32, #tpu.memory_space<vmem>>) target(%dma_start3A_285 : memref<10240x64xf32, #tpu.memory_space<vmem_shared>>) offsets(%dma_start3A_282 : memref<80xi32, #tpu.memory_space<vmem>>) semaphore(%run_scoped3A : memref<!tpu.dma_semaphore, #tpu.memory_space<semaphore_mem>>) {add = true}
        %dma_wait3A_286 = arith.constant 0 : i32
        %dma_wait3A_287 = tpu.memref_slice %arg15[%add3A_214, %dma_wait3A_286] : memref<250x80xi32, #tpu.memory_space<vmem>> -> memref<1x80xi32, #tpu.memory_space<vmem>>
        %dma_wait3A_288 = tpu.memref_squeeze %dma_wait3A_287 : memref<1x80xi32, #tpu.memory_space<vmem>> -> memref<80xi32, #tpu.memory_space<vmem>>
        %dma_wait3A_289 = arith.constant 0 : i32
        %dma_wait3A_290 = arith.constant 0 : i32
        %dma_wait3A_291 = tpu.memref_slice %arg22[%dma_wait3A_289, %dma_wait3A_290] : memref<10240x64xf32, #tpu.memory_space<vmem_shared>> -> memref<10240x64xf32, #tpu.memory_space<vmem_shared>>
        tpu.wait_indirect_dma semaphore(%run_scoped3A : memref<!tpu.dma_semaphore, #tpu.memory_space<semaphore_mem>>) src(%arg17 : memref<80x64xf32, #tpu.memory_space<vmem>>) dst(%dma_wait3A_291 : memref<10240x64xf32, #tpu.memory_space<vmem_shared>>)
        tpu.yield
      }) : () -> ()
      %add3A_215 = arith.constant 1 : i32
      %add3A_216 = arith.addi %add3A_187, %add3A_215 : i32
      %add3A_217 = arith.constant 5 : i32
      %add3A_218 = arith.addi %add3A_216, %add3A_217 : i32
      %lt3A_219 = arith.constant 250 : i32
      %lt3A_220 = arith.cmpi slt, %add3A_218, %lt3A_219 : i32
      %convert_element_type3A_221 = arith.extui %lt3A_220 : i1 to i32
      %cond3A_222 = arith.constant 0 : i32
      %cond3A_223 = arith.cmpi ne, %convert_element_type3A_221, %cond3A_222 : i32
      scf.if %cond3A_223 {
        %add3A_281 = arith.constant 1 : i32
        %add3A_282 = arith.addi %add3A_187, %add3A_281 : i32
        %add3A_283 = arith.constant 5 : i32
        %add3A_284 = arith.addi %add3A_282, %add3A_283 : i32
        %eq3A_285 = arith.constant 0 : i32
        %eq3A_286 = arith.cmpi eq, %arg0, %eq3A_285 : i32
        %convert_element_type3A_287 = arith.extui %eq3A_286 : i1 to i32
        %cond3A_288 = arith.constant 0 : i32
        %cond3A_289 = arith.cmpi ne, %convert_element_type3A_287, %cond3A_288 : i32
        scf.if %cond3A_289 {
          %dma_start3A = arith.constant 0 : i32
          %dma_start3A_295 = tpu.memref_slice %arg14[%add3A_284, %dma_start3A] : memref<250x80xi32, #tpu.memory_space<vmem>> -> memref<1x80xi32, #tpu.memory_space<vmem>>
          %dma_start3A_296 = tpu.memref_squeeze %dma_start3A_295 : memref<1x80xi32, #tpu.memory_space<vmem>> -> memref<80xi32, #tpu.memory_space<vmem>>
          %dma_start3A_297 = arith.constant 0 : i32
          %dma_start3A_298 = arith.constant 0 : i32
          %dma_start3A_299 = tpu.memref_slice %arg2[%dma_start3A_297, %dma_start3A_298] : memref<10000x64xf32, #tpu.memory_space<hbm>> -> memref<10000x64xf32, #tpu.memory_space<hbm>>
          tpu.enqueue_indirect_dma source(%dma_start3A_299 : memref<10000x64xf32, #tpu.memory_space<hbm>>) target(%arg17 : memref<80x64xf32, #tpu.memory_space<vmem>>) offsets(%dma_start3A_296 : memref<80xi32, #tpu.memory_space<vmem>>) semaphore(%arg24 : memref<!tpu.dma_semaphore, #tpu.memory_space<semaphore_mem>>)
        } else {
        }
        %eq3A_290 = arith.constant 1 : i32
        %eq3A_291 = arith.cmpi eq, %arg0, %eq3A_290 : i32
        %convert_element_type3A_292 = arith.extui %eq3A_291 : i1 to i32
        %cond3A_293 = arith.constant 0 : i32
        %cond3A_294 = arith.cmpi ne, %convert_element_type3A_292, %cond3A_293 : i32
        scf.if %cond3A_294 {
          %dma_start3A = arith.constant 0 : i32
          %dma_start3A_295 = tpu.memref_slice %arg14[%add3A_284, %dma_start3A] : memref<250x80xi32, #tpu.memory_space<vmem>> -> memref<1x80xi32, #tpu.memory_space<vmem>>
          %dma_start3A_296 = tpu.memref_squeeze %dma_start3A_295 : memref<1x80xi32, #tpu.memory_space<vmem>> -> memref<80xi32, #tpu.memory_space<vmem>>
          %dma_start3A_297 = arith.constant 0 : i32
          %dma_start3A_298 = arith.constant 0 : i32
          %dma_start3A_299 = tpu.memref_slice %arg4[%dma_start3A_297, %dma_start3A_298] : memref<10000x64xf32, #tpu.memory_space<hbm>> -> memref<10000x64xf32, #tpu.memory_space<hbm>>
          tpu.enqueue_indirect_dma source(%dma_start3A_299 : memref<10000x64xf32, #tpu.memory_space<hbm>>) target(%arg17 : memref<80x64xf32, #tpu.memory_space<vmem>>) offsets(%dma_start3A_296 : memref<80xi32, #tpu.memory_space<vmem>>) semaphore(%arg24 : memref<!tpu.dma_semaphore, #tpu.memory_space<semaphore_mem>>)
        } else {
        }
      } else {
      }
      %add3A_224 = arith.constant 2 : i32
      %add3A_225 = arith.addi %add3A_187, %add3A_224 : i32
      %dma_wait3A_226 = arith.constant 0 : i32
      %dma_wait3A_227 = tpu.memref_slice %arg14[%add3A_225, %dma_wait3A_226] : memref<250x80xi32, #tpu.memory_space<vmem>> -> memref<1x80xi32, #tpu.memory_space<vmem>>
      %dma_wait3A_228 = tpu.memref_squeeze %dma_wait3A_227 : memref<1x80xi32, #tpu.memory_space<vmem>> -> memref<80xi32, #tpu.memory_space<vmem>>
      %dma_wait3A_229 = arith.constant 0 : i32
      %dma_wait3A_230 = arith.constant 0 : i32
      %dma_wait3A_231 = tpu.memref_slice %arg2[%dma_wait3A_229, %dma_wait3A_230] : memref<10000x64xf32, #tpu.memory_space<hbm>> -> memref<10000x64xf32, #tpu.memory_space<hbm>>
      tpu.wait_indirect_dma semaphore(%arg25 : memref<!tpu.dma_semaphore, #tpu.memory_space<semaphore_mem>>) src(%dma_wait3A_231 : memref<10000x64xf32, #tpu.memory_space<hbm>>) dst(%arg18 : memref<80x64xf32, #tpu.memory_space<vmem>>)
      %add3A_232 = arith.constant 2 : i32
      %add3A_233 = arith.addi %add3A_187, %add3A_232 : i32
      "tpu.region"() ({
        %run_scoped3A = tpu.sem_alloc : memref<!tpu.dma_semaphore, #tpu.memory_space<semaphore_mem>>
        %dma_start3A = arith.constant 0 : i32
        %dma_start3A_281 = tpu.memref_slice %arg15[%add3A_233, %dma_start3A] : memref<250x80xi32, #tpu.memory_space<vmem>> -> memref<1x80xi32, #tpu.memory_space<vmem>>
        %dma_start3A_282 = tpu.memref_squeeze %dma_start3A_281 : memref<1x80xi32, #tpu.memory_space<vmem>> -> memref<80xi32, #tpu.memory_space<vmem>>
        %dma_start3A_283 = arith.constant 0 : i32
        %dma_start3A_284 = arith.constant 0 : i32
        %dma_start3A_285 = tpu.memref_slice %arg22[%dma_start3A_283, %dma_start3A_284] : memref<10240x64xf32, #tpu.memory_space<vmem_shared>> -> memref<10240x64xf32, #tpu.memory_space<vmem_shared>>
        tpu.enqueue_indirect_dma source(%arg18 : memref<80x64xf32, #tpu.memory_space<vmem>>) target(%dma_start3A_285 : memref<10240x64xf32, #tpu.memory_space<vmem_shared>>) offsets(%dma_start3A_282 : memref<80xi32, #tpu.memory_space<vmem>>) semaphore(%run_scoped3A : memref<!tpu.dma_semaphore, #tpu.memory_space<semaphore_mem>>) {add = true}
        %dma_wait3A_286 = arith.constant 0 : i32
        %dma_wait3A_287 = tpu.memref_slice %arg15[%add3A_233, %dma_wait3A_286] : memref<250x80xi32, #tpu.memory_space<vmem>> -> memref<1x80xi32, #tpu.memory_space<vmem>>
        %dma_wait3A_288 = tpu.memref_squeeze %dma_wait3A_287 : memref<1x80xi32, #tpu.memory_space<vmem>> -> memref<80xi32, #tpu.memory_space<vmem>>
        %dma_wait3A_289 = arith.constant 0 : i32
        %dma_wait3A_290 = arith.constant 0 : i32
        %dma_wait3A_291 = tpu.memref_slice %arg22[%dma_wait3A_289, %dma_wait3A_290] : memref<10240x64xf32, #tpu.memory_space<vmem_shared>> -> memref<10240x64xf32, #tpu.memory_space<vmem_shared>>
        tpu.wait_indirect_dma semaphore(%run_scoped3A : memref<!tpu.dma_semaphore, #tpu.memory_space<semaphore_mem>>) src(%arg18 : memref<80x64xf32, #tpu.memory_space<vmem>>) dst(%dma_wait3A_291 : memref<10240x64xf32, #tpu.memory_space<vmem_shared>>)
        tpu.yield
      }) : () -> ()
      %add3A_234 = arith.constant 2 : i32
      %add3A_235 = arith.addi %add3A_187, %add3A_234 : i32
      %add3A_236 = arith.constant 5 : i32
      %add3A_237 = arith.addi %add3A_235, %add3A_236 : i32
      %lt3A_238 = arith.constant 250 : i32
      %lt3A_239 = arith.cmpi slt, %add3A_237, %lt3A_238 : i32
      %convert_element_type3A_240 = arith.extui %lt3A_239 : i1 to i32
      %cond3A_241 = arith.constant 0 : i32
      %cond3A_242 = arith.cmpi ne, %convert_element_type3A_240, %cond3A_241 : i32
      scf.if %cond3A_242 {
        %add3A_281 = arith.constant 2 : i32
        %add3A_282 = arith.addi %add3A_187, %add3A_281 : i32
        %add3A_283 = arith.constant 5 : i32
        %add3A_284 = arith.addi %add3A_282, %add3A_283 : i32
        %eq3A_285 = arith.constant 0 : i32
        %eq3A_286 = arith.cmpi eq, %arg0, %eq3A_285 : i32
        %convert_element_type3A_287 = arith.extui %eq3A_286 : i1 to i32
        %cond3A_288 = arith.constant 0 : i32
        %cond3A_289 = arith.cmpi ne, %convert_element_type3A_287, %cond3A_288 : i32
        scf.if %cond3A_289 {
          %dma_start3A = arith.constant 0 : i32
          %dma_start3A_295 = tpu.memref_slice %arg14[%add3A_284, %dma_start3A] : memref<250x80xi32, #tpu.memory_space<vmem>> -> memref<1x80xi32, #tpu.memory_space<vmem>>
          %dma_start3A_296 = tpu.memref_squeeze %dma_start3A_295 : memref<1x80xi32, #tpu.memory_space<vmem>> -> memref<80xi32, #tpu.memory_space<vmem>>
          %dma_start3A_297 = arith.constant 0 : i32
          %dma_start3A_298 = arith.constant 0 : i32
          %dma_start3A_299 = tpu.memref_slice %arg2[%dma_start3A_297, %dma_start3A_298] : memref<10000x64xf32, #tpu.memory_space<hbm>> -> memref<10000x64xf32, #tpu.memory_space<hbm>>
          tpu.enqueue_indirect_dma source(%dma_start3A_299 : memref<10000x64xf32, #tpu.memory_space<hbm>>) target(%arg18 : memref<80x64xf32, #tpu.memory_space<vmem>>) offsets(%dma_start3A_296 : memref<80xi32, #tpu.memory_space<vmem>>) semaphore(%arg25 : memref<!tpu.dma_semaphore, #tpu.memory_space<semaphore_mem>>)
        } else {
        }
        %eq3A_290 = arith.constant 1 : i32
        %eq3A_291 = arith.cmpi eq, %arg0, %eq3A_290 : i32
        %convert_element_type3A_292 = arith.extui %eq3A_291 : i1 to i32
        %cond3A_293 = arith.constant 0 : i32
        %cond3A_294 = arith.cmpi ne, %convert_element_type3A_292, %cond3A_293 : i32
        scf.if %cond3A_294 {
          %dma_start3A = arith.constant 0 : i32
          %dma_start3A_295 = tpu.memref_slice %arg14[%add3A_284, %dma_start3A] : memref<250x80xi32, #tpu.memory_space<vmem>> -> memref<1x80xi32, #tpu.memory_space<vmem>>
          %dma_start3A_296 = tpu.memref_squeeze %dma_start3A_295 : memref<1x80xi32, #tpu.memory_space<vmem>> -> memref<80xi32, #tpu.memory_space<vmem>>
          %dma_start3A_297 = arith.constant 0 : i32
          %dma_start3A_298 = arith.constant 0 : i32
          %dma_start3A_299 = tpu.memref_slice %arg4[%dma_start3A_297, %dma_start3A_298] : memref<10000x64xf32, #tpu.memory_space<hbm>> -> memref<10000x64xf32, #tpu.memory_space<hbm>>
          tpu.enqueue_indirect_dma source(%dma_start3A_299 : memref<10000x64xf32, #tpu.memory_space<hbm>>) target(%arg18 : memref<80x64xf32, #tpu.memory_space<vmem>>) offsets(%dma_start3A_296 : memref<80xi32, #tpu.memory_space<vmem>>) semaphore(%arg25 : memref<!tpu.dma_semaphore, #tpu.memory_space<semaphore_mem>>)
        } else {
        }
      } else {
      }
      %add3A_243 = arith.constant 3 : i32
      %add3A_244 = arith.addi %add3A_187, %add3A_243 : i32
      %dma_wait3A_245 = arith.constant 0 : i32
      %dma_wait3A_246 = tpu.memref_slice %arg14[%add3A_244, %dma_wait3A_245] : memref<250x80xi32, #tpu.memory_space<vmem>> -> memref<1x80xi32, #tpu.memory_space<vmem>>
      %dma_wait3A_247 = tpu.memref_squeeze %dma_wait3A_246 : memref<1x80xi32, #tpu.memory_space<vmem>> -> memref<80xi32, #tpu.memory_space<vmem>>
      %dma_wait3A_248 = arith.constant 0 : i32
      %dma_wait3A_249 = arith.constant 0 : i32
      %dma_wait3A_250 = tpu.memref_slice %arg2[%dma_wait3A_248, %dma_wait3A_249] : memref<10000x64xf32, #tpu.memory_space<hbm>> -> memref<10000x64xf32, #tpu.memory_space<hbm>>
      tpu.wait_indirect_dma semaphore(%arg26 : memref<!tpu.dma_semaphore, #tpu.memory_space<semaphore_mem>>) src(%dma_wait3A_250 : memref<10000x64xf32, #tpu.memory_space<hbm>>) dst(%arg19 : memref<80x64xf32, #tpu.memory_space<vmem>>)
      %add3A_251 = arith.constant 3 : i32
      %add3A_252 = arith.addi %add3A_187, %add3A_251 : i32
      "tpu.region"() ({
        %run_scoped3A = tpu.sem_alloc : memref<!tpu.dma_semaphore, #tpu.memory_space<semaphore_mem>>
        %dma_start3A = arith.constant 0 : i32
        %dma_start3A_281 = tpu.memref_slice %arg15[%add3A_252, %dma_start3A] : memref<250x80xi32, #tpu.memory_space<vmem>> -> memref<1x80xi32, #tpu.memory_space<vmem>>
        %dma_start3A_282 = tpu.memref_squeeze %dma_start3A_281 : memref<1x80xi32, #tpu.memory_space<vmem>> -> memref<80xi32, #tpu.memory_space<vmem>>
        %dma_start3A_283 = arith.constant 0 : i32
        %dma_start3A_284 = arith.constant 0 : i32
        %dma_start3A_285 = tpu.memref_slice %arg22[%dma_start3A_283, %dma_start3A_284] : memref<10240x64xf32, #tpu.memory_space<vmem_shared>> -> memref<10240x64xf32, #tpu.memory_space<vmem_shared>>
        tpu.enqueue_indirect_dma source(%arg19 : memref<80x64xf32, #tpu.memory_space<vmem>>) target(%dma_start3A_285 : memref<10240x64xf32, #tpu.memory_space<vmem_shared>>) offsets(%dma_start3A_282 : memref<80xi32, #tpu.memory_space<vmem>>) semaphore(%run_scoped3A : memref<!tpu.dma_semaphore, #tpu.memory_space<semaphore_mem>>) {add = true}
        %dma_wait3A_286 = arith.constant 0 : i32
        %dma_wait3A_287 = tpu.memref_slice %arg15[%add3A_252, %dma_wait3A_286] : memref<250x80xi32, #tpu.memory_space<vmem>> -> memref<1x80xi32, #tpu.memory_space<vmem>>
        %dma_wait3A_288 = tpu.memref_squeeze %dma_wait3A_287 : memref<1x80xi32, #tpu.memory_space<vmem>> -> memref<80xi32, #tpu.memory_space<vmem>>
        %dma_wait3A_289 = arith.constant 0 : i32
        %dma_wait3A_290 = arith.constant 0 : i32
        %dma_wait3A_291 = tpu.memref_slice %arg22[%dma_wait3A_289, %dma_wait3A_290] : memref<10240x64xf32, #tpu.memory_space<vmem_shared>> -> memref<10240x64xf32, #tpu.memory_space<vmem_shared>>
        tpu.wait_indirect_dma semaphore(%run_scoped3A : memref<!tpu.dma_semaphore, #tpu.memory_space<semaphore_mem>>) src(%arg19 : memref<80x64xf32, #tpu.memory_space<vmem>>) dst(%dma_wait3A_291 : memref<10240x64xf32, #tpu.memory_space<vmem_shared>>)
        tpu.yield
      }) : () -> ()
      %add3A_253 = arith.constant 3 : i32
      %add3A_254 = arith.addi %add3A_187, %add3A_253 : i32
      %add3A_255 = arith.constant 5 : i32
      %add3A_256 = arith.addi %add3A_254, %add3A_255 : i32
      %lt3A_257 = arith.constant 250 : i32
      %lt3A_258 = arith.cmpi slt, %add3A_256, %lt3A_257 : i32
      %convert_element_type3A_259 = arith.extui %lt3A_258 : i1 to i32
      %cond3A_260 = arith.constant 0 : i32
      %cond3A_261 = arith.cmpi ne, %convert_element_type3A_259, %cond3A_260 : i32
      scf.if %cond3A_261 {
        %add3A_281 = arith.constant 3 : i32
        %add3A_282 = arith.addi %add3A_187, %add3A_281 : i32
        %add3A_283 = arith.constant 5 : i32
        %add3A_284 = arith.addi %add3A_282, %add3A_283 : i32
        %eq3A_285 = arith.constant 0 : i32
        %eq3A_286 = arith.cmpi eq, %arg0, %eq3A_285 : i32
        %convert_element_type3A_287 = arith.extui %eq3A_286 : i1 to i32
        %cond3A_288 = arith.constant 0 : i32
        %cond3A_289 = arith.cmpi ne, %convert_element_type3A_287, %cond3A_288 : i32
        scf.if %cond3A_289 {
          %dma_start3A = arith.constant 0 : i32
          %dma_start3A_295 = tpu.memref_slice %arg14[%add3A_284, %dma_start3A] : memref<250x80xi32, #tpu.memory_space<vmem>> -> memref<1x80xi32, #tpu.memory_space<vmem>>
          %dma_start3A_296 = tpu.memref_squeeze %dma_start3A_295 : memref<1x80xi32, #tpu.memory_space<vmem>> -> memref<80xi32, #tpu.memory_space<vmem>>
          %dma_start3A_297 = arith.constant 0 : i32
          %dma_start3A_298 = arith.constant 0 : i32
          %dma_start3A_299 = tpu.memref_slice %arg2[%dma_start3A_297, %dma_start3A_298] : memref<10000x64xf32, #tpu.memory_space<hbm>> -> memref<10000x64xf32, #tpu.memory_space<hbm>>
          tpu.enqueue_indirect_dma source(%dma_start3A_299 : memref<10000x64xf32, #tpu.memory_space<hbm>>) target(%arg19 : memref<80x64xf32, #tpu.memory_space<vmem>>) offsets(%dma_start3A_296 : memref<80xi32, #tpu.memory_space<vmem>>) semaphore(%arg26 : memref<!tpu.dma_semaphore, #tpu.memory_space<semaphore_mem>>)
        } else {
        }
        %eq3A_290 = arith.constant 1 : i32
        %eq3A_291 = arith.cmpi eq, %arg0, %eq3A_290 : i32
        %convert_element_type3A_292 = arith.extui %eq3A_291 : i1 to i32
        %cond3A_293 = arith.constant 0 : i32
        %cond3A_294 = arith.cmpi ne, %convert_element_type3A_292, %cond3A_293 : i32
        scf.if %cond3A_294 {
          %dma_start3A = arith.constant 0 : i32
          %dma_start3A_295 = tpu.memref_slice %arg14[%add3A_284, %dma_start3A] : memref<250x80xi32, #tpu.memory_space<vmem>> -> memref<1x80xi32, #tpu.memory_space<vmem>>
          %dma_start3A_296 = tpu.memref_squeeze %dma_start3A_295 : memref<1x80xi32, #tpu.memory_space<vmem>> -> memref<80xi32, #tpu.memory_space<vmem>>
          %dma_start3A_297 = arith.constant 0 : i32
          %dma_start3A_298 = arith.constant 0 : i32
          %dma_start3A_299 = tpu.memref_slice %arg4[%dma_start3A_297, %dma_start3A_298] : memref<10000x64xf32, #tpu.memory_space<hbm>> -> memref<10000x64xf32, #tpu.memory_space<hbm>>
          tpu.enqueue_indirect_dma source(%dma_start3A_299 : memref<10000x64xf32, #tpu.memory_space<hbm>>) target(%arg19 : memref<80x64xf32, #tpu.memory_space<vmem>>) offsets(%dma_start3A_296 : memref<80xi32, #tpu.memory_space<vmem>>) semaphore(%arg26 : memref<!tpu.dma_semaphore, #tpu.memory_space<semaphore_mem>>)
        } else {
        }
      } else {
      }
      %add3A_262 = arith.constant 4 : i32
      %add3A_263 = arith.addi %add3A_187, %add3A_262 : i32
      %dma_wait3A_264 = arith.constant 0 : i32
      %dma_wait3A_265 = tpu.memref_slice %arg14[%add3A_263, %dma_wait3A_264] : memref<250x80xi32, #tpu.memory_space<vmem>> -> memref<1x80xi32, #tpu.memory_space<vmem>>
      %dma_wait3A_266 = tpu.memref_squeeze %dma_wait3A_265 : memref<1x80xi32, #tpu.memory_space<vmem>> -> memref<80xi32, #tpu.memory_space<vmem>>
      %dma_wait3A_267 = arith.constant 0 : i32
      %dma_wait3A_268 = arith.constant 0 : i32
      %dma_wait3A_269 = tpu.memref_slice %arg2[%dma_wait3A_267, %dma_wait3A_268] : memref<10000x64xf32, #tpu.memory_space<hbm>> -> memref<10000x64xf32, #tpu.memory_space<hbm>>
      tpu.wait_indirect_dma semaphore(%arg27 : memref<!tpu.dma_semaphore, #tpu.memory_space<semaphore_mem>>) src(%dma_wait3A_269 : memref<10000x64xf32, #tpu.memory_space<hbm>>) dst(%arg20 : memref<80x64xf32, #tpu.memory_space<vmem>>)
      %add3A_270 = arith.constant 4 : i32
      %add3A_271 = arith.addi %add3A_187, %add3A_270 : i32
      "tpu.region"() ({
        %run_scoped3A = tpu.sem_alloc : memref<!tpu.dma_semaphore, #tpu.memory_space<semaphore_mem>>
        %dma_start3A = arith.constant 0 : i32
        %dma_start3A_281 = tpu.memref_slice %arg15[%add3A_271, %dma_start3A] : memref<250x80xi32, #tpu.memory_space<vmem>> -> memref<1x80xi32, #tpu.memory_space<vmem>>
        %dma_start3A_282 = tpu.memref_squeeze %dma_start3A_281 : memref<1x80xi32, #tpu.memory_space<vmem>> -> memref<80xi32, #tpu.memory_space<vmem>>
        %dma_start3A_283 = arith.constant 0 : i32
        %dma_start3A_284 = arith.constant 0 : i32
        %dma_start3A_285 = tpu.memref_slice %arg22[%dma_start3A_283, %dma_start3A_284] : memref<10240x64xf32, #tpu.memory_space<vmem_shared>> -> memref<10240x64xf32, #tpu.memory_space<vmem_shared>>
        tpu.enqueue_indirect_dma source(%arg20 : memref<80x64xf32, #tpu.memory_space<vmem>>) target(%dma_start3A_285 : memref<10240x64xf32, #tpu.memory_space<vmem_shared>>) offsets(%dma_start3A_282 : memref<80xi32, #tpu.memory_space<vmem>>) semaphore(%run_scoped3A : memref<!tpu.dma_semaphore, #tpu.memory_space<semaphore_mem>>) {add = true}
        %dma_wait3A_286 = arith.constant 0 : i32
        %dma_wait3A_287 = tpu.memref_slice %arg15[%add3A_271, %dma_wait3A_286] : memref<250x80xi32, #tpu.memory_space<vmem>> -> memref<1x80xi32, #tpu.memory_space<vmem>>
        %dma_wait3A_288 = tpu.memref_squeeze %dma_wait3A_287 : memref<1x80xi32, #tpu.memory_space<vmem>> -> memref<80xi32, #tpu.memory_space<vmem>>
        %dma_wait3A_289 = arith.constant 0 : i32
        %dma_wait3A_290 = arith.constant 0 : i32
        %dma_wait3A_291 = tpu.memref_slice %arg22[%dma_wait3A_289, %dma_wait3A_290] : memref<10240x64xf32, #tpu.memory_space<vmem_shared>> -> memref<10240x64xf32, #tpu.memory_space<vmem_shared>>
        tpu.wait_indirect_dma semaphore(%run_scoped3A : memref<!tpu.dma_semaphore, #tpu.memory_space<semaphore_mem>>) src(%arg20 : memref<80x64xf32, #tpu.memory_space<vmem>>) dst(%dma_wait3A_291 : memref<10240x64xf32, #tpu.memory_space<vmem_shared>>)
        tpu.yield
      }) : () -> ()
      %add3A_272 = arith.constant 4 : i32
      %add3A_273 = arith.addi %add3A_187, %add3A_272 : i32
      %add3A_274 = arith.constant 5 : i32
      %add3A_275 = arith.addi %add3A_273, %add3A_274 : i32
      %lt3A_276 = arith.constant 250 : i32
      %lt3A_277 = arith.cmpi slt, %add3A_275, %lt3A_276 : i32
      %convert_element_type3A_278 = arith.extui %lt3A_277 : i1 to i32
      %cond3A_279 = arith.constant 0 : i32
      %cond3A_280 = arith.cmpi ne, %convert_element_type3A_278, %cond3A_279 : i32
      scf.if %cond3A_280 {
        %add3A_281 = arith.constant 4 : i32
        %add3A_282 = arith.addi %add3A_187, %add3A_281 : i32
        %add3A_283 = arith.constant 5 : i32
        %add3A_284 = arith.addi %add3A_282, %add3A_283 : i32
        %eq3A_285 = arith.constant 0 : i32
        %eq3A_286 = arith.cmpi eq, %arg0, %eq3A_285 : i32
        %convert_element_type3A_287 = arith.extui %eq3A_286 : i1 to i32
        %cond3A_288 = arith.constant 0 : i32
        %cond3A_289 = arith.cmpi ne, %convert_element_type3A_287, %cond3A_288 : i32
        scf.if %cond3A_289 {
          %dma_start3A = arith.constant 0 : i32
          %dma_start3A_295 = tpu.memref_slice %arg14[%add3A_284, %dma_start3A] : memref<250x80xi32, #tpu.memory_space<vmem>> -> memref<1x80xi32, #tpu.memory_space<vmem>>
          %dma_start3A_296 = tpu.memref_squeeze %dma_start3A_295 : memref<1x80xi32, #tpu.memory_space<vmem>> -> memref<80xi32, #tpu.memory_space<vmem>>
          %dma_start3A_297 = arith.constant 0 : i32
          %dma_start3A_298 = arith.constant 0 : i32
          %dma_start3A_299 = tpu.memref_slice %arg2[%dma_start3A_297, %dma_start3A_298] : memref<10000x64xf32, #tpu.memory_space<hbm>> -> memref<10000x64xf32, #tpu.memory_space<hbm>>
          tpu.enqueue_indirect_dma source(%dma_start3A_299 : memref<10000x64xf32, #tpu.memory_space<hbm>>) target(%arg20 : memref<80x64xf32, #tpu.memory_space<vmem>>) offsets(%dma_start3A_296 : memref<80xi32, #tpu.memory_space<vmem>>) semaphore(%arg27 : memref<!tpu.dma_semaphore, #tpu.memory_space<semaphore_mem>>)
        } else {
        }
        %eq3A_290 = arith.constant 1 : i32
        %eq3A_291 = arith.cmpi eq, %arg0, %eq3A_290 : i32
        %convert_element_type3A_292 = arith.extui %eq3A_291 : i1 to i32
        %cond3A_293 = arith.constant 0 : i32
        %cond3A_294 = arith.cmpi ne, %convert_element_type3A_292, %cond3A_293 : i32
        scf.if %cond3A_294 {
          %dma_start3A = arith.constant 0 : i32
          %dma_start3A_295 = tpu.memref_slice %arg14[%add3A_284, %dma_start3A] : memref<250x80xi32, #tpu.memory_space<vmem>> -> memref<1x80xi32, #tpu.memory_space<vmem>>
          %dma_start3A_296 = tpu.memref_squeeze %dma_start3A_295 : memref<1x80xi32, #tpu.memory_space<vmem>> -> memref<80xi32, #tpu.memory_space<vmem>>
          %dma_start3A_297 = arith.constant 0 : i32
          %dma_start3A_298 = arith.constant 0 : i32
          %dma_start3A_299 = tpu.memref_slice %arg4[%dma_start3A_297, %dma_start3A_298] : memref<10000x64xf32, #tpu.memory_space<hbm>> -> memref<10000x64xf32, #tpu.memory_space<hbm>>
          tpu.enqueue_indirect_dma source(%dma_start3A_299 : memref<10000x64xf32, #tpu.memory_space<hbm>>) target(%arg20 : memref<80x64xf32, #tpu.memory_space<vmem>>) offsets(%dma_start3A_296 : memref<80xi32, #tpu.memory_space<vmem>>) semaphore(%arg27 : memref<!tpu.dma_semaphore, #tpu.memory_space<semaphore_mem>>)
        } else {
        }
      } else {
      }
    }
    %scan3A_84 = arith.constant 50 : i32
    %barrier3A_85 = arith.constant 0 : index
    tpu.barrier barrier_id(%barrier3A_85)
    %eq3A_86 = arith.constant 0 : i32
    %eq3A_87 = arith.cmpi eq, %arg0, %eq3A_86 : i32
    %convert_element_type3A_88 = arith.extui %eq3A_87 : i1 to i32
    %cond3A_89 = arith.constant 0 : i32
    %cond3A_90 = arith.cmpi ne, %convert_element_type3A_88, %cond3A_89 : i32
    scf.if %cond3A_90 {
      %mul3A_183 = arith.constant 640 : i32
      %mul3A_184 = arith.muli %arg1, %mul3A_183 : i32
      %mul3A_185 = arith.constant 640 : i32
      %mul3A_186 = arith.muli %arg1, %mul3A_185 : i32
      "tpu.region"() ({
        %run_scoped3A = tpu.sem_alloc : memref<!tpu.dma_semaphore, #tpu.memory_space<semaphore_mem>>
        %dma_start3A = arith.constant 0 : i32
        %dma_start3A_187 = tpu.memref_slice %arg10[%mul3A_186, %dma_start3A] : memref<10240x64xf32, #tpu.memory_space<hbm>> -> memref<640x64xf32, #tpu.memory_space<hbm>>
        %dma_start3A_188 = arith.constant 0 : i32
        %dma_start3A_189 = tpu.memref_slice %arg22[%mul3A_184, %dma_start3A_188] : memref<10240x64xf32, #tpu.memory_space<vmem_shared>> -> memref<640x64xf32, #tpu.memory_space<vmem_shared>>
        tpu.enqueue_dma source(%dma_start3A_189 : memref<640x64xf32, #tpu.memory_space<vmem_shared>>) target(%dma_start3A_187 : memref<640x64xf32, #tpu.memory_space<hbm>>) target_semaphore(%run_scoped3A : memref<!tpu.dma_semaphore, #tpu.memory_space<semaphore_mem>>)
        %dma_wait3A = arith.constant 0 : i32
        %dma_wait3A_190 = tpu.memref_slice %arg10[%mul3A_186, %dma_wait3A] : memref<10240x64xf32, #tpu.memory_space<hbm>> -> memref<640x64xf32, #tpu.memory_space<hbm>>
        %dma_wait3A_191 = arith.constant 0 : i32
        %dma_wait3A_192 = tpu.memref_slice %arg22[%mul3A_184, %dma_wait3A_191] : memref<10240x64xf32, #tpu.memory_space<vmem_shared>> -> memref<640x64xf32, #tpu.memory_space<vmem_shared>>
        tpu.wait_dma2 semaphore(%run_scoped3A : memref<!tpu.dma_semaphore, #tpu.memory_space<semaphore_mem>>) src(%dma_wait3A_192 : memref<640x64xf32, #tpu.memory_space<vmem_shared>>) dst(%dma_wait3A_190 : memref<640x64xf32, #tpu.memory_space<hbm>>)
        tpu.yield
      }) : () -> ()
    } else {
    }
    %eq3A_91 = arith.constant 1 : i32
    %eq3A_92 = arith.cmpi eq, %arg0, %eq3A_91 : i32
    %convert_element_type3A_93 = arith.extui %eq3A_92 : i1 to i32
    %cond3A_94 = arith.constant 0 : i32
    %cond3A_95 = arith.cmpi ne, %convert_element_type3A_93, %cond3A_94 : i32
    scf.if %cond3A_95 {
      %mul3A_183 = arith.constant 640 : i32
      %mul3A_184 = arith.muli %arg1, %mul3A_183 : i32
      %mul3A_185 = arith.constant 640 : i32
      %mul3A_186 = arith.muli %arg1, %mul3A_185 : i32
      "tpu.region"() ({
        %run_scoped3A = tpu.sem_alloc : memref<!tpu.dma_semaphore, #tpu.memory_space<semaphore_mem>>
        %dma_start3A = arith.constant 0 : i32
        %dma_start3A_187 = tpu.memref_slice %arg12[%mul3A_186, %dma_start3A] : memref<10240x64xf32, #tpu.memory_space<hbm>> -> memref<640x64xf32, #tpu.memory_space<hbm>>
        %dma_start3A_188 = arith.constant 0 : i32
        %dma_start3A_189 = tpu.memref_slice %arg22[%mul3A_184, %dma_start3A_188] : memref<10240x64xf32, #tpu.memory_space<vmem_shared>> -> memref<640x64xf32, #tpu.memory_space<vmem_shared>>
        tpu.enqueue_dma source(%dma_start3A_189 : memref<640x64xf32, #tpu.memory_space<vmem_shared>>) target(%dma_start3A_187 : memref<640x64xf32, #tpu.memory_space<hbm>>) target_semaphore(%run_scoped3A : memref<!tpu.dma_semaphore, #tpu.memory_space<semaphore_mem>>)
        %dma_wait3A = arith.constant 0 : i32
        %dma_wait3A_190 = tpu.memref_slice %arg12[%mul3A_186, %dma_wait3A] : memref<10240x64xf32, #tpu.memory_space<hbm>> -> memref<640x64xf32, #tpu.memory_space<hbm>>
        %dma_wait3A_191 = arith.constant 0 : i32
        %dma_wait3A_192 = tpu.memref_slice %arg22[%mul3A_184, %dma_wait3A_191] : memref<10240x64xf32, #tpu.memory_space<vmem_shared>> -> memref<640x64xf32, #tpu.memory_space<vmem_shared>>
        tpu.wait_dma2 semaphore(%run_scoped3A : memref<!tpu.dma_semaphore, #tpu.memory_space<semaphore_mem>>) src(%dma_wait3A_192 : memref<640x64xf32, #tpu.memory_space<vmem_shared>>) dst(%dma_wait3A_190 : memref<640x64xf32, #tpu.memory_space<hbm>>)
        tpu.yield
      }) : () -> ()
    } else {
    }
    %eq3A_96 = arith.constant 0 : i32
    %eq3A_97 = arith.cmpi eq, %arg0, %eq3A_96 : i32
    %convert_element_type3A_98 = arith.extui %eq3A_97 : i1 to i32
    %cond3A_99 = arith.constant 0 : i32
    %cond3A_100 = arith.cmpi ne, %convert_element_type3A_98, %cond3A_99 : i32
    scf.if %cond3A_100 {
      %dma_start3A = arith.constant 0 : i32
      %dma_start3A_183 = arith.constant 0 : i32
      %dma_start3A_184 = tpu.memref_slice %arg14[%dma_start3A, %dma_start3A_183] : memref<250x80xi32, #tpu.memory_space<vmem>> -> memref<1x80xi32, #tpu.memory_space<vmem>>
      %dma_start3A_185 = tpu.memref_squeeze %dma_start3A_184 : memref<1x80xi32, #tpu.memory_space<vmem>> -> memref<80xi32, #tpu.memory_space<vmem>>
      %dma_start3A_186 = arith.constant 0 : i32
      %dma_start3A_187 = arith.constant 0 : i32
      %dma_start3A_188 = tpu.memref_slice %arg3[%dma_start3A_186, %dma_start3A_187] : memref<10000x64xf32, #tpu.memory_space<hbm>> -> memref<10000x64xf32, #tpu.memory_space<hbm>>
      tpu.enqueue_indirect_dma source(%dma_start3A_188 : memref<10000x64xf32, #tpu.memory_space<hbm>>) target(%arg16 : memref<80x64xf32, #tpu.memory_space<vmem>>) offsets(%dma_start3A_185 : memref<80xi32, #tpu.memory_space<vmem>>) semaphore(%arg23 : memref<!tpu.dma_semaphore, #tpu.memory_space<semaphore_mem>>)
    } else {
    }
    %eq3A_101 = arith.constant 1 : i32
    %eq3A_102 = arith.cmpi eq, %arg0, %eq3A_101 : i32
    %convert_element_type3A_103 = arith.extui %eq3A_102 : i1 to i32
    %cond3A_104 = arith.constant 0 : i32
    %cond3A_105 = arith.cmpi ne, %convert_element_type3A_103, %cond3A_104 : i32
    scf.if %cond3A_105 {
      %dma_start3A = arith.constant 0 : i32
      %dma_start3A_183 = arith.constant 0 : i32
      %dma_start3A_184 = tpu.memref_slice %arg14[%dma_start3A, %dma_start3A_183] : memref<250x80xi32, #tpu.memory_space<vmem>> -> memref<1x80xi32, #tpu.memory_space<vmem>>
      %dma_start3A_185 = tpu.memref_squeeze %dma_start3A_184 : memref<1x80xi32, #tpu.memory_space<vmem>> -> memref<80xi32, #tpu.memory_space<vmem>>
      %dma_start3A_186 = arith.constant 0 : i32
      %dma_start3A_187 = arith.constant 0 : i32
      %dma_start3A_188 = tpu.memref_slice %arg5[%dma_start3A_186, %dma_start3A_187] : memref<10000x64xf32, #tpu.memory_space<hbm>> -> memref<10000x64xf32, #tpu.memory_space<hbm>>
      tpu.enqueue_indirect_dma source(%dma_start3A_188 : memref<10000x64xf32, #tpu.memory_space<hbm>>) target(%arg16 : memref<80x64xf32, #tpu.memory_space<vmem>>) offsets(%dma_start3A_185 : memref<80xi32, #tpu.memory_space<vmem>>) semaphore(%arg23 : memref<!tpu.dma_semaphore, #tpu.memory_space<semaphore_mem>>)
    } else {
    }
    %eq3A_106 = arith.constant 0 : i32
    %eq3A_107 = arith.cmpi eq, %arg0, %eq3A_106 : i32
    %convert_element_type3A_108 = arith.extui %eq3A_107 : i1 to i32
    %cond3A_109 = arith.constant 0 : i32
    %cond3A_110 = arith.cmpi ne, %convert_element_type3A_108, %cond3A_109 : i32
    scf.if %cond3A_110 {
      %dma_start3A = arith.constant 1 : i32
      %dma_start3A_183 = arith.constant 0 : i32
      %dma_start3A_184 = tpu.memref_slice %arg14[%dma_start3A, %dma_start3A_183] : memref<250x80xi32, #tpu.memory_space<vmem>> -> memref<1x80xi32, #tpu.memory_space<vmem>>
      %dma_start3A_185 = tpu.memref_squeeze %dma_start3A_184 : memref<1x80xi32, #tpu.memory_space<vmem>> -> memref<80xi32, #tpu.memory_space<vmem>>
      %dma_start3A_186 = arith.constant 0 : i32
      %dma_start3A_187 = arith.constant 0 : i32
      %dma_start3A_188 = tpu.memref_slice %arg3[%dma_start3A_186, %dma_start3A_187] : memref<10000x64xf32, #tpu.memory_space<hbm>> -> memref<10000x64xf32, #tpu.memory_space<hbm>>
      tpu.enqueue_indirect_dma source(%dma_start3A_188 : memref<10000x64xf32, #tpu.memory_space<hbm>>) target(%arg17 : memref<80x64xf32, #tpu.memory_space<vmem>>) offsets(%dma_start3A_185 : memref<80xi32, #tpu.memory_space<vmem>>) semaphore(%arg24 : memref<!tpu.dma_semaphore, #tpu.memory_space<semaphore_mem>>)
    } else {
    }
    %eq3A_111 = arith.constant 1 : i32
    %eq3A_112 = arith.cmpi eq, %arg0, %eq3A_111 : i32
    %convert_element_type3A_113 = arith.extui %eq3A_112 : i1 to i32
    %cond3A_114 = arith.constant 0 : i32
    %cond3A_115 = arith.cmpi ne, %convert_element_type3A_113, %cond3A_114 : i32
    scf.if %cond3A_115 {
      %dma_start3A = arith.constant 1 : i32
      %dma_start3A_183 = arith.constant 0 : i32
      %dma_start3A_184 = tpu.memref_slice %arg14[%dma_start3A, %dma_start3A_183] : memref<250x80xi32, #tpu.memory_space<vmem>> -> memref<1x80xi32, #tpu.memory_space<vmem>>
      %dma_start3A_185 = tpu.memref_squeeze %dma_start3A_184 : memref<1x80xi32, #tpu.memory_space<vmem>> -> memref<80xi32, #tpu.memory_space<vmem>>
      %dma_start3A_186 = arith.constant 0 : i32
      %dma_start3A_187 = arith.constant 0 : i32
      %dma_start3A_188 = tpu.memref_slice %arg5[%dma_start3A_186, %dma_start3A_187] : memref<10000x64xf32, #tpu.memory_space<hbm>> -> memref<10000x64xf32, #tpu.memory_space<hbm>>
      tpu.enqueue_indirect_dma source(%dma_start3A_188 : memref<10000x64xf32, #tpu.memory_space<hbm>>) target(%arg17 : memref<80x64xf32, #tpu.memory_space<vmem>>) offsets(%dma_start3A_185 : memref<80xi32, #tpu.memory_space<vmem>>) semaphore(%arg24 : memref<!tpu.dma_semaphore, #tpu.memory_space<semaphore_mem>>)
    } else {
    }
    %eq3A_116 = arith.constant 0 : i32
    %eq3A_117 = arith.cmpi eq, %arg0, %eq3A_116 : i32
    %convert_element_type3A_118 = arith.extui %eq3A_117 : i1 to i32
    %cond3A_119 = arith.constant 0 : i32
    %cond3A_120 = arith.cmpi ne, %convert_element_type3A_118, %cond3A_119 : i32
    scf.if %cond3A_120 {
      %dma_start3A = arith.constant 2 : i32
      %dma_start3A_183 = arith.constant 0 : i32
      %dma_start3A_184 = tpu.memref_slice %arg14[%dma_start3A, %dma_start3A_183] : memref<250x80xi32, #tpu.memory_space<vmem>> -> memref<1x80xi32, #tpu.memory_space<vmem>>
      %dma_start3A_185 = tpu.memref_squeeze %dma_start3A_184 : memref<1x80xi32, #tpu.memory_space<vmem>> -> memref<80xi32, #tpu.memory_space<vmem>>
      %dma_start3A_186 = arith.constant 0 : i32
      %dma_start3A_187 = arith.constant 0 : i32
      %dma_start3A_188 = tpu.memref_slice %arg3[%dma_start3A_186, %dma_start3A_187] : memref<10000x64xf32, #tpu.memory_space<hbm>> -> memref<10000x64xf32, #tpu.memory_space<hbm>>
      tpu.enqueue_indirect_dma source(%dma_start3A_188 : memref<10000x64xf32, #tpu.memory_space<hbm>>) target(%arg18 : memref<80x64xf32, #tpu.memory_space<vmem>>) offsets(%dma_start3A_185 : memref<80xi32, #tpu.memory_space<vmem>>) semaphore(%arg25 : memref<!tpu.dma_semaphore, #tpu.memory_space<semaphore_mem>>)
    } else {
    }
    %eq3A_121 = arith.constant 1 : i32
    %eq3A_122 = arith.cmpi eq, %arg0, %eq3A_121 : i32
    %convert_element_type3A_123 = arith.extui %eq3A_122 : i1 to i32
    %cond3A_124 = arith.constant 0 : i32
    %cond3A_125 = arith.cmpi ne, %convert_element_type3A_123, %cond3A_124 : i32
    scf.if %cond3A_125 {
      %dma_start3A = arith.constant 2 : i32
      %dma_start3A_183 = arith.constant 0 : i32
      %dma_start3A_184 = tpu.memref_slice %arg14[%dma_start3A, %dma_start3A_183] : memref<250x80xi32, #tpu.memory_space<vmem>> -> memref<1x80xi32, #tpu.memory_space<vmem>>
      %dma_start3A_185 = tpu.memref_squeeze %dma_start3A_184 : memref<1x80xi32, #tpu.memory_space<vmem>> -> memref<80xi32, #tpu.memory_space<vmem>>
      %dma_start3A_186 = arith.constant 0 : i32
      %dma_start3A_187 = arith.constant 0 : i32
      %dma_start3A_188 = tpu.memref_slice %arg5[%dma_start3A_186, %dma_start3A_187] : memref<10000x64xf32, #tpu.memory_space<hbm>> -> memref<10000x64xf32, #tpu.memory_space<hbm>>
      tpu.enqueue_indirect_dma source(%dma_start3A_188 : memref<10000x64xf32, #tpu.memory_space<hbm>>) target(%arg18 : memref<80x64xf32, #tpu.memory_space<vmem>>) offsets(%dma_start3A_185 : memref<80xi32, #tpu.memory_space<vmem>>) semaphore(%arg25 : memref<!tpu.dma_semaphore, #tpu.memory_space<semaphore_mem>>)
    } else {
    }
    %eq3A_126 = arith.constant 0 : i32
    %eq3A_127 = arith.cmpi eq, %arg0, %eq3A_126 : i32
    %convert_element_type3A_128 = arith.extui %eq3A_127 : i1 to i32
    %cond3A_129 = arith.constant 0 : i32
    %cond3A_130 = arith.cmpi ne, %convert_element_type3A_128, %cond3A_129 : i32
    scf.if %cond3A_130 {
      %dma_start3A = arith.constant 3 : i32
      %dma_start3A_183 = arith.constant 0 : i32
      %dma_start3A_184 = tpu.memref_slice %arg14[%dma_start3A, %dma_start3A_183] : memref<250x80xi32, #tpu.memory_space<vmem>> -> memref<1x80xi32, #tpu.memory_space<vmem>>
      %dma_start3A_185 = tpu.memref_squeeze %dma_start3A_184 : memref<1x80xi32, #tpu.memory_space<vmem>> -> memref<80xi32, #tpu.memory_space<vmem>>
      %dma_start3A_186 = arith.constant 0 : i32
      %dma_start3A_187 = arith.constant 0 : i32
      %dma_start3A_188 = tpu.memref_slice %arg3[%dma_start3A_186, %dma_start3A_187] : memref<10000x64xf32, #tpu.memory_space<hbm>> -> memref<10000x64xf32, #tpu.memory_space<hbm>>
      tpu.enqueue_indirect_dma source(%dma_start3A_188 : memref<10000x64xf32, #tpu.memory_space<hbm>>) target(%arg19 : memref<80x64xf32, #tpu.memory_space<vmem>>) offsets(%dma_start3A_185 : memref<80xi32, #tpu.memory_space<vmem>>) semaphore(%arg26 : memref<!tpu.dma_semaphore, #tpu.memory_space<semaphore_mem>>)
    } else {
    }
    %eq3A_131 = arith.constant 1 : i32
    %eq3A_132 = arith.cmpi eq, %arg0, %eq3A_131 : i32
    %convert_element_type3A_133 = arith.extui %eq3A_132 : i1 to i32
    %cond3A_134 = arith.constant 0 : i32
    %cond3A_135 = arith.cmpi ne, %convert_element_type3A_133, %cond3A_134 : i32
    scf.if %cond3A_135 {
      %dma_start3A = arith.constant 3 : i32
      %dma_start3A_183 = arith.constant 0 : i32
      %dma_start3A_184 = tpu.memref_slice %arg14[%dma_start3A, %dma_start3A_183] : memref<250x80xi32, #tpu.memory_space<vmem>> -> memref<1x80xi32, #tpu.memory_space<vmem>>
      %dma_start3A_185 = tpu.memref_squeeze %dma_start3A_184 : memref<1x80xi32, #tpu.memory_space<vmem>> -> memref<80xi32, #tpu.memory_space<vmem>>
      %dma_start3A_186 = arith.constant 0 : i32
      %dma_start3A_187 = arith.constant 0 : i32
      %dma_start3A_188 = tpu.memref_slice %arg5[%dma_start3A_186, %dma_start3A_187] : memref<10000x64xf32, #tpu.memory_space<hbm>> -> memref<10000x64xf32, #tpu.memory_space<hbm>>
      tpu.enqueue_indirect_dma source(%dma_start3A_188 : memref<10000x64xf32, #tpu.memory_space<hbm>>) target(%arg19 : memref<80x64xf32, #tpu.memory_space<vmem>>) offsets(%dma_start3A_185 : memref<80xi32, #tpu.memory_space<vmem>>) semaphore(%arg26 : memref<!tpu.dma_semaphore, #tpu.memory_space<semaphore_mem>>)
    } else {
    }
    %eq3A_136 = arith.constant 0 : i32
    %eq3A_137 = arith.cmpi eq, %arg0, %eq3A_136 : i32
    %convert_element_type3A_138 = arith.extui %eq3A_137 : i1 to i32
    %cond3A_139 = arith.constant 0 : i32
    %cond3A_140 = arith.cmpi ne, %convert_element_type3A_138, %cond3A_139 : i32
    scf.if %cond3A_140 {
      %dma_start3A = arith.constant 4 : i32
      %dma_start3A_183 = arith.constant 0 : i32
      %dma_start3A_184 = tpu.memref_slice %arg14[%dma_start3A, %dma_start3A_183] : memref<250x80xi32, #tpu.memory_space<vmem>> -> memref<1x80xi32, #tpu.memory_space<vmem>>
      %dma_start3A_185 = tpu.memref_squeeze %dma_start3A_184 : memref<1x80xi32, #tpu.memory_space<vmem>> -> memref<80xi32, #tpu.memory_space<vmem>>
      %dma_start3A_186 = arith.constant 0 : i32
      %dma_start3A_187 = arith.constant 0 : i32
      %dma_start3A_188 = tpu.memref_slice %arg3[%dma_start3A_186, %dma_start3A_187] : memref<10000x64xf32, #tpu.memory_space<hbm>> -> memref<10000x64xf32, #tpu.memory_space<hbm>>
      tpu.enqueue_indirect_dma source(%dma_start3A_188 : memref<10000x64xf32, #tpu.memory_space<hbm>>) target(%arg20 : memref<80x64xf32, #tpu.memory_space<vmem>>) offsets(%dma_start3A_185 : memref<80xi32, #tpu.memory_space<vmem>>) semaphore(%arg27 : memref<!tpu.dma_semaphore, #tpu.memory_space<semaphore_mem>>)
    } else {
    }
    %eq3A_141 = arith.constant 1 : i32
    %eq3A_142 = arith.cmpi eq, %arg0, %eq3A_141 : i32
    %convert_element_type3A_143 = arith.extui %eq3A_142 : i1 to i32
    %cond3A_144 = arith.constant 0 : i32
    %cond3A_145 = arith.cmpi ne, %convert_element_type3A_143, %cond3A_144 : i32
    scf.if %cond3A_145 {
      %dma_start3A = arith.constant 4 : i32
      %dma_start3A_183 = arith.constant 0 : i32
      %dma_start3A_184 = tpu.memref_slice %arg14[%dma_start3A, %dma_start3A_183] : memref<250x80xi32, #tpu.memory_space<vmem>> -> memref<1x80xi32, #tpu.memory_space<vmem>>
      %dma_start3A_185 = tpu.memref_squeeze %dma_start3A_184 : memref<1x80xi32, #tpu.memory_space<vmem>> -> memref<80xi32, #tpu.memory_space<vmem>>
      %dma_start3A_186 = arith.constant 0 : i32
      %dma_start3A_187 = arith.constant 0 : i32
      %dma_start3A_188 = tpu.memref_slice %arg5[%dma_start3A_186, %dma_start3A_187] : memref<10000x64xf32, #tpu.memory_space<hbm>> -> memref<10000x64xf32, #tpu.memory_space<hbm>>
      tpu.enqueue_indirect_dma source(%dma_start3A_188 : memref<10000x64xf32, #tpu.memory_space<hbm>>) target(%arg20 : memref<80x64xf32, #tpu.memory_space<vmem>>) offsets(%dma_start3A_185 : memref<80xi32, #tpu.memory_space<vmem>>) semaphore(%arg27 : memref<!tpu.dma_semaphore, #tpu.memory_space<semaphore_mem>>)
    } else {
    }
    %mul3A_146 = arith.constant 640 : i32
    %mul3A_147 = arith.muli %arg1, %mul3A_146 : i32
    %add3A_148 = arith.constant 0 : i32
    %add3A_149 = arith.addi %mul3A_147, %add3A_148 : i32
    "tpu.region"() ({
      %run_scoped3A = tpu.sem_alloc : memref<!tpu.dma_semaphore, #tpu.memory_space<semaphore_mem>>
      %dma_start3A = arith.constant 0 : i32
      %dma_start3A_183 = tpu.memref_slice %arg22[%add3A_149, %dma_start3A] : memref<10240x64xf32, #tpu.memory_space<vmem_shared>> -> memref<128x64xf32, #tpu.memory_space<vmem_shared>>
      %dma_start3A_184 = arith.constant 0 : i32
      %dma_start3A_185 = tpu.memref_slice %arg22[%add3A_149, %dma_start3A_184] : memref<10240x64xf32, #tpu.memory_space<vmem_shared>> -> memref<128x64xf32, #tpu.memory_space<vmem_shared>>
      tpu.enqueue_dma source(%arg21 : memref<128x64xf32, #tpu.memory_space<vmem>>) target(%dma_start3A_185 : memref<128x64xf32, #tpu.memory_space<vmem_shared>>) target_semaphore(%run_scoped3A : memref<!tpu.dma_semaphore, #tpu.memory_space<semaphore_mem>>)
      %dma_wait3A = arith.constant 0 : i32
      %dma_wait3A_186 = tpu.memref_slice %arg22[%add3A_149, %dma_wait3A] : memref<10240x64xf32, #tpu.memory_space<vmem_shared>> -> memref<128x64xf32, #tpu.memory_space<vmem_shared>>
      %dma_wait3A_187 = arith.constant 0 : i32
      %dma_wait3A_188 = tpu.memref_slice %arg22[%add3A_149, %dma_wait3A_187] : memref<10240x64xf32, #tpu.memory_space<vmem_shared>> -> memref<128x64xf32, #tpu.memory_space<vmem_shared>>
      tpu.wait_dma2 semaphore(%run_scoped3A : memref<!tpu.dma_semaphore, #tpu.memory_space<semaphore_mem>>) src(%arg21 : memref<128x64xf32, #tpu.memory_space<vmem>>) dst(%dma_wait3A_188 : memref<128x64xf32, #tpu.memory_space<vmem_shared>>)
      tpu.yield
    }) : () -> ()
    %mul3A_150 = arith.constant 640 : i32
    %mul3A_151 = arith.muli %arg1, %mul3A_150 : i32
    %add3A_152 = arith.constant 128 : i32
    %add3A_153 = arith.addi %mul3A_151, %add3A_152 : i32
    "tpu.region"() ({
      %run_scoped3A = tpu.sem_alloc : memref<!tpu.dma_semaphore, #tpu.memory_space<semaphore_mem>>
      %dma_start3A = arith.constant 0 : i32
      %dma_start3A_183 = tpu.memref_slice %arg22[%add3A_153, %dma_start3A] : memref<10240x64xf32, #tpu.memory_space<vmem_shared>> -> memref<128x64xf32, #tpu.memory_space<vmem_shared>>
      %dma_start3A_184 = arith.constant 0 : i32
      %dma_start3A_185 = tpu.memref_slice %arg22[%add3A_153, %dma_start3A_184] : memref<10240x64xf32, #tpu.memory_space<vmem_shared>> -> memref<128x64xf32, #tpu.memory_space<vmem_shared>>
      tpu.enqueue_dma source(%arg21 : memref<128x64xf32, #tpu.memory_space<vmem>>) target(%dma_start3A_185 : memref<128x64xf32, #tpu.memory_space<vmem_shared>>) target_semaphore(%run_scoped3A : memref<!tpu.dma_semaphore, #tpu.memory_space<semaphore_mem>>)
      %dma_wait3A = arith.constant 0 : i32
      %dma_wait3A_186 = tpu.memref_slice %arg22[%add3A_153, %dma_wait3A] : memref<10240x64xf32, #tpu.memory_space<vmem_shared>> -> memref<128x64xf32, #tpu.memory_space<vmem_shared>>
      %dma_wait3A_187 = arith.constant 0 : i32
      %dma_wait3A_188 = tpu.memref_slice %arg22[%add3A_153, %dma_wait3A_187] : memref<10240x64xf32, #tpu.memory_space<vmem_shared>> -> memref<128x64xf32, #tpu.memory_space<vmem_shared>>
      tpu.wait_dma2 semaphore(%run_scoped3A : memref<!tpu.dma_semaphore, #tpu.memory_space<semaphore_mem>>) src(%arg21 : memref<128x64xf32, #tpu.memory_space<vmem>>) dst(%dma_wait3A_188 : memref<128x64xf32, #tpu.memory_space<vmem_shared>>)
      tpu.yield
    }) : () -> ()
    %mul3A_154 = arith.constant 640 : i32
    %mul3A_155 = arith.muli %arg1, %mul3A_154 : i32
    %add3A_156 = arith.constant 256 : i32
    %add3A_157 = arith.addi %mul3A_155, %add3A_156 : i32
    "tpu.region"() ({
      %run_scoped3A = tpu.sem_alloc : memref<!tpu.dma_semaphore, #tpu.memory_space<semaphore_mem>>
      %dma_start3A = arith.constant 0 : i32
      %dma_start3A_183 = tpu.memref_slice %arg22[%add3A_157, %dma_start3A] : memref<10240x64xf32, #tpu.memory_space<vmem_shared>> -> memref<128x64xf32, #tpu.memory_space<vmem_shared>>
      %dma_start3A_184 = arith.constant 0 : i32
      %dma_start3A_185 = tpu.memref_slice %arg22[%add3A_157, %dma_start3A_184] : memref<10240x64xf32, #tpu.memory_space<vmem_shared>> -> memref<128x64xf32, #tpu.memory_space<vmem_shared>>
      tpu.enqueue_dma source(%arg21 : memref<128x64xf32, #tpu.memory_space<vmem>>) target(%dma_start3A_185 : memref<128x64xf32, #tpu.memory_space<vmem_shared>>) target_semaphore(%run_scoped3A : memref<!tpu.dma_semaphore, #tpu.memory_space<semaphore_mem>>)
      %dma_wait3A = arith.constant 0 : i32
      %dma_wait3A_186 = tpu.memref_slice %arg22[%add3A_157, %dma_wait3A] : memref<10240x64xf32, #tpu.memory_space<vmem_shared>> -> memref<128x64xf32, #tpu.memory_space<vmem_shared>>
      %dma_wait3A_187 = arith.constant 0 : i32
      %dma_wait3A_188 = tpu.memref_slice %arg22[%add3A_157, %dma_wait3A_187] : memref<10240x64xf32, #tpu.memory_space<vmem_shared>> -> memref<128x64xf32, #tpu.memory_space<vmem_shared>>
      tpu.wait_dma2 semaphore(%run_scoped3A : memref<!tpu.dma_semaphore, #tpu.memory_space<semaphore_mem>>) src(%arg21 : memref<128x64xf32, #tpu.memory_space<vmem>>) dst(%dma_wait3A_188 : memref<128x64xf32, #tpu.memory_space<vmem_shared>>)
      tpu.yield
    }) : () -> ()
    %mul3A_158 = arith.constant 640 : i32
    %mul3A_159 = arith.muli %arg1, %mul3A_158 : i32
    %add3A_160 = arith.constant 384 : i32
    %add3A_161 = arith.addi %mul3A_159, %add3A_160 : i32
    "tpu.region"() ({
      %run_scoped3A = tpu.sem_alloc : memref<!tpu.dma_semaphore, #tpu.memory_space<semaphore_mem>>
      %dma_start3A = arith.constant 0 : i32
      %dma_start3A_183 = tpu.memref_slice %arg22[%add3A_161, %dma_start3A] : memref<10240x64xf32, #tpu.memory_space<vmem_shared>> -> memref<128x64xf32, #tpu.memory_space<vmem_shared>>
      %dma_start3A_184 = arith.constant 0 : i32
      %dma_start3A_185 = tpu.memref_slice %arg22[%add3A_161, %dma_start3A_184] : memref<10240x64xf32, #tpu.memory_space<vmem_shared>> -> memref<128x64xf32, #tpu.memory_space<vmem_shared>>
      tpu.enqueue_dma source(%arg21 : memref<128x64xf32, #tpu.memory_space<vmem>>) target(%dma_start3A_185 : memref<128x64xf32, #tpu.memory_space<vmem_shared>>) target_semaphore(%run_scoped3A : memref<!tpu.dma_semaphore, #tpu.memory_space<semaphore_mem>>)
      %dma_wait3A = arith.constant 0 : i32
      %dma_wait3A_186 = tpu.memref_slice %arg22[%add3A_161, %dma_wait3A] : memref<10240x64xf32, #tpu.memory_space<vmem_shared>> -> memref<128x64xf32, #tpu.memory_space<vmem_shared>>
      %dma_wait3A_187 = arith.constant 0 : i32
      %dma_wait3A_188 = tpu.memref_slice %arg22[%add3A_161, %dma_wait3A_187] : memref<10240x64xf32, #tpu.memory_space<vmem_shared>> -> memref<128x64xf32, #tpu.memory_space<vmem_shared>>
      tpu.wait_dma2 semaphore(%run_scoped3A : memref<!tpu.dma_semaphore, #tpu.memory_space<semaphore_mem>>) src(%arg21 : memref<128x64xf32, #tpu.memory_space<vmem>>) dst(%dma_wait3A_188 : memref<128x64xf32, #tpu.memory_space<vmem_shared>>)
      tpu.yield
    }) : () -> ()
    %mul3A_162 = arith.constant 640 : i32
    %mul3A_163 = arith.muli %arg1, %mul3A_162 : i32
    %add3A_164 = arith.constant 512 : i32
    %add3A_165 = arith.addi %mul3A_163, %add3A_164 : i32
    "tpu.region"() ({
      %run_scoped3A = tpu.sem_alloc : memref<!tpu.dma_semaphore, #tpu.memory_space<semaphore_mem>>
      %dma_start3A = arith.constant 0 : i32
      %dma_start3A_183 = tpu.memref_slice %arg22[%add3A_165, %dma_start3A] : memref<10240x64xf32, #tpu.memory_space<vmem_shared>> -> memref<128x64xf32, #tpu.memory_space<vmem_shared>>
      %dma_start3A_184 = arith.constant 0 : i32
      %dma_start3A_185 = tpu.memref_slice %arg22[%add3A_165, %dma_start3A_184] : memref<10240x64xf32, #tpu.memory_space<vmem_shared>> -> memref<128x64xf32, #tpu.memory_space<vmem_shared>>
      tpu.enqueue_dma source(%arg21 : memref<128x64xf32, #tpu.memory_space<vmem>>) target(%dma_start3A_185 : memref<128x64xf32, #tpu.memory_space<vmem_shared>>) target_semaphore(%run_scoped3A : memref<!tpu.dma_semaphore, #tpu.memory_space<semaphore_mem>>)
      %dma_wait3A = arith.constant 0 : i32
      %dma_wait3A_186 = tpu.memref_slice %arg22[%add3A_165, %dma_wait3A] : memref<10240x64xf32, #tpu.memory_space<vmem_shared>> -> memref<128x64xf32, #tpu.memory_space<vmem_shared>>
      %dma_wait3A_187 = arith.constant 0 : i32
      %dma_wait3A_188 = tpu.memref_slice %arg22[%add3A_165, %dma_wait3A_187] : memref<10240x64xf32, #tpu.memory_space<vmem_shared>> -> memref<128x64xf32, #tpu.memory_space<vmem_shared>>
      tpu.wait_dma2 semaphore(%run_scoped3A : memref<!tpu.dma_semaphore, #tpu.memory_space<semaphore_mem>>) src(%arg21 : memref<128x64xf32, #tpu.memory_space<vmem>>) dst(%dma_wait3A_188 : memref<128x64xf32, #tpu.memory_space<vmem_shared>>)
      tpu.yield
    }) : () -> ()
    %barrier3A_166 = arith.constant 0 : index
    tpu.barrier barrier_id(%barrier3A_166)
    %scan3A_167 = arith.constant 0 : i32
    %scan3A_168 = arith.constant 50 : i32
    %scan3A_169 = arith.addi %scan3A_167, %scan3A_168 : i32
    %scan3A_170 = arith.constant 1 : i32
    scf.for %scan3A_183 = %scan3A_167 to %scan3A_169 step %scan3A_170  : i32 {
      %mul3A_184 = arith.constant 5 : i32
      %mul3A_185 = arith.muli %scan3A_183, %mul3A_184 : i32
      %add3A_186 = arith.constant 0 : i32
      %add3A_187 = arith.addi %add3A_186, %mul3A_185 : i32
      %add3A_188 = arith.constant 0 : i32
      %add3A_189 = arith.addi %add3A_187, %add3A_188 : i32
      %dma_wait3A = arith.constant 0 : i32
      %dma_wait3A_190 = tpu.memref_slice %arg14[%add3A_189, %dma_wait3A] : memref<250x80xi32, #tpu.memory_space<vmem>> -> memref<1x80xi32, #tpu.memory_space<vmem>>
      %dma_wait3A_191 = tpu.memref_squeeze %dma_wait3A_190 : memref<1x80xi32, #tpu.memory_space<vmem>> -> memref<80xi32, #tpu.memory_space<vmem>>
      %dma_wait3A_192 = arith.constant 0 : i32
      %dma_wait3A_193 = arith.constant 0 : i32
      %dma_wait3A_194 = tpu.memref_slice %arg3[%dma_wait3A_192, %dma_wait3A_193] : memref<10000x64xf32, #tpu.memory_space<hbm>> -> memref<10000x64xf32, #tpu.memory_space<hbm>>
      tpu.wait_indirect_dma semaphore(%arg23 : memref<!tpu.dma_semaphore, #tpu.memory_space<semaphore_mem>>) src(%dma_wait3A_194 : memref<10000x64xf32, #tpu.memory_space<hbm>>) dst(%arg16 : memref<80x64xf32, #tpu.memory_space<vmem>>)
      %add3A_195 = arith.constant 0 : i32
      %add3A_196 = arith.addi %add3A_187, %add3A_195 : i32
      "tpu.region"() ({
        %run_scoped3A = tpu.sem_alloc : memref<!tpu.dma_semaphore, #tpu.memory_space<semaphore_mem>>
        %dma_start3A = arith.constant 0 : i32
        %dma_start3A_281 = tpu.memref_slice %arg15[%add3A_196, %dma_start3A] : memref<250x80xi32, #tpu.memory_space<vmem>> -> memref<1x80xi32, #tpu.memory_space<vmem>>
        %dma_start3A_282 = tpu.memref_squeeze %dma_start3A_281 : memref<1x80xi32, #tpu.memory_space<vmem>> -> memref<80xi32, #tpu.memory_space<vmem>>
        %dma_start3A_283 = arith.constant 0 : i32
        %dma_start3A_284 = arith.constant 0 : i32
        %dma_start3A_285 = tpu.memref_slice %arg22[%dma_start3A_283, %dma_start3A_284] : memref<10240x64xf32, #tpu.memory_space<vmem_shared>> -> memref<10240x64xf32, #tpu.memory_space<vmem_shared>>
        tpu.enqueue_indirect_dma source(%arg16 : memref<80x64xf32, #tpu.memory_space<vmem>>) target(%dma_start3A_285 : memref<10240x64xf32, #tpu.memory_space<vmem_shared>>) offsets(%dma_start3A_282 : memref<80xi32, #tpu.memory_space<vmem>>) semaphore(%run_scoped3A : memref<!tpu.dma_semaphore, #tpu.memory_space<semaphore_mem>>) {add = true}
        %dma_wait3A_286 = arith.constant 0 : i32
        %dma_wait3A_287 = tpu.memref_slice %arg15[%add3A_196, %dma_wait3A_286] : memref<250x80xi32, #tpu.memory_space<vmem>> -> memref<1x80xi32, #tpu.memory_space<vmem>>
        %dma_wait3A_288 = tpu.memref_squeeze %dma_wait3A_287 : memref<1x80xi32, #tpu.memory_space<vmem>> -> memref<80xi32, #tpu.memory_space<vmem>>
        %dma_wait3A_289 = arith.constant 0 : i32
        %dma_wait3A_290 = arith.constant 0 : i32
        %dma_wait3A_291 = tpu.memref_slice %arg22[%dma_wait3A_289, %dma_wait3A_290] : memref<10240x64xf32, #tpu.memory_space<vmem_shared>> -> memref<10240x64xf32, #tpu.memory_space<vmem_shared>>
        tpu.wait_indirect_dma semaphore(%run_scoped3A : memref<!tpu.dma_semaphore, #tpu.memory_space<semaphore_mem>>) src(%arg16 : memref<80x64xf32, #tpu.memory_space<vmem>>) dst(%dma_wait3A_291 : memref<10240x64xf32, #tpu.memory_space<vmem_shared>>)
        tpu.yield
      }) : () -> ()
      %add3A_197 = arith.constant 0 : i32
      %add3A_198 = arith.addi %add3A_187, %add3A_197 : i32
      %add3A_199 = arith.constant 5 : i32
      %add3A_200 = arith.addi %add3A_198, %add3A_199 : i32
      %lt3A = arith.constant 250 : i32
      %lt3A_201 = arith.cmpi slt, %add3A_200, %lt3A : i32
      %convert_element_type3A_202 = arith.extui %lt3A_201 : i1 to i32
      %cond3A_203 = arith.constant 0 : i32
      %cond3A_204 = arith.cmpi ne, %convert_element_type3A_202, %cond3A_203 : i32
      scf.if %cond3A_204 {
        %add3A_281 = arith.constant 0 : i32
        %add3A_282 = arith.addi %add3A_187, %add3A_281 : i32
        %add3A_283 = arith.constant 5 : i32
        %add3A_284 = arith.addi %add3A_282, %add3A_283 : i32
        %eq3A_285 = arith.constant 0 : i32
        %eq3A_286 = arith.cmpi eq, %arg0, %eq3A_285 : i32
        %convert_element_type3A_287 = arith.extui %eq3A_286 : i1 to i32
        %cond3A_288 = arith.constant 0 : i32
        %cond3A_289 = arith.cmpi ne, %convert_element_type3A_287, %cond3A_288 : i32
        scf.if %cond3A_289 {
          %dma_start3A = arith.constant 0 : i32
          %dma_start3A_295 = tpu.memref_slice %arg14[%add3A_284, %dma_start3A] : memref<250x80xi32, #tpu.memory_space<vmem>> -> memref<1x80xi32, #tpu.memory_space<vmem>>
          %dma_start3A_296 = tpu.memref_squeeze %dma_start3A_295 : memref<1x80xi32, #tpu.memory_space<vmem>> -> memref<80xi32, #tpu.memory_space<vmem>>
          %dma_start3A_297 = arith.constant 0 : i32
          %dma_start3A_298 = arith.constant 0 : i32
          %dma_start3A_299 = tpu.memref_slice %arg3[%dma_start3A_297, %dma_start3A_298] : memref<10000x64xf32, #tpu.memory_space<hbm>> -> memref<10000x64xf32, #tpu.memory_space<hbm>>
          tpu.enqueue_indirect_dma source(%dma_start3A_299 : memref<10000x64xf32, #tpu.memory_space<hbm>>) target(%arg16 : memref<80x64xf32, #tpu.memory_space<vmem>>) offsets(%dma_start3A_296 : memref<80xi32, #tpu.memory_space<vmem>>) semaphore(%arg23 : memref<!tpu.dma_semaphore, #tpu.memory_space<semaphore_mem>>)
        } else {
        }
        %eq3A_290 = arith.constant 1 : i32
        %eq3A_291 = arith.cmpi eq, %arg0, %eq3A_290 : i32
        %convert_element_type3A_292 = arith.extui %eq3A_291 : i1 to i32
        %cond3A_293 = arith.constant 0 : i32
        %cond3A_294 = arith.cmpi ne, %convert_element_type3A_292, %cond3A_293 : i32
        scf.if %cond3A_294 {
          %dma_start3A = arith.constant 0 : i32
          %dma_start3A_295 = tpu.memref_slice %arg14[%add3A_284, %dma_start3A] : memref<250x80xi32, #tpu.memory_space<vmem>> -> memref<1x80xi32, #tpu.memory_space<vmem>>
          %dma_start3A_296 = tpu.memref_squeeze %dma_start3A_295 : memref<1x80xi32, #tpu.memory_space<vmem>> -> memref<80xi32, #tpu.memory_space<vmem>>
          %dma_start3A_297 = arith.constant 0 : i32
          %dma_start3A_298 = arith.constant 0 : i32
          %dma_start3A_299 = tpu.memref_slice %arg5[%dma_start3A_297, %dma_start3A_298] : memref<10000x64xf32, #tpu.memory_space<hbm>> -> memref<10000x64xf32, #tpu.memory_space<hbm>>
          tpu.enqueue_indirect_dma source(%dma_start3A_299 : memref<10000x64xf32, #tpu.memory_space<hbm>>) target(%arg16 : memref<80x64xf32, #tpu.memory_space<vmem>>) offsets(%dma_start3A_296 : memref<80xi32, #tpu.memory_space<vmem>>) semaphore(%arg23 : memref<!tpu.dma_semaphore, #tpu.memory_space<semaphore_mem>>)
        } else {
        }
      } else {
      }
      %add3A_205 = arith.constant 1 : i32
      %add3A_206 = arith.addi %add3A_187, %add3A_205 : i32
      %dma_wait3A_207 = arith.constant 0 : i32
      %dma_wait3A_208 = tpu.memref_slice %arg14[%add3A_206, %dma_wait3A_207] : memref<250x80xi32, #tpu.memory_space<vmem>> -> memref<1x80xi32, #tpu.memory_space<vmem>>
      %dma_wait3A_209 = tpu.memref_squeeze %dma_wait3A_208 : memref<1x80xi32, #tpu.memory_space<vmem>> -> memref<80xi32, #tpu.memory_space<vmem>>
      %dma_wait3A_210 = arith.constant 0 : i32
      %dma_wait3A_211 = arith.constant 0 : i32
      %dma_wait3A_212 = tpu.memref_slice %arg3[%dma_wait3A_210, %dma_wait3A_211] : memref<10000x64xf32, #tpu.memory_space<hbm>> -> memref<10000x64xf32, #tpu.memory_space<hbm>>
      tpu.wait_indirect_dma semaphore(%arg24 : memref<!tpu.dma_semaphore, #tpu.memory_space<semaphore_mem>>) src(%dma_wait3A_212 : memref<10000x64xf32, #tpu.memory_space<hbm>>) dst(%arg17 : memref<80x64xf32, #tpu.memory_space<vmem>>)
      %add3A_213 = arith.constant 1 : i32
      %add3A_214 = arith.addi %add3A_187, %add3A_213 : i32
      "tpu.region"() ({
        %run_scoped3A = tpu.sem_alloc : memref<!tpu.dma_semaphore, #tpu.memory_space<semaphore_mem>>
        %dma_start3A = arith.constant 0 : i32
        %dma_start3A_281 = tpu.memref_slice %arg15[%add3A_214, %dma_start3A] : memref<250x80xi32, #tpu.memory_space<vmem>> -> memref<1x80xi32, #tpu.memory_space<vmem>>
        %dma_start3A_282 = tpu.memref_squeeze %dma_start3A_281 : memref<1x80xi32, #tpu.memory_space<vmem>> -> memref<80xi32, #tpu.memory_space<vmem>>
        %dma_start3A_283 = arith.constant 0 : i32
        %dma_start3A_284 = arith.constant 0 : i32
        %dma_start3A_285 = tpu.memref_slice %arg22[%dma_start3A_283, %dma_start3A_284] : memref<10240x64xf32, #tpu.memory_space<vmem_shared>> -> memref<10240x64xf32, #tpu.memory_space<vmem_shared>>
        tpu.enqueue_indirect_dma source(%arg17 : memref<80x64xf32, #tpu.memory_space<vmem>>) target(%dma_start3A_285 : memref<10240x64xf32, #tpu.memory_space<vmem_shared>>) offsets(%dma_start3A_282 : memref<80xi32, #tpu.memory_space<vmem>>) semaphore(%run_scoped3A : memref<!tpu.dma_semaphore, #tpu.memory_space<semaphore_mem>>) {add = true}
        %dma_wait3A_286 = arith.constant 0 : i32
        %dma_wait3A_287 = tpu.memref_slice %arg15[%add3A_214, %dma_wait3A_286] : memref<250x80xi32, #tpu.memory_space<vmem>> -> memref<1x80xi32, #tpu.memory_space<vmem>>
        %dma_wait3A_288 = tpu.memref_squeeze %dma_wait3A_287 : memref<1x80xi32, #tpu.memory_space<vmem>> -> memref<80xi32, #tpu.memory_space<vmem>>
        %dma_wait3A_289 = arith.constant 0 : i32
        %dma_wait3A_290 = arith.constant 0 : i32
        %dma_wait3A_291 = tpu.memref_slice %arg22[%dma_wait3A_289, %dma_wait3A_290] : memref<10240x64xf32, #tpu.memory_space<vmem_shared>> -> memref<10240x64xf32, #tpu.memory_space<vmem_shared>>
        tpu.wait_indirect_dma semaphore(%run_scoped3A : memref<!tpu.dma_semaphore, #tpu.memory_space<semaphore_mem>>) src(%arg17 : memref<80x64xf32, #tpu.memory_space<vmem>>) dst(%dma_wait3A_291 : memref<10240x64xf32, #tpu.memory_space<vmem_shared>>)
        tpu.yield
      }) : () -> ()
      %add3A_215 = arith.constant 1 : i32
      %add3A_216 = arith.addi %add3A_187, %add3A_215 : i32
      %add3A_217 = arith.constant 5 : i32
      %add3A_218 = arith.addi %add3A_216, %add3A_217 : i32
      %lt3A_219 = arith.constant 250 : i32
      %lt3A_220 = arith.cmpi slt, %add3A_218, %lt3A_219 : i32
      %convert_element_type3A_221 = arith.extui %lt3A_220 : i1 to i32
      %cond3A_222 = arith.constant 0 : i32
      %cond3A_223 = arith.cmpi ne, %convert_element_type3A_221, %cond3A_222 : i32
      scf.if %cond3A_223 {
        %add3A_281 = arith.constant 1 : i32
        %add3A_282 = arith.addi %add3A_187, %add3A_281 : i32
        %add3A_283 = arith.constant 5 : i32
        %add3A_284 = arith.addi %add3A_282, %add3A_283 : i32
        %eq3A_285 = arith.constant 0 : i32
        %eq3A_286 = arith.cmpi eq, %arg0, %eq3A_285 : i32
        %convert_element_type3A_287 = arith.extui %eq3A_286 : i1 to i32
        %cond3A_288 = arith.constant 0 : i32
        %cond3A_289 = arith.cmpi ne, %convert_element_type3A_287, %cond3A_288 : i32
        scf.if %cond3A_289 {
          %dma_start3A = arith.constant 0 : i32
          %dma_start3A_295 = tpu.memref_slice %arg14[%add3A_284, %dma_start3A] : memref<250x80xi32, #tpu.memory_space<vmem>> -> memref<1x80xi32, #tpu.memory_space<vmem>>
          %dma_start3A_296 = tpu.memref_squeeze %dma_start3A_295 : memref<1x80xi32, #tpu.memory_space<vmem>> -> memref<80xi32, #tpu.memory_space<vmem>>
          %dma_start3A_297 = arith.constant 0 : i32
          %dma_start3A_298 = arith.constant 0 : i32
          %dma_start3A_299 = tpu.memref_slice %arg3[%dma_start3A_297, %dma_start3A_298] : memref<10000x64xf32, #tpu.memory_space<hbm>> -> memref<10000x64xf32, #tpu.memory_space<hbm>>
          tpu.enqueue_indirect_dma source(%dma_start3A_299 : memref<10000x64xf32, #tpu.memory_space<hbm>>) target(%arg17 : memref<80x64xf32, #tpu.memory_space<vmem>>) offsets(%dma_start3A_296 : memref<80xi32, #tpu.memory_space<vmem>>) semaphore(%arg24 : memref<!tpu.dma_semaphore, #tpu.memory_space<semaphore_mem>>)
        } else {
        }
        %eq3A_290 = arith.constant 1 : i32
        %eq3A_291 = arith.cmpi eq, %arg0, %eq3A_290 : i32
        %convert_element_type3A_292 = arith.extui %eq3A_291 : i1 to i32
        %cond3A_293 = arith.constant 0 : i32
        %cond3A_294 = arith.cmpi ne, %convert_element_type3A_292, %cond3A_293 : i32
        scf.if %cond3A_294 {
          %dma_start3A = arith.constant 0 : i32
          %dma_start3A_295 = tpu.memref_slice %arg14[%add3A_284, %dma_start3A] : memref<250x80xi32, #tpu.memory_space<vmem>> -> memref<1x80xi32, #tpu.memory_space<vmem>>
          %dma_start3A_296 = tpu.memref_squeeze %dma_start3A_295 : memref<1x80xi32, #tpu.memory_space<vmem>> -> memref<80xi32, #tpu.memory_space<vmem>>
          %dma_start3A_297 = arith.constant 0 : i32
          %dma_start3A_298 = arith.constant 0 : i32
          %dma_start3A_299 = tpu.memref_slice %arg5[%dma_start3A_297, %dma_start3A_298] : memref<10000x64xf32, #tpu.memory_space<hbm>> -> memref<10000x64xf32, #tpu.memory_space<hbm>>
          tpu.enqueue_indirect_dma source(%dma_start3A_299 : memref<10000x64xf32, #tpu.memory_space<hbm>>) target(%arg17 : memref<80x64xf32, #tpu.memory_space<vmem>>) offsets(%dma_start3A_296 : memref<80xi32, #tpu.memory_space<vmem>>) semaphore(%arg24 : memref<!tpu.dma_semaphore, #tpu.memory_space<semaphore_mem>>)
        } else {
        }
      } else {
      }
      %add3A_224 = arith.constant 2 : i32
      %add3A_225 = arith.addi %add3A_187, %add3A_224 : i32
      %dma_wait3A_226 = arith.constant 0 : i32
      %dma_wait3A_227 = tpu.memref_slice %arg14[%add3A_225, %dma_wait3A_226] : memref<250x80xi32, #tpu.memory_space<vmem>> -> memref<1x80xi32, #tpu.memory_space<vmem>>
      %dma_wait3A_228 = tpu.memref_squeeze %dma_wait3A_227 : memref<1x80xi32, #tpu.memory_space<vmem>> -> memref<80xi32, #tpu.memory_space<vmem>>
      %dma_wait3A_229 = arith.constant 0 : i32
      %dma_wait3A_230 = arith.constant 0 : i32
      %dma_wait3A_231 = tpu.memref_slice %arg3[%dma_wait3A_229, %dma_wait3A_230] : memref<10000x64xf32, #tpu.memory_space<hbm>> -> memref<10000x64xf32, #tpu.memory_space<hbm>>
      tpu.wait_indirect_dma semaphore(%arg25 : memref<!tpu.dma_semaphore, #tpu.memory_space<semaphore_mem>>) src(%dma_wait3A_231 : memref<10000x64xf32, #tpu.memory_space<hbm>>) dst(%arg18 : memref<80x64xf32, #tpu.memory_space<vmem>>)
      %add3A_232 = arith.constant 2 : i32
      %add3A_233 = arith.addi %add3A_187, %add3A_232 : i32
      "tpu.region"() ({
        %run_scoped3A = tpu.sem_alloc : memref<!tpu.dma_semaphore, #tpu.memory_space<semaphore_mem>>
        %dma_start3A = arith.constant 0 : i32
        %dma_start3A_281 = tpu.memref_slice %arg15[%add3A_233, %dma_start3A] : memref<250x80xi32, #tpu.memory_space<vmem>> -> memref<1x80xi32, #tpu.memory_space<vmem>>
        %dma_start3A_282 = tpu.memref_squeeze %dma_start3A_281 : memref<1x80xi32, #tpu.memory_space<vmem>> -> memref<80xi32, #tpu.memory_space<vmem>>
        %dma_start3A_283 = arith.constant 0 : i32
        %dma_start3A_284 = arith.constant 0 : i32
        %dma_start3A_285 = tpu.memref_slice %arg22[%dma_start3A_283, %dma_start3A_284] : memref<10240x64xf32, #tpu.memory_space<vmem_shared>> -> memref<10240x64xf32, #tpu.memory_space<vmem_shared>>
        tpu.enqueue_indirect_dma source(%arg18 : memref<80x64xf32, #tpu.memory_space<vmem>>) target(%dma_start3A_285 : memref<10240x64xf32, #tpu.memory_space<vmem_shared>>) offsets(%dma_start3A_282 : memref<80xi32, #tpu.memory_space<vmem>>) semaphore(%run_scoped3A : memref<!tpu.dma_semaphore, #tpu.memory_space<semaphore_mem>>) {add = true}
        %dma_wait3A_286 = arith.constant 0 : i32
        %dma_wait3A_287 = tpu.memref_slice %arg15[%add3A_233, %dma_wait3A_286] : memref<250x80xi32, #tpu.memory_space<vmem>> -> memref<1x80xi32, #tpu.memory_space<vmem>>
        %dma_wait3A_288 = tpu.memref_squeeze %dma_wait3A_287 : memref<1x80xi32, #tpu.memory_space<vmem>> -> memref<80xi32, #tpu.memory_space<vmem>>
        %dma_wait3A_289 = arith.constant 0 : i32
        %dma_wait3A_290 = arith.constant 0 : i32
        %dma_wait3A_291 = tpu.memref_slice %arg22[%dma_wait3A_289, %dma_wait3A_290] : memref<10240x64xf32, #tpu.memory_space<vmem_shared>> -> memref<10240x64xf32, #tpu.memory_space<vmem_shared>>
        tpu.wait_indirect_dma semaphore(%run_scoped3A : memref<!tpu.dma_semaphore, #tpu.memory_space<semaphore_mem>>) src(%arg18 : memref<80x64xf32, #tpu.memory_space<vmem>>) dst(%dma_wait3A_291 : memref<10240x64xf32, #tpu.memory_space<vmem_shared>>)
        tpu.yield
      }) : () -> ()
      %add3A_234 = arith.constant 2 : i32
      %add3A_235 = arith.addi %add3A_187, %add3A_234 : i32
      %add3A_236 = arith.constant 5 : i32
      %add3A_237 = arith.addi %add3A_235, %add3A_236 : i32
      %lt3A_238 = arith.constant 250 : i32
      %lt3A_239 = arith.cmpi slt, %add3A_237, %lt3A_238 : i32
      %convert_element_type3A_240 = arith.extui %lt3A_239 : i1 to i32
      %cond3A_241 = arith.constant 0 : i32
      %cond3A_242 = arith.cmpi ne, %convert_element_type3A_240, %cond3A_241 : i32
      scf.if %cond3A_242 {
        %add3A_281 = arith.constant 2 : i32
        %add3A_282 = arith.addi %add3A_187, %add3A_281 : i32
        %add3A_283 = arith.constant 5 : i32
        %add3A_284 = arith.addi %add3A_282, %add3A_283 : i32
        %eq3A_285 = arith.constant 0 : i32
        %eq3A_286 = arith.cmpi eq, %arg0, %eq3A_285 : i32
        %convert_element_type3A_287 = arith.extui %eq3A_286 : i1 to i32
        %cond3A_288 = arith.constant 0 : i32
        %cond3A_289 = arith.cmpi ne, %convert_element_type3A_287, %cond3A_288 : i32
        scf.if %cond3A_289 {
          %dma_start3A = arith.constant 0 : i32
          %dma_start3A_295 = tpu.memref_slice %arg14[%add3A_284, %dma_start3A] : memref<250x80xi32, #tpu.memory_space<vmem>> -> memref<1x80xi32, #tpu.memory_space<vmem>>
          %dma_start3A_296 = tpu.memref_squeeze %dma_start3A_295 : memref<1x80xi32, #tpu.memory_space<vmem>> -> memref<80xi32, #tpu.memory_space<vmem>>
          %dma_start3A_297 = arith.constant 0 : i32
          %dma_start3A_298 = arith.constant 0 : i32
          %dma_start3A_299 = tpu.memref_slice %arg3[%dma_start3A_297, %dma_start3A_298] : memref<10000x64xf32, #tpu.memory_space<hbm>> -> memref<10000x64xf32, #tpu.memory_space<hbm>>
          tpu.enqueue_indirect_dma source(%dma_start3A_299 : memref<10000x64xf32, #tpu.memory_space<hbm>>) target(%arg18 : memref<80x64xf32, #tpu.memory_space<vmem>>) offsets(%dma_start3A_296 : memref<80xi32, #tpu.memory_space<vmem>>) semaphore(%arg25 : memref<!tpu.dma_semaphore, #tpu.memory_space<semaphore_mem>>)
        } else {
        }
        %eq3A_290 = arith.constant 1 : i32
        %eq3A_291 = arith.cmpi eq, %arg0, %eq3A_290 : i32
        %convert_element_type3A_292 = arith.extui %eq3A_291 : i1 to i32
        %cond3A_293 = arith.constant 0 : i32
        %cond3A_294 = arith.cmpi ne, %convert_element_type3A_292, %cond3A_293 : i32
        scf.if %cond3A_294 {
          %dma_start3A = arith.constant 0 : i32
          %dma_start3A_295 = tpu.memref_slice %arg14[%add3A_284, %dma_start3A] : memref<250x80xi32, #tpu.memory_space<vmem>> -> memref<1x80xi32, #tpu.memory_space<vmem>>
          %dma_start3A_296 = tpu.memref_squeeze %dma_start3A_295 : memref<1x80xi32, #tpu.memory_space<vmem>> -> memref<80xi32, #tpu.memory_space<vmem>>
          %dma_start3A_297 = arith.constant 0 : i32
          %dma_start3A_298 = arith.constant 0 : i32
          %dma_start3A_299 = tpu.memref_slice %arg5[%dma_start3A_297, %dma_start3A_298] : memref<10000x64xf32, #tpu.memory_space<hbm>> -> memref<10000x64xf32, #tpu.memory_space<hbm>>
          tpu.enqueue_indirect_dma source(%dma_start3A_299 : memref<10000x64xf32, #tpu.memory_space<hbm>>) target(%arg18 : memref<80x64xf32, #tpu.memory_space<vmem>>) offsets(%dma_start3A_296 : memref<80xi32, #tpu.memory_space<vmem>>) semaphore(%arg25 : memref<!tpu.dma_semaphore, #tpu.memory_space<semaphore_mem>>)
        } else {
        }
      } else {
      }
      %add3A_243 = arith.constant 3 : i32
      %add3A_244 = arith.addi %add3A_187, %add3A_243 : i32
      %dma_wait3A_245 = arith.constant 0 : i32
      %dma_wait3A_246 = tpu.memref_slice %arg14[%add3A_244, %dma_wait3A_245] : memref<250x80xi32, #tpu.memory_space<vmem>> -> memref<1x80xi32, #tpu.memory_space<vmem>>
      %dma_wait3A_247 = tpu.memref_squeeze %dma_wait3A_246 : memref<1x80xi32, #tpu.memory_space<vmem>> -> memref<80xi32, #tpu.memory_space<vmem>>
      %dma_wait3A_248 = arith.constant 0 : i32
      %dma_wait3A_249 = arith.constant 0 : i32
      %dma_wait3A_250 = tpu.memref_slice %arg3[%dma_wait3A_248, %dma_wait3A_249] : memref<10000x64xf32, #tpu.memory_space<hbm>> -> memref<10000x64xf32, #tpu.memory_space<hbm>>
      tpu.wait_indirect_dma semaphore(%arg26 : memref<!tpu.dma_semaphore, #tpu.memory_space<semaphore_mem>>) src(%dma_wait3A_250 : memref<10000x64xf32, #tpu.memory_space<hbm>>) dst(%arg19 : memref<80x64xf32, #tpu.memory_space<vmem>>)
      %add3A_251 = arith.constant 3 : i32
      %add3A_252 = arith.addi %add3A_187, %add3A_251 : i32
      "tpu.region"() ({
        %run_scoped3A = tpu.sem_alloc : memref<!tpu.dma_semaphore, #tpu.memory_space<semaphore_mem>>
        %dma_start3A = arith.constant 0 : i32
        %dma_start3A_281 = tpu.memref_slice %arg15[%add3A_252, %dma_start3A] : memref<250x80xi32, #tpu.memory_space<vmem>> -> memref<1x80xi32, #tpu.memory_space<vmem>>
        %dma_start3A_282 = tpu.memref_squeeze %dma_start3A_281 : memref<1x80xi32, #tpu.memory_space<vmem>> -> memref<80xi32, #tpu.memory_space<vmem>>
        %dma_start3A_283 = arith.constant 0 : i32
        %dma_start3A_284 = arith.constant 0 : i32
        %dma_start3A_285 = tpu.memref_slice %arg22[%dma_start3A_283, %dma_start3A_284] : memref<10240x64xf32, #tpu.memory_space<vmem_shared>> -> memref<10240x64xf32, #tpu.memory_space<vmem_shared>>
        tpu.enqueue_indirect_dma source(%arg19 : memref<80x64xf32, #tpu.memory_space<vmem>>) target(%dma_start3A_285 : memref<10240x64xf32, #tpu.memory_space<vmem_shared>>) offsets(%dma_start3A_282 : memref<80xi32, #tpu.memory_space<vmem>>) semaphore(%run_scoped3A : memref<!tpu.dma_semaphore, #tpu.memory_space<semaphore_mem>>) {add = true}
        %dma_wait3A_286 = arith.constant 0 : i32
        %dma_wait3A_287 = tpu.memref_slice %arg15[%add3A_252, %dma_wait3A_286] : memref<250x80xi32, #tpu.memory_space<vmem>> -> memref<1x80xi32, #tpu.memory_space<vmem>>
        %dma_wait3A_288 = tpu.memref_squeeze %dma_wait3A_287 : memref<1x80xi32, #tpu.memory_space<vmem>> -> memref<80xi32, #tpu.memory_space<vmem>>
        %dma_wait3A_289 = arith.constant 0 : i32
        %dma_wait3A_290 = arith.constant 0 : i32
        %dma_wait3A_291 = tpu.memref_slice %arg22[%dma_wait3A_289, %dma_wait3A_290] : memref<10240x64xf32, #tpu.memory_space<vmem_shared>> -> memref<10240x64xf32, #tpu.memory_space<vmem_shared>>
        tpu.wait_indirect_dma semaphore(%run_scoped3A : memref<!tpu.dma_semaphore, #tpu.memory_space<semaphore_mem>>) src(%arg19 : memref<80x64xf32, #tpu.memory_space<vmem>>) dst(%dma_wait3A_291 : memref<10240x64xf32, #tpu.memory_space<vmem_shared>>)
        tpu.yield
      }) : () -> ()
      %add3A_253 = arith.constant 3 : i32
      %add3A_254 = arith.addi %add3A_187, %add3A_253 : i32
      %add3A_255 = arith.constant 5 : i32
      %add3A_256 = arith.addi %add3A_254, %add3A_255 : i32
      %lt3A_257 = arith.constant 250 : i32
      %lt3A_258 = arith.cmpi slt, %add3A_256, %lt3A_257 : i32
      %convert_element_type3A_259 = arith.extui %lt3A_258 : i1 to i32
      %cond3A_260 = arith.constant 0 : i32
      %cond3A_261 = arith.cmpi ne, %convert_element_type3A_259, %cond3A_260 : i32
      scf.if %cond3A_261 {
        %add3A_281 = arith.constant 3 : i32
        %add3A_282 = arith.addi %add3A_187, %add3A_281 : i32
        %add3A_283 = arith.constant 5 : i32
        %add3A_284 = arith.addi %add3A_282, %add3A_283 : i32
        %eq3A_285 = arith.constant 0 : i32
        %eq3A_286 = arith.cmpi eq, %arg0, %eq3A_285 : i32
        %convert_element_type3A_287 = arith.extui %eq3A_286 : i1 to i32
        %cond3A_288 = arith.constant 0 : i32
        %cond3A_289 = arith.cmpi ne, %convert_element_type3A_287, %cond3A_288 : i32
        scf.if %cond3A_289 {
          %dma_start3A = arith.constant 0 : i32
          %dma_start3A_295 = tpu.memref_slice %arg14[%add3A_284, %dma_start3A] : memref<250x80xi32, #tpu.memory_space<vmem>> -> memref<1x80xi32, #tpu.memory_space<vmem>>
          %dma_start3A_296 = tpu.memref_squeeze %dma_start3A_295 : memref<1x80xi32, #tpu.memory_space<vmem>> -> memref<80xi32, #tpu.memory_space<vmem>>
          %dma_start3A_297 = arith.constant 0 : i32
          %dma_start3A_298 = arith.constant 0 : i32
          %dma_start3A_299 = tpu.memref_slice %arg3[%dma_start3A_297, %dma_start3A_298] : memref<10000x64xf32, #tpu.memory_space<hbm>> -> memref<10000x64xf32, #tpu.memory_space<hbm>>
          tpu.enqueue_indirect_dma source(%dma_start3A_299 : memref<10000x64xf32, #tpu.memory_space<hbm>>) target(%arg19 : memref<80x64xf32, #tpu.memory_space<vmem>>) offsets(%dma_start3A_296 : memref<80xi32, #tpu.memory_space<vmem>>) semaphore(%arg26 : memref<!tpu.dma_semaphore, #tpu.memory_space<semaphore_mem>>)
        } else {
        }
        %eq3A_290 = arith.constant 1 : i32
        %eq3A_291 = arith.cmpi eq, %arg0, %eq3A_290 : i32
        %convert_element_type3A_292 = arith.extui %eq3A_291 : i1 to i32
        %cond3A_293 = arith.constant 0 : i32
        %cond3A_294 = arith.cmpi ne, %convert_element_type3A_292, %cond3A_293 : i32
        scf.if %cond3A_294 {
          %dma_start3A = arith.constant 0 : i32
          %dma_start3A_295 = tpu.memref_slice %arg14[%add3A_284, %dma_start3A] : memref<250x80xi32, #tpu.memory_space<vmem>> -> memref<1x80xi32, #tpu.memory_space<vmem>>
          %dma_start3A_296 = tpu.memref_squeeze %dma_start3A_295 : memref<1x80xi32, #tpu.memory_space<vmem>> -> memref<80xi32, #tpu.memory_space<vmem>>
          %dma_start3A_297 = arith.constant 0 : i32
          %dma_start3A_298 = arith.constant 0 : i32
          %dma_start3A_299 = tpu.memref_slice %arg5[%dma_start3A_297, %dma_start3A_298] : memref<10000x64xf32, #tpu.memory_space<hbm>> -> memref<10000x64xf32, #tpu.memory_space<hbm>>
          tpu.enqueue_indirect_dma source(%dma_start3A_299 : memref<10000x64xf32, #tpu.memory_space<hbm>>) target(%arg19 : memref<80x64xf32, #tpu.memory_space<vmem>>) offsets(%dma_start3A_296 : memref<80xi32, #tpu.memory_space<vmem>>) semaphore(%arg26 : memref<!tpu.dma_semaphore, #tpu.memory_space<semaphore_mem>>)
        } else {
        }
      } else {
      }
      %add3A_262 = arith.constant 4 : i32
      %add3A_263 = arith.addi %add3A_187, %add3A_262 : i32
      %dma_wait3A_264 = arith.constant 0 : i32
      %dma_wait3A_265 = tpu.memref_slice %arg14[%add3A_263, %dma_wait3A_264] : memref<250x80xi32, #tpu.memory_space<vmem>> -> memref<1x80xi32, #tpu.memory_space<vmem>>
      %dma_wait3A_266 = tpu.memref_squeeze %dma_wait3A_265 : memref<1x80xi32, #tpu.memory_space<vmem>> -> memref<80xi32, #tpu.memory_space<vmem>>
      %dma_wait3A_267 = arith.constant 0 : i32
      %dma_wait3A_268 = arith.constant 0 : i32
      %dma_wait3A_269 = tpu.memref_slice %arg3[%dma_wait3A_267, %dma_wait3A_268] : memref<10000x64xf32, #tpu.memory_space<hbm>> -> memref<10000x64xf32, #tpu.memory_space<hbm>>
      tpu.wait_indirect_dma semaphore(%arg27 : memref<!tpu.dma_semaphore, #tpu.memory_space<semaphore_mem>>) src(%dma_wait3A_269 : memref<10000x64xf32, #tpu.memory_space<hbm>>) dst(%arg20 : memref<80x64xf32, #tpu.memory_space<vmem>>)
      %add3A_270 = arith.constant 4 : i32
      %add3A_271 = arith.addi %add3A_187, %add3A_270 : i32
      "tpu.region"() ({
        %run_scoped3A = tpu.sem_alloc : memref<!tpu.dma_semaphore, #tpu.memory_space<semaphore_mem>>
        %dma_start3A = arith.constant 0 : i32
        %dma_start3A_281 = tpu.memref_slice %arg15[%add3A_271, %dma_start3A] : memref<250x80xi32, #tpu.memory_space<vmem>> -> memref<1x80xi32, #tpu.memory_space<vmem>>
        %dma_start3A_282 = tpu.memref_squeeze %dma_start3A_281 : memref<1x80xi32, #tpu.memory_space<vmem>> -> memref<80xi32, #tpu.memory_space<vmem>>
        %dma_start3A_283 = arith.constant 0 : i32
        %dma_start3A_284 = arith.constant 0 : i32
        %dma_start3A_285 = tpu.memref_slice %arg22[%dma_start3A_283, %dma_start3A_284] : memref<10240x64xf32, #tpu.memory_space<vmem_shared>> -> memref<10240x64xf32, #tpu.memory_space<vmem_shared>>
        tpu.enqueue_indirect_dma source(%arg20 : memref<80x64xf32, #tpu.memory_space<vmem>>) target(%dma_start3A_285 : memref<10240x64xf32, #tpu.memory_space<vmem_shared>>) offsets(%dma_start3A_282 : memref<80xi32, #tpu.memory_space<vmem>>) semaphore(%run_scoped3A : memref<!tpu.dma_semaphore, #tpu.memory_space<semaphore_mem>>) {add = true}
        %dma_wait3A_286 = arith.constant 0 : i32
        %dma_wait3A_287 = tpu.memref_slice %arg15[%add3A_271, %dma_wait3A_286] : memref<250x80xi32, #tpu.memory_space<vmem>> -> memref<1x80xi32, #tpu.memory_space<vmem>>
        %dma_wait3A_288 = tpu.memref_squeeze %dma_wait3A_287 : memref<1x80xi32, #tpu.memory_space<vmem>> -> memref<80xi32, #tpu.memory_space<vmem>>
        %dma_wait3A_289 = arith.constant 0 : i32
        %dma_wait3A_290 = arith.constant 0 : i32
        %dma_wait3A_291 = tpu.memref_slice %arg22[%dma_wait3A_289, %dma_wait3A_290] : memref<10240x64xf32, #tpu.memory_space<vmem_shared>> -> memref<10240x64xf32, #tpu.memory_space<vmem_shared>>
        tpu.wait_indirect_dma semaphore(%run_scoped3A : memref<!tpu.dma_semaphore, #tpu.memory_space<semaphore_mem>>) src(%arg20 : memref<80x64xf32, #tpu.memory_space<vmem>>) dst(%dma_wait3A_291 : memref<10240x64xf32, #tpu.memory_space<vmem_shared>>)
        tpu.yield
      }) : () -> ()
      %add3A_272 = arith.constant 4 : i32
      %add3A_273 = arith.addi %add3A_187, %add3A_272 : i32
      %add3A_274 = arith.constant 5 : i32
      %add3A_275 = arith.addi %add3A_273, %add3A_274 : i32
      %lt3A_276 = arith.constant 250 : i32
      %lt3A_277 = arith.cmpi slt, %add3A_275, %lt3A_276 : i32
      %convert_element_type3A_278 = arith.extui %lt3A_277 : i1 to i32
      %cond3A_279 = arith.constant 0 : i32
      %cond3A_280 = arith.cmpi ne, %convert_element_type3A_278, %cond3A_279 : i32
      scf.if %cond3A_280 {
        %add3A_281 = arith.constant 4 : i32
        %add3A_282 = arith.addi %add3A_187, %add3A_281 : i32
        %add3A_283 = arith.constant 5 : i32
        %add3A_284 = arith.addi %add3A_282, %add3A_283 : i32
        %eq3A_285 = arith.constant 0 : i32
        %eq3A_286 = arith.cmpi eq, %arg0, %eq3A_285 : i32
        %convert_element_type3A_287 = arith.extui %eq3A_286 : i1 to i32
        %cond3A_288 = arith.constant 0 : i32
        %cond3A_289 = arith.cmpi ne, %convert_element_type3A_287, %cond3A_288 : i32
        scf.if %cond3A_289 {
          %dma_start3A = arith.constant 0 : i32
          %dma_start3A_295 = tpu.memref_slice %arg14[%add3A_284, %dma_start3A] : memref<250x80xi32, #tpu.memory_space<vmem>> -> memref<1x80xi32, #tpu.memory_space<vmem>>
          %dma_start3A_296 = tpu.memref_squeeze %dma_start3A_295 : memref<1x80xi32, #tpu.memory_space<vmem>> -> memref<80xi32, #tpu.memory_space<vmem>>
          %dma_start3A_297 = arith.constant 0 : i32
          %dma_start3A_298 = arith.constant 0 : i32
          %dma_start3A_299 = tpu.memref_slice %arg3[%dma_start3A_297, %dma_start3A_298] : memref<10000x64xf32, #tpu.memory_space<hbm>> -> memref<10000x64xf32, #tpu.memory_space<hbm>>
          tpu.enqueue_indirect_dma source(%dma_start3A_299 : memref<10000x64xf32, #tpu.memory_space<hbm>>) target(%arg20 : memref<80x64xf32, #tpu.memory_space<vmem>>) offsets(%dma_start3A_296 : memref<80xi32, #tpu.memory_space<vmem>>) semaphore(%arg27 : memref<!tpu.dma_semaphore, #tpu.memory_space<semaphore_mem>>)
        } else {
        }
        %eq3A_290 = arith.constant 1 : i32
        %eq3A_291 = arith.cmpi eq, %arg0, %eq3A_290 : i32
        %convert_element_type3A_292 = arith.extui %eq3A_291 : i1 to i32
        %cond3A_293 = arith.constant 0 : i32
        %cond3A_294 = arith.cmpi ne, %convert_element_type3A_292, %cond3A_293 : i32
        scf.if %cond3A_294 {
          %dma_start3A = arith.constant 0 : i32
          %dma_start3A_295 = tpu.memref_slice %arg14[%add3A_284, %dma_start3A] : memref<250x80xi32, #tpu.memory_space<vmem>> -> memref<1x80xi32, #tpu.memory_space<vmem>>
          %dma_start3A_296 = tpu.memref_squeeze %dma_start3A_295 : memref<1x80xi32, #tpu.memory_space<vmem>> -> memref<80xi32, #tpu.memory_space<vmem>>
          %dma_start3A_297 = arith.constant 0 : i32
          %dma_start3A_298 = arith.constant 0 : i32
          %dma_start3A_299 = tpu.memref_slice %arg5[%dma_start3A_297, %dma_start3A_298] : memref<10000x64xf32, #tpu.memory_space<hbm>> -> memref<10000x64xf32, #tpu.memory_space<hbm>>
          tpu.enqueue_indirect_dma source(%dma_start3A_299 : memref<10000x64xf32, #tpu.memory_space<hbm>>) target(%arg20 : memref<80x64xf32, #tpu.memory_space<vmem>>) offsets(%dma_start3A_296 : memref<80xi32, #tpu.memory_space<vmem>>) semaphore(%arg27 : memref<!tpu.dma_semaphore, #tpu.memory_space<semaphore_mem>>)
        } else {
        }
      } else {
      }
    }
    %scan3A_171 = arith.constant 50 : i32
    %barrier3A_172 = arith.constant 0 : index
    tpu.barrier barrier_id(%barrier3A_172)
    %eq3A_173 = arith.constant 0 : i32
    %eq3A_174 = arith.cmpi eq, %arg0, %eq3A_173 : i32
    %convert_element_type3A_175 = arith.extui %eq3A_174 : i1 to i32
    %cond3A_176 = arith.constant 0 : i32
    %cond3A_177 = arith.cmpi ne, %convert_element_type3A_175, %cond3A_176 : i32
    scf.if %cond3A_177 {
      %mul3A_183 = arith.constant 640 : i32
      %mul3A_184 = arith.muli %arg1, %mul3A_183 : i32
      %mul3A_185 = arith.constant 640 : i32
      %mul3A_186 = arith.muli %arg1, %mul3A_185 : i32
      "tpu.region"() ({
        %run_scoped3A = tpu.sem_alloc : memref<!tpu.dma_semaphore, #tpu.memory_space<semaphore_mem>>
        %dma_start3A = arith.constant 0 : i32
        %dma_start3A_187 = tpu.memref_slice %arg11[%mul3A_186, %dma_start3A] : memref<10240x64xf32, #tpu.memory_space<hbm>> -> memref<640x64xf32, #tpu.memory_space<hbm>>
        %dma_start3A_188 = arith.constant 0 : i32
        %dma_start3A_189 = tpu.memref_slice %arg22[%mul3A_184, %dma_start3A_188] : memref<10240x64xf32, #tpu.memory_space<vmem_shared>> -> memref<640x64xf32, #tpu.memory_space<vmem_shared>>
        tpu.enqueue_dma source(%dma_start3A_189 : memref<640x64xf32, #tpu.memory_space<vmem_shared>>) target(%dma_start3A_187 : memref<640x64xf32, #tpu.memory_space<hbm>>) target_semaphore(%run_scoped3A : memref<!tpu.dma_semaphore, #tpu.memory_space<semaphore_mem>>)
        %dma_wait3A = arith.constant 0 : i32
        %dma_wait3A_190 = tpu.memref_slice %arg11[%mul3A_186, %dma_wait3A] : memref<10240x64xf32, #tpu.memory_space<hbm>> -> memref<640x64xf32, #tpu.memory_space<hbm>>
        %dma_wait3A_191 = arith.constant 0 : i32
        %dma_wait3A_192 = tpu.memref_slice %arg22[%mul3A_184, %dma_wait3A_191] : memref<10240x64xf32, #tpu.memory_space<vmem_shared>> -> memref<640x64xf32, #tpu.memory_space<vmem_shared>>
        tpu.wait_dma2 semaphore(%run_scoped3A : memref<!tpu.dma_semaphore, #tpu.memory_space<semaphore_mem>>) src(%dma_wait3A_192 : memref<640x64xf32, #tpu.memory_space<vmem_shared>>) dst(%dma_wait3A_190 : memref<640x64xf32, #tpu.memory_space<hbm>>)
        tpu.yield
      }) : () -> ()
    } else {
    }
    %eq3A_178 = arith.constant 1 : i32
    %eq3A_179 = arith.cmpi eq, %arg0, %eq3A_178 : i32
    %convert_element_type3A_180 = arith.extui %eq3A_179 : i1 to i32
    %cond3A_181 = arith.constant 0 : i32
    %cond3A_182 = arith.cmpi ne, %convert_element_type3A_180, %cond3A_181 : i32
    scf.if %cond3A_182 {
      %mul3A_183 = arith.constant 640 : i32
      %mul3A_184 = arith.muli %arg1, %mul3A_183 : i32
      %mul3A_185 = arith.constant 640 : i32
      %mul3A_186 = arith.muli %arg1, %mul3A_185 : i32
      "tpu.region"() ({
        %run_scoped3A = tpu.sem_alloc : memref<!tpu.dma_semaphore, #tpu.memory_space<semaphore_mem>>
        %dma_start3A = arith.constant 0 : i32
        %dma_start3A_187 = tpu.memref_slice %arg13[%mul3A_186, %dma_start3A] : memref<10240x64xf32, #tpu.memory_space<hbm>> -> memref<640x64xf32, #tpu.memory_space<hbm>>
        %dma_start3A_188 = arith.constant 0 : i32
        %dma_start3A_189 = tpu.memref_slice %arg22[%mul3A_184, %dma_start3A_188] : memref<10240x64xf32, #tpu.memory_space<vmem_shared>> -> memref<640x64xf32, #tpu.memory_space<vmem_shared>>
        tpu.enqueue_dma source(%dma_start3A_189 : memref<640x64xf32, #tpu.memory_space<vmem_shared>>) target(%dma_start3A_187 : memref<640x64xf32, #tpu.memory_space<hbm>>) target_semaphore(%run_scoped3A : memref<!tpu.dma_semaphore, #tpu.memory_space<semaphore_mem>>)
        %dma_wait3A = arith.constant 0 : i32
        %dma_wait3A_190 = tpu.memref_slice %arg13[%mul3A_186, %dma_wait3A] : memref<10240x64xf32, #tpu.memory_space<hbm>> -> memref<640x64xf32, #tpu.memory_space<hbm>>
        %dma_wait3A_191 = arith.constant 0 : i32
        %dma_wait3A_192 = tpu.memref_slice %arg22[%mul3A_184, %dma_wait3A_191] : memref<10240x64xf32, #tpu.memory_space<vmem_shared>> -> memref<640x64xf32, #tpu.memory_space<vmem_shared>>
        tpu.wait_dma2 semaphore(%run_scoped3A : memref<!tpu.dma_semaphore, #tpu.memory_space<semaphore_mem>>) src(%dma_wait3A_192 : memref<640x64xf32, #tpu.memory_space<vmem_shared>>) dst(%dma_wait3A_190 : memref<640x64xf32, #tpu.memory_space<hbm>>)
        tpu.yield
      }) : () -> ()
    } else {
    }
    return
  }
}

#map = affine_map<(d0, d1) -> (0, 0, 0)>
#map1 = affine_map<(d0, d1) -> (0, 0)>
module attributes {stable_mosaic.version = 14 : i64} {
  func.func @_hist_body(%arg0: i32, %arg1: i32, %arg2: memref<16x250x80xi32, #tpu.memory_space<hbm>>, %arg3: memref<16x250x80xi32, #tpu.memory_space<hbm>>, %arg4: memref<16x250x80xi32, #tpu.memory_space<hbm>>, %arg5: memref<16x250x80xi32, #tpu.memory_space<hbm>>, %arg6: memref<4x10240xf32, #tpu.memory_space<hbm>>, %arg7: memref<250x80xi32, #tpu.memory_space<vmem>>, %arg8: memref<250x80xi32, #tpu.memory_space<vmem>>, %arg9: memref<80xf32, #tpu.memory_space<vmem>>, %arg10: memref<640xf32, #tpu.memory_space<vmem>>, %arg11: memref<10240xf32, #tpu.memory_space<vmem_shared>>, %arg12: memref<10240xf32, #tpu.memory_space<vmem_shared>>) attributes {dimension_semantics = [#tpu.dimension_semantics<core_parallel>, #tpu.dimension_semantics<subcore_parallel>], iteration_bounds = array<i64: 2, 16>, scalar_prefetch = 0 : i64, scratch_operands = 6 : i64, tpu.core_type = #tpu.core_type<sc_vector_subcore>, window_params = [{transform_indices = #map}, {transform_indices = #map}, {transform_indices = #map}, {transform_indices = #map}, {transform_indices = #map1}]} {
    %broadcast_in_dim3A = arith.constant 0.000000e+00 : f32
    %broadcast_in_dim3A_0 = vector.broadcast %broadcast_in_dim3A : f32 to vector<16xf32>
    %broadcast_in_dim3A_1 = arith.constant 1.000000e+00 : f32
    %broadcast_in_dim3A_2 = vector.broadcast %broadcast_in_dim3A_1 : f32 to vector<16xf32>
    %swap3A = arith.constant 0 : index
    %swap3A_3 = tpu.vector_load %arg10[%swap3A] {strides = array<i32>} : memref<640xf32, #tpu.memory_space<vmem>>, vector<16xf32>,
    %swap3A_4 = vector.shape_cast %swap3A_3 : vector<16xf32> to vector<16xf32>
    %swap3A_5 = vector.shape_cast %broadcast_in_dim3A_0 : vector<16xf32> to vector<16xf32>
    tpu.vector_store %arg10[%swap3A], %swap3A_5 {strides = array<i32>} : memref<640xf32, #tpu.memory_space<vmem>>, vector<16xf32>,
    %swap3A_6 = arith.constant 16 : index
    %swap3A_7 = tpu.vector_load %arg10[%swap3A_6] {strides = array<i32>} : memref<640xf32, #tpu.memory_space<vmem>>, vector<16xf32>,
    %swap3A_8 = vector.shape_cast %swap3A_7 : vector<16xf32> to vector<16xf32>
    %swap3A_9 = vector.shape_cast %broadcast_in_dim3A_0 : vector<16xf32> to vector<16xf32>
    tpu.vector_store %arg10[%swap3A_6], %swap3A_9 {strides = array<i32>} : memref<640xf32, #tpu.memory_space<vmem>>, vector<16xf32>,
    %swap3A_10 = arith.constant 32 : index
    %swap3A_11 = tpu.vector_load %arg10[%swap3A_10] {strides = array<i32>} : memref<640xf32, #tpu.memory_space<vmem>>, vector<16xf32>,
    %swap3A_12 = vector.shape_cast %swap3A_11 : vector<16xf32> to vector<16xf32>
    %swap3A_13 = vector.shape_cast %broadcast_in_dim3A_0 : vector<16xf32> to vector<16xf32>
    tpu.vector_store %arg10[%swap3A_10], %swap3A_13 {strides = array<i32>} : memref<640xf32, #tpu.memory_space<vmem>>, vector<16xf32>,
    %swap3A_14 = arith.constant 48 : index
    %swap3A_15 = tpu.vector_load %arg10[%swap3A_14] {strides = array<i32>} : memref<640xf32, #tpu.memory_space<vmem>>, vector<16xf32>,
    %swap3A_16 = vector.shape_cast %swap3A_15 : vector<16xf32> to vector<16xf32>
    %swap3A_17 = vector.shape_cast %broadcast_in_dim3A_0 : vector<16xf32> to vector<16xf32>
    tpu.vector_store %arg10[%swap3A_14], %swap3A_17 {strides = array<i32>} : memref<640xf32, #tpu.memory_space<vmem>>, vector<16xf32>,
    %swap3A_18 = arith.constant 64 : index
    %swap3A_19 = tpu.vector_load %arg10[%swap3A_18] {strides = array<i32>} : memref<640xf32, #tpu.memory_space<vmem>>, vector<16xf32>,
    %swap3A_20 = vector.shape_cast %swap3A_19 : vector<16xf32> to vector<16xf32>
    %swap3A_21 = vector.shape_cast %broadcast_in_dim3A_0 : vector<16xf32> to vector<16xf32>
    tpu.vector_store %arg10[%swap3A_18], %swap3A_21 {strides = array<i32>} : memref<640xf32, #tpu.memory_space<vmem>>, vector<16xf32>,
    %swap3A_22 = arith.constant 80 : index
    %swap3A_23 = tpu.vector_load %arg10[%swap3A_22] {strides = array<i32>} : memref<640xf32, #tpu.memory_space<vmem>>, vector<16xf32>,
    %swap3A_24 = vector.shape_cast %swap3A_23 : vector<16xf32> to vector<16xf32>
    %swap3A_25 = vector.shape_cast %broadcast_in_dim3A_0 : vector<16xf32> to vector<16xf32>
    tpu.vector_store %arg10[%swap3A_22], %swap3A_25 {strides = array<i32>} : memref<640xf32, #tpu.memory_space<vmem>>, vector<16xf32>,
    %swap3A_26 = arith.constant 96 : index
    %swap3A_27 = tpu.vector_load %arg10[%swap3A_26] {strides = array<i32>} : memref<640xf32, #tpu.memory_space<vmem>>, vector<16xf32>,
    %swap3A_28 = vector.shape_cast %swap3A_27 : vector<16xf32> to vector<16xf32>
    %swap3A_29 = vector.shape_cast %broadcast_in_dim3A_0 : vector<16xf32> to vector<16xf32>
    tpu.vector_store %arg10[%swap3A_26], %swap3A_29 {strides = array<i32>} : memref<640xf32, #tpu.memory_space<vmem>>, vector<16xf32>,
    %swap3A_30 = arith.constant 112 : index
    %swap3A_31 = tpu.vector_load %arg10[%swap3A_30] {strides = array<i32>} : memref<640xf32, #tpu.memory_space<vmem>>, vector<16xf32>,
    %swap3A_32 = vector.shape_cast %swap3A_31 : vector<16xf32> to vector<16xf32>
    %swap3A_33 = vector.shape_cast %broadcast_in_dim3A_0 : vector<16xf32> to vector<16xf32>
    tpu.vector_store %arg10[%swap3A_30], %swap3A_33 {strides = array<i32>} : memref<640xf32, #tpu.memory_space<vmem>>, vector<16xf32>,
    %swap3A_34 = arith.constant 128 : index
    %swap3A_35 = tpu.vector_load %arg10[%swap3A_34] {strides = array<i32>} : memref<640xf32, #tpu.memory_space<vmem>>, vector<16xf32>,
    %swap3A_36 = vector.shape_cast %swap3A_35 : vector<16xf32> to vector<16xf32>
    %swap3A_37 = vector.shape_cast %broadcast_in_dim3A_0 : vector<16xf32> to vector<16xf32>
    tpu.vector_store %arg10[%swap3A_34], %swap3A_37 {strides = array<i32>} : memref<640xf32, #tpu.memory_space<vmem>>, vector<16xf32>,
    %swap3A_38 = arith.constant 144 : index
    %swap3A_39 = tpu.vector_load %arg10[%swap3A_38] {strides = array<i32>} : memref<640xf32, #tpu.memory_space<vmem>>, vector<16xf32>,
    %swap3A_40 = vector.shape_cast %swap3A_39 : vector<16xf32> to vector<16xf32>
    %swap3A_41 = vector.shape_cast %broadcast_in_dim3A_0 : vector<16xf32> to vector<16xf32>
    tpu.vector_store %arg10[%swap3A_38], %swap3A_41 {strides = array<i32>} : memref<640xf32, #tpu.memory_space<vmem>>, vector<16xf32>,
    %swap3A_42 = arith.constant 160 : index
    %swap3A_43 = tpu.vector_load %arg10[%swap3A_42] {strides = array<i32>} : memref<640xf32, #tpu.memory_space<vmem>>, vector<16xf32>,
    %swap3A_44 = vector.shape_cast %swap3A_43 : vector<16xf32> to vector<16xf32>
    %swap3A_45 = vector.shape_cast %broadcast_in_dim3A_0 : vector<16xf32> to vector<16xf32>
    tpu.vector_store %arg10[%swap3A_42], %swap3A_45 {strides = array<i32>} : memref<640xf32, #tpu.memory_space<vmem>>, vector<16xf32>,
    %swap3A_46 = arith.constant 176 : index
    %swap3A_47 = tpu.vector_load %arg10[%swap3A_46] {strides = array<i32>} : memref<640xf32, #tpu.memory_space<vmem>>, vector<16xf32>,
    %swap3A_48 = vector.shape_cast %swap3A_47 : vector<16xf32> to vector<16xf32>
    %swap3A_49 = vector.shape_cast %broadcast_in_dim3A_0 : vector<16xf32> to vector<16xf32>
    tpu.vector_store %arg10[%swap3A_46], %swap3A_49 {strides = array<i32>} : memref<640xf32, #tpu.memory_space<vmem>>, vector<16xf32>,
    %swap3A_50 = arith.constant 192 : index
    %swap3A_51 = tpu.vector_load %arg10[%swap3A_50] {strides = array<i32>} : memref<640xf32, #tpu.memory_space<vmem>>, vector<16xf32>,
    %swap3A_52 = vector.shape_cast %swap3A_51 : vector<16xf32> to vector<16xf32>
    %swap3A_53 = vector.shape_cast %broadcast_in_dim3A_0 : vector<16xf32> to vector<16xf32>
    tpu.vector_store %arg10[%swap3A_50], %swap3A_53 {strides = array<i32>} : memref<640xf32, #tpu.memory_space<vmem>>, vector<16xf32>,
    %swap3A_54 = arith.constant 208 : index
    %swap3A_55 = tpu.vector_load %arg10[%swap3A_54] {strides = array<i32>} : memref<640xf32, #tpu.memory_space<vmem>>, vector<16xf32>,
    %swap3A_56 = vector.shape_cast %swap3A_55 : vector<16xf32> to vector<16xf32>
    %swap3A_57 = vector.shape_cast %broadcast_in_dim3A_0 : vector<16xf32> to vector<16xf32>
    tpu.vector_store %arg10[%swap3A_54], %swap3A_57 {strides = array<i32>} : memref<640xf32, #tpu.memory_space<vmem>>, vector<16xf32>,
    %swap3A_58 = arith.constant 224 : index
    %swap3A_59 = tpu.vector_load %arg10[%swap3A_58] {strides = array<i32>} : memref<640xf32, #tpu.memory_space<vmem>>, vector<16xf32>,
    %swap3A_60 = vector.shape_cast %swap3A_59 : vector<16xf32> to vector<16xf32>
    %swap3A_61 = vector.shape_cast %broadcast_in_dim3A_0 : vector<16xf32> to vector<16xf32>
    tpu.vector_store %arg10[%swap3A_58], %swap3A_61 {strides = array<i32>} : memref<640xf32, #tpu.memory_space<vmem>>, vector<16xf32>,
    %swap3A_62 = arith.constant 240 : index
    %swap3A_63 = tpu.vector_load %arg10[%swap3A_62] {strides = array<i32>} : memref<640xf32, #tpu.memory_space<vmem>>, vector<16xf32>,
    %swap3A_64 = vector.shape_cast %swap3A_63 : vector<16xf32> to vector<16xf32>
    %swap3A_65 = vector.shape_cast %broadcast_in_dim3A_0 : vector<16xf32> to vector<16xf32>
    tpu.vector_store %arg10[%swap3A_62], %swap3A_65 {strides = array<i32>} : memref<640xf32, #tpu.memory_space<vmem>>, vector<16xf32>,
    %swap3A_66 = arith.constant 256 : index
    %swap3A_67 = tpu.vector_load %arg10[%swap3A_66] {strides = array<i32>} : memref<640xf32, #tpu.memory_space<vmem>>, vector<16xf32>,
    %swap3A_68 = vector.shape_cast %swap3A_67 : vector<16xf32> to vector<16xf32>
    %swap3A_69 = vector.shape_cast %broadcast_in_dim3A_0 : vector<16xf32> to vector<16xf32>
    tpu.vector_store %arg10[%swap3A_66], %swap3A_69 {strides = array<i32>} : memref<640xf32, #tpu.memory_space<vmem>>, vector<16xf32>,
    %swap3A_70 = arith.constant 272 : index
    %swap3A_71 = tpu.vector_load %arg10[%swap3A_70] {strides = array<i32>} : memref<640xf32, #tpu.memory_space<vmem>>, vector<16xf32>,
    %swap3A_72 = vector.shape_cast %swap3A_71 : vector<16xf32> to vector<16xf32>
    %swap3A_73 = vector.shape_cast %broadcast_in_dim3A_0 : vector<16xf32> to vector<16xf32>
    tpu.vector_store %arg10[%swap3A_70], %swap3A_73 {strides = array<i32>} : memref<640xf32, #tpu.memory_space<vmem>>, vector<16xf32>,
    %swap3A_74 = arith.constant 288 : index
    %swap3A_75 = tpu.vector_load %arg10[%swap3A_74] {strides = array<i32>} : memref<640xf32, #tpu.memory_space<vmem>>, vector<16xf32>,
    %swap3A_76 = vector.shape_cast %swap3A_75 : vector<16xf32> to vector<16xf32>
    %swap3A_77 = vector.shape_cast %broadcast_in_dim3A_0 : vector<16xf32> to vector<16xf32>
    tpu.vector_store %arg10[%swap3A_74], %swap3A_77 {strides = array<i32>} : memref<640xf32, #tpu.memory_space<vmem>>, vector<16xf32>,
    %swap3A_78 = arith.constant 304 : index
    %swap3A_79 = tpu.vector_load %arg10[%swap3A_78] {strides = array<i32>} : memref<640xf32, #tpu.memory_space<vmem>>, vector<16xf32>,
    %swap3A_80 = vector.shape_cast %swap3A_79 : vector<16xf32> to vector<16xf32>
    %swap3A_81 = vector.shape_cast %broadcast_in_dim3A_0 : vector<16xf32> to vector<16xf32>
    tpu.vector_store %arg10[%swap3A_78], %swap3A_81 {strides = array<i32>} : memref<640xf32, #tpu.memory_space<vmem>>, vector<16xf32>,
    %swap3A_82 = arith.constant 320 : index
    %swap3A_83 = tpu.vector_load %arg10[%swap3A_82] {strides = array<i32>} : memref<640xf32, #tpu.memory_space<vmem>>, vector<16xf32>,
    %swap3A_84 = vector.shape_cast %swap3A_83 : vector<16xf32> to vector<16xf32>
    %swap3A_85 = vector.shape_cast %broadcast_in_dim3A_0 : vector<16xf32> to vector<16xf32>
    tpu.vector_store %arg10[%swap3A_82], %swap3A_85 {strides = array<i32>} : memref<640xf32, #tpu.memory_space<vmem>>, vector<16xf32>,
    %swap3A_86 = arith.constant 336 : index
    %swap3A_87 = tpu.vector_load %arg10[%swap3A_86] {strides = array<i32>} : memref<640xf32, #tpu.memory_space<vmem>>, vector<16xf32>,
    %swap3A_88 = vector.shape_cast %swap3A_87 : vector<16xf32> to vector<16xf32>
    %swap3A_89 = vector.shape_cast %broadcast_in_dim3A_0 : vector<16xf32> to vector<16xf32>
    tpu.vector_store %arg10[%swap3A_86], %swap3A_89 {strides = array<i32>} : memref<640xf32, #tpu.memory_space<vmem>>, vector<16xf32>,
    %swap3A_90 = arith.constant 352 : index
    %swap3A_91 = tpu.vector_load %arg10[%swap3A_90] {strides = array<i32>} : memref<640xf32, #tpu.memory_space<vmem>>, vector<16xf32>,
    %swap3A_92 = vector.shape_cast %swap3A_91 : vector<16xf32> to vector<16xf32>
    %swap3A_93 = vector.shape_cast %broadcast_in_dim3A_0 : vector<16xf32> to vector<16xf32>
    tpu.vector_store %arg10[%swap3A_90], %swap3A_93 {strides = array<i32>} : memref<640xf32, #tpu.memory_space<vmem>>, vector<16xf32>,
    %swap3A_94 = arith.constant 368 : index
    %swap3A_95 = tpu.vector_load %arg10[%swap3A_94] {strides = array<i32>} : memref<640xf32, #tpu.memory_space<vmem>>, vector<16xf32>,
    %swap3A_96 = vector.shape_cast %swap3A_95 : vector<16xf32> to vector<16xf32>
    %swap3A_97 = vector.shape_cast %broadcast_in_dim3A_0 : vector<16xf32> to vector<16xf32>
    tpu.vector_store %arg10[%swap3A_94], %swap3A_97 {strides = array<i32>} : memref<640xf32, #tpu.memory_space<vmem>>, vector<16xf32>,
    %swap3A_98 = arith.constant 384 : index
    %swap3A_99 = tpu.vector_load %arg10[%swap3A_98] {strides = array<i32>} : memref<640xf32, #tpu.memory_space<vmem>>, vector<16xf32>,
    %swap3A_100 = vector.shape_cast %swap3A_99 : vector<16xf32> to vector<16xf32>
    %swap3A_101 = vector.shape_cast %broadcast_in_dim3A_0 : vector<16xf32> to vector<16xf32>
    tpu.vector_store %arg10[%swap3A_98], %swap3A_101 {strides = array<i32>} : memref<640xf32, #tpu.memory_space<vmem>>, vector<16xf32>,
    %swap3A_102 = arith.constant 400 : index
    %swap3A_103 = tpu.vector_load %arg10[%swap3A_102] {strides = array<i32>} : memref<640xf32, #tpu.memory_space<vmem>>, vector<16xf32>,
    %swap3A_104 = vector.shape_cast %swap3A_103 : vector<16xf32> to vector<16xf32>
    %swap3A_105 = vector.shape_cast %broadcast_in_dim3A_0 : vector<16xf32> to vector<16xf32>
    tpu.vector_store %arg10[%swap3A_102], %swap3A_105 {strides = array<i32>} : memref<640xf32, #tpu.memory_space<vmem>>, vector<16xf32>,
    %swap3A_106 = arith.constant 416 : index
    %swap3A_107 = tpu.vector_load %arg10[%swap3A_106] {strides = array<i32>} : memref<640xf32, #tpu.memory_space<vmem>>, vector<16xf32>,
    %swap3A_108 = vector.shape_cast %swap3A_107 : vector<16xf32> to vector<16xf32>
    %swap3A_109 = vector.shape_cast %broadcast_in_dim3A_0 : vector<16xf32> to vector<16xf32>
    tpu.vector_store %arg10[%swap3A_106], %swap3A_109 {strides = array<i32>} : memref<640xf32, #tpu.memory_space<vmem>>, vector<16xf32>,
    %swap3A_110 = arith.constant 432 : index
    %swap3A_111 = tpu.vector_load %arg10[%swap3A_110] {strides = array<i32>} : memref<640xf32, #tpu.memory_space<vmem>>, vector<16xf32>,
    %swap3A_112 = vector.shape_cast %swap3A_111 : vector<16xf32> to vector<16xf32>
    %swap3A_113 = vector.shape_cast %broadcast_in_dim3A_0 : vector<16xf32> to vector<16xf32>
    tpu.vector_store %arg10[%swap3A_110], %swap3A_113 {strides = array<i32>} : memref<640xf32, #tpu.memory_space<vmem>>, vector<16xf32>,
    %swap3A_114 = arith.constant 448 : index
    %swap3A_115 = tpu.vector_load %arg10[%swap3A_114] {strides = array<i32>} : memref<640xf32, #tpu.memory_space<vmem>>, vector<16xf32>,
    %swap3A_116 = vector.shape_cast %swap3A_115 : vector<16xf32> to vector<16xf32>
    %swap3A_117 = vector.shape_cast %broadcast_in_dim3A_0 : vector<16xf32> to vector<16xf32>
    tpu.vector_store %arg10[%swap3A_114], %swap3A_117 {strides = array<i32>} : memref<640xf32, #tpu.memory_space<vmem>>, vector<16xf32>,
    %swap3A_118 = arith.constant 464 : index
    %swap3A_119 = tpu.vector_load %arg10[%swap3A_118] {strides = array<i32>} : memref<640xf32, #tpu.memory_space<vmem>>, vector<16xf32>,
    %swap3A_120 = vector.shape_cast %swap3A_119 : vector<16xf32> to vector<16xf32>
    %swap3A_121 = vector.shape_cast %broadcast_in_dim3A_0 : vector<16xf32> to vector<16xf32>
    tpu.vector_store %arg10[%swap3A_118], %swap3A_121 {strides = array<i32>} : memref<640xf32, #tpu.memory_space<vmem>>, vector<16xf32>,
    %swap3A_122 = arith.constant 480 : index
    %swap3A_123 = tpu.vector_load %arg10[%swap3A_122] {strides = array<i32>} : memref<640xf32, #tpu.memory_space<vmem>>, vector<16xf32>,
    %swap3A_124 = vector.shape_cast %swap3A_123 : vector<16xf32> to vector<16xf32>
    %swap3A_125 = vector.shape_cast %broadcast_in_dim3A_0 : vector<16xf32> to vector<16xf32>
    tpu.vector_store %arg10[%swap3A_122], %swap3A_125 {strides = array<i32>} : memref<640xf32, #tpu.memory_space<vmem>>, vector<16xf32>,
    %swap3A_126 = arith.constant 496 : index
    %swap3A_127 = tpu.vector_load %arg10[%swap3A_126] {strides = array<i32>} : memref<640xf32, #tpu.memory_space<vmem>>, vector<16xf32>,
    %swap3A_128 = vector.shape_cast %swap3A_127 : vector<16xf32> to vector<16xf32>
    %swap3A_129 = vector.shape_cast %broadcast_in_dim3A_0 : vector<16xf32> to vector<16xf32>
    tpu.vector_store %arg10[%swap3A_126], %swap3A_129 {strides = array<i32>} : memref<640xf32, #tpu.memory_space<vmem>>, vector<16xf32>,
    %swap3A_130 = arith.constant 512 : index
    %swap3A_131 = tpu.vector_load %arg10[%swap3A_130] {strides = array<i32>} : memref<640xf32, #tpu.memory_space<vmem>>, vector<16xf32>,
    %swap3A_132 = vector.shape_cast %swap3A_131 : vector<16xf32> to vector<16xf32>
    %swap3A_133 = vector.shape_cast %broadcast_in_dim3A_0 : vector<16xf32> to vector<16xf32>
    tpu.vector_store %arg10[%swap3A_130], %swap3A_133 {strides = array<i32>} : memref<640xf32, #tpu.memory_space<vmem>>, vector<16xf32>,
    %swap3A_134 = arith.constant 528 : index
    %swap3A_135 = tpu.vector_load %arg10[%swap3A_134] {strides = array<i32>} : memref<640xf32, #tpu.memory_space<vmem>>, vector<16xf32>,
    %swap3A_136 = vector.shape_cast %swap3A_135 : vector<16xf32> to vector<16xf32>
    %swap3A_137 = vector.shape_cast %broadcast_in_dim3A_0 : vector<16xf32> to vector<16xf32>
    tpu.vector_store %arg10[%swap3A_134], %swap3A_137 {strides = array<i32>} : memref<640xf32, #tpu.memory_space<vmem>>, vector<16xf32>,
    %swap3A_138 = arith.constant 544 : index
    %swap3A_139 = tpu.vector_load %arg10[%swap3A_138] {strides = array<i32>} : memref<640xf32, #tpu.memory_space<vmem>>, vector<16xf32>,
    %swap3A_140 = vector.shape_cast %swap3A_139 : vector<16xf32> to vector<16xf32>
    %swap3A_141 = vector.shape_cast %broadcast_in_dim3A_0 : vector<16xf32> to vector<16xf32>
    tpu.vector_store %arg10[%swap3A_138], %swap3A_141 {strides = array<i32>} : memref<640xf32, #tpu.memory_space<vmem>>, vector<16xf32>,
    %swap3A_142 = arith.constant 560 : index
    %swap3A_143 = tpu.vector_load %arg10[%swap3A_142] {strides = array<i32>} : memref<640xf32, #tpu.memory_space<vmem>>, vector<16xf32>,
    %swap3A_144 = vector.shape_cast %swap3A_143 : vector<16xf32> to vector<16xf32>
    %swap3A_145 = vector.shape_cast %broadcast_in_dim3A_0 : vector<16xf32> to vector<16xf32>
    tpu.vector_store %arg10[%swap3A_142], %swap3A_145 {strides = array<i32>} : memref<640xf32, #tpu.memory_space<vmem>>, vector<16xf32>,
    %swap3A_146 = arith.constant 576 : index
    %swap3A_147 = tpu.vector_load %arg10[%swap3A_146] {strides = array<i32>} : memref<640xf32, #tpu.memory_space<vmem>>, vector<16xf32>,
    %swap3A_148 = vector.shape_cast %swap3A_147 : vector<16xf32> to vector<16xf32>
    %swap3A_149 = vector.shape_cast %broadcast_in_dim3A_0 : vector<16xf32> to vector<16xf32>
    tpu.vector_store %arg10[%swap3A_146], %swap3A_149 {strides = array<i32>} : memref<640xf32, #tpu.memory_space<vmem>>, vector<16xf32>,
    %swap3A_150 = arith.constant 592 : index
    %swap3A_151 = tpu.vector_load %arg10[%swap3A_150] {strides = array<i32>} : memref<640xf32, #tpu.memory_space<vmem>>, vector<16xf32>,
    %swap3A_152 = vector.shape_cast %swap3A_151 : vector<16xf32> to vector<16xf32>
    %swap3A_153 = vector.shape_cast %broadcast_in_dim3A_0 : vector<16xf32> to vector<16xf32>
    tpu.vector_store %arg10[%swap3A_150], %swap3A_153 {strides = array<i32>} : memref<640xf32, #tpu.memory_space<vmem>>, vector<16xf32>,
    %swap3A_154 = arith.constant 608 : index
    %swap3A_155 = tpu.vector_load %arg10[%swap3A_154] {strides = array<i32>} : memref<640xf32, #tpu.memory_space<vmem>>, vector<16xf32>,
    %swap3A_156 = vector.shape_cast %swap3A_155 : vector<16xf32> to vector<16xf32>
    %swap3A_157 = vector.shape_cast %broadcast_in_dim3A_0 : vector<16xf32> to vector<16xf32>
    tpu.vector_store %arg10[%swap3A_154], %swap3A_157 {strides = array<i32>} : memref<640xf32, #tpu.memory_space<vmem>>, vector<16xf32>,
    %swap3A_158 = arith.constant 624 : index
    %swap3A_159 = tpu.vector_load %arg10[%swap3A_158] {strides = array<i32>} : memref<640xf32, #tpu.memory_space<vmem>>, vector<16xf32>,
    %swap3A_160 = vector.shape_cast %swap3A_159 : vector<16xf32> to vector<16xf32>
    %swap3A_161 = vector.shape_cast %broadcast_in_dim3A_0 : vector<16xf32> to vector<16xf32>
    tpu.vector_store %arg10[%swap3A_158], %swap3A_161 {strides = array<i32>} : memref<640xf32, #tpu.memory_space<vmem>>, vector<16xf32>,
    %swap3A_162 = arith.constant 0 : index
    %swap3A_163 = tpu.vector_load %arg9[%swap3A_162] {strides = array<i32>} : memref<80xf32, #tpu.memory_space<vmem>>, vector<16xf32>,
    %swap3A_164 = vector.shape_cast %swap3A_163 : vector<16xf32> to vector<16xf32>
    %swap3A_165 = vector.shape_cast %broadcast_in_dim3A_2 : vector<16xf32> to vector<16xf32>
    tpu.vector_store %arg9[%swap3A_162], %swap3A_165 {strides = array<i32>} : memref<80xf32, #tpu.memory_space<vmem>>, vector<16xf32>,
    %swap3A_166 = arith.constant 16 : index
    %swap3A_167 = tpu.vector_load %arg9[%swap3A_166] {strides = array<i32>} : memref<80xf32, #tpu.memory_space<vmem>>, vector<16xf32>,
    %swap3A_168 = vector.shape_cast %swap3A_167 : vector<16xf32> to vector<16xf32>
    %swap3A_169 = vector.shape_cast %broadcast_in_dim3A_2 : vector<16xf32> to vector<16xf32>
    tpu.vector_store %arg9[%swap3A_166], %swap3A_169 {strides = array<i32>} : memref<80xf32, #tpu.memory_space<vmem>>, vector<16xf32>,
    %swap3A_170 = arith.constant 32 : index
    %swap3A_171 = tpu.vector_load %arg9[%swap3A_170] {strides = array<i32>} : memref<80xf32, #tpu.memory_space<vmem>>, vector<16xf32>,
    %swap3A_172 = vector.shape_cast %swap3A_171 : vector<16xf32> to vector<16xf32>
    %swap3A_173 = vector.shape_cast %broadcast_in_dim3A_2 : vector<16xf32> to vector<16xf32>
    tpu.vector_store %arg9[%swap3A_170], %swap3A_173 {strides = array<i32>} : memref<80xf32, #tpu.memory_space<vmem>>, vector<16xf32>,
    %swap3A_174 = arith.constant 48 : index
    %swap3A_175 = tpu.vector_load %arg9[%swap3A_174] {strides = array<i32>} : memref<80xf32, #tpu.memory_space<vmem>>, vector<16xf32>,
    %swap3A_176 = vector.shape_cast %swap3A_175 : vector<16xf32> to vector<16xf32>
    %swap3A_177 = vector.shape_cast %broadcast_in_dim3A_2 : vector<16xf32> to vector<16xf32>
    tpu.vector_store %arg9[%swap3A_174], %swap3A_177 {strides = array<i32>} : memref<80xf32, #tpu.memory_space<vmem>>, vector<16xf32>,
    %swap3A_178 = arith.constant 64 : index
    %swap3A_179 = tpu.vector_load %arg9[%swap3A_178] {strides = array<i32>} : memref<80xf32, #tpu.memory_space<vmem>>, vector<16xf32>,
    %swap3A_180 = vector.shape_cast %swap3A_179 : vector<16xf32> to vector<16xf32>
    %swap3A_181 = vector.shape_cast %broadcast_in_dim3A_2 : vector<16xf32> to vector<16xf32>
    tpu.vector_store %arg9[%swap3A_178], %swap3A_181 {strides = array<i32>} : memref<80xf32, #tpu.memory_space<vmem>>, vector<16xf32>,
    %mul3A = arith.constant 640 : i32
    %mul3A_182 = arith.muli %arg1, %mul3A : i32
    "tpu.region"() ({
      %run_scoped3A = tpu.sem_alloc : memref<!tpu.dma_semaphore, #tpu.memory_space<semaphore_mem>>
      %dma_start3A = tpu.memref_slice %arg11[%mul3A_182] : memref<10240xf32, #tpu.memory_space<vmem_shared>> -> memref<640xf32, #tpu.memory_space<vmem_shared>>
      %dma_start3A_207 = tpu.memref_slice %arg11[%mul3A_182] : memref<10240xf32, #tpu.memory_space<vmem_shared>> -> memref<640xf32, #tpu.memory_space<vmem_shared>>
      tpu.enqueue_dma source(%arg10 : memref<640xf32, #tpu.memory_space<vmem>>) target(%dma_start3A_207 : memref<640xf32, #tpu.memory_space<vmem_shared>>) target_semaphore(%run_scoped3A : memref<!tpu.dma_semaphore, #tpu.memory_space<semaphore_mem>>)
      %dma_wait3A = tpu.memref_slice %arg11[%mul3A_182] : memref<10240xf32, #tpu.memory_space<vmem_shared>> -> memref<640xf32, #tpu.memory_space<vmem_shared>>
      %dma_wait3A_208 = tpu.memref_slice %arg11[%mul3A_182] : memref<10240xf32, #tpu.memory_space<vmem_shared>> -> memref<640xf32, #tpu.memory_space<vmem_shared>>
      tpu.wait_dma2 semaphore(%run_scoped3A : memref<!tpu.dma_semaphore, #tpu.memory_space<semaphore_mem>>) src(%arg10 : memref<640xf32, #tpu.memory_space<vmem>>) dst(%dma_wait3A_208 : memref<640xf32, #tpu.memory_space<vmem_shared>>)
      tpu.yield
    }) : () -> ()
    %mul3A_183 = arith.constant 640 : i32
    %mul3A_184 = arith.muli %arg1, %mul3A_183 : i32
    "tpu.region"() ({
      %run_scoped3A = tpu.sem_alloc : memref<!tpu.dma_semaphore, #tpu.memory_space<semaphore_mem>>
      %dma_start3A = tpu.memref_slice %arg12[%mul3A_184] : memref<10240xf32, #tpu.memory_space<vmem_shared>> -> memref<640xf32, #tpu.memory_space<vmem_shared>>
      %dma_start3A_207 = tpu.memref_slice %arg12[%mul3A_184] : memref<10240xf32, #tpu.memory_space<vmem_shared>> -> memref<640xf32, #tpu.memory_space<vmem_shared>>
      tpu.enqueue_dma source(%arg10 : memref<640xf32, #tpu.memory_space<vmem>>) target(%dma_start3A_207 : memref<640xf32, #tpu.memory_space<vmem_shared>>) target_semaphore(%run_scoped3A : memref<!tpu.dma_semaphore, #tpu.memory_space<semaphore_mem>>)
      %dma_wait3A = tpu.memref_slice %arg12[%mul3A_184] : memref<10240xf32, #tpu.memory_space<vmem_shared>> -> memref<640xf32, #tpu.memory_space<vmem_shared>>
      %dma_wait3A_208 = tpu.memref_slice %arg12[%mul3A_184] : memref<10240xf32, #tpu.memory_space<vmem_shared>> -> memref<640xf32, #tpu.memory_space<vmem_shared>>
      tpu.wait_dma2 semaphore(%run_scoped3A : memref<!tpu.dma_semaphore, #tpu.memory_space<semaphore_mem>>) src(%arg10 : memref<640xf32, #tpu.memory_space<vmem>>) dst(%dma_wait3A_208 : memref<640xf32, #tpu.memory_space<vmem_shared>>)
      tpu.yield
    }) : () -> ()
    %eq3A = arith.constant 0 : i32
    %eq3A_185 = arith.cmpi eq, %arg0, %eq3A : i32
    %convert_element_type3A = arith.extui %eq3A_185 : i1 to i32
    %cond3A = arith.constant 0 : i32
    %cond3A_186 = arith.cmpi ne, %convert_element_type3A, %cond3A : i32
    scf.if %cond3A_186 {
      "tpu.region"() ({
        %run_scoped3A = tpu.sem_alloc : memref<!tpu.dma_semaphore, #tpu.memory_space<semaphore_mem>>
        %dma_start3A = arith.constant 0 : i32
        %dma_start3A_207 = arith.constant 0 : i32
        %dma_start3A_208 = tpu.memref_slice %arg2[%arg1, %dma_start3A, %dma_start3A_207] : memref<16x250x80xi32, #tpu.memory_space<hbm>> -> memref<1x250x80xi32, #tpu.memory_space<hbm>>
        %dma_start3A_209 = tpu.memref_squeeze %dma_start3A_208 : memref<1x250x80xi32, #tpu.memory_space<hbm>> -> memref<250x80xi32, #tpu.memory_space<hbm>>
        %dma_start3A_210 = arith.constant 0 : i32
        %dma_start3A_211 = arith.constant 0 : i32
        %dma_start3A_212 = tpu.memref_slice %arg2[%arg1, %dma_start3A_210, %dma_start3A_211] : memref<16x250x80xi32, #tpu.memory_space<hbm>> -> memref<1x250x80xi32, #tpu.memory_space<hbm>>
        %dma_start3A_213 = tpu.memref_squeeze %dma_start3A_212 : memref<1x250x80xi32, #tpu.memory_space<hbm>> -> memref<250x80xi32, #tpu.memory_space<hbm>>
        tpu.enqueue_dma source(%dma_start3A_213 : memref<250x80xi32, #tpu.memory_space<hbm>>) target(%arg7 : memref<250x80xi32, #tpu.memory_space<vmem>>) target_semaphore(%run_scoped3A : memref<!tpu.dma_semaphore, #tpu.memory_space<semaphore_mem>>)
        %dma_wait3A = arith.constant 0 : i32
        %dma_wait3A_214 = arith.constant 0 : i32
        %dma_wait3A_215 = tpu.memref_slice %arg2[%arg1, %dma_wait3A, %dma_wait3A_214] : memref<16x250x80xi32, #tpu.memory_space<hbm>> -> memref<1x250x80xi32, #tpu.memory_space<hbm>>
        %dma_wait3A_216 = tpu.memref_squeeze %dma_wait3A_215 : memref<1x250x80xi32, #tpu.memory_space<hbm>> -> memref<250x80xi32, #tpu.memory_space<hbm>>
        %dma_wait3A_217 = arith.constant 0 : i32
        %dma_wait3A_218 = arith.constant 0 : i32
        %dma_wait3A_219 = tpu.memref_slice %arg2[%arg1, %dma_wait3A_217, %dma_wait3A_218] : memref<16x250x80xi32, #tpu.memory_space<hbm>> -> memref<1x250x80xi32, #tpu.memory_space<hbm>>
        %dma_wait3A_220 = tpu.memref_squeeze %dma_wait3A_219 : memref<1x250x80xi32, #tpu.memory_space<hbm>> -> memref<250x80xi32, #tpu.memory_space<hbm>>
        tpu.wait_dma2 semaphore(%run_scoped3A : memref<!tpu.dma_semaphore, #tpu.memory_space<semaphore_mem>>) src(%dma_wait3A_220 : memref<250x80xi32, #tpu.memory_space<hbm>>) dst(%arg7 : memref<250x80xi32, #tpu.memory_space<vmem>>)
        tpu.yield
      }) : () -> ()
      "tpu.region"() ({
        %run_scoped3A = tpu.sem_alloc : memref<!tpu.dma_semaphore, #tpu.memory_space<semaphore_mem>>
        %dma_start3A = arith.constant 0 : i32
        %dma_start3A_207 = arith.constant 0 : i32
        %dma_start3A_208 = tpu.memref_slice %arg3[%arg1, %dma_start3A, %dma_start3A_207] : memref<16x250x80xi32, #tpu.memory_space<hbm>> -> memref<1x250x80xi32, #tpu.memory_space<hbm>>
        %dma_start3A_209 = tpu.memref_squeeze %dma_start3A_208 : memref<1x250x80xi32, #tpu.memory_space<hbm>> -> memref<250x80xi32, #tpu.memory_space<hbm>>
        %dma_start3A_210 = arith.constant 0 : i32
        %dma_start3A_211 = arith.constant 0 : i32
        %dma_start3A_212 = tpu.memref_slice %arg3[%arg1, %dma_start3A_210, %dma_start3A_211] : memref<16x250x80xi32, #tpu.memory_space<hbm>> -> memref<1x250x80xi32, #tpu.memory_space<hbm>>
        %dma_start3A_213 = tpu.memref_squeeze %dma_start3A_212 : memref<1x250x80xi32, #tpu.memory_space<hbm>> -> memref<250x80xi32, #tpu.memory_space<hbm>>
        tpu.enqueue_dma source(%dma_start3A_213 : memref<250x80xi32, #tpu.memory_space<hbm>>) target(%arg8 : memref<250x80xi32, #tpu.memory_space<vmem>>) target_semaphore(%run_scoped3A : memref<!tpu.dma_semaphore, #tpu.memory_space<semaphore_mem>>)
        %dma_wait3A = arith.constant 0 : i32
        %dma_wait3A_214 = arith.constant 0 : i32
        %dma_wait3A_215 = tpu.memref_slice %arg3[%arg1, %dma_wait3A, %dma_wait3A_214] : memref<16x250x80xi32, #tpu.memory_space<hbm>> -> memref<1x250x80xi32, #tpu.memory_space<hbm>>
        %dma_wait3A_216 = tpu.memref_squeeze %dma_wait3A_215 : memref<1x250x80xi32, #tpu.memory_space<hbm>> -> memref<250x80xi32, #tpu.memory_space<hbm>>
        %dma_wait3A_217 = arith.constant 0 : i32
        %dma_wait3A_218 = arith.constant 0 : i32
        %dma_wait3A_219 = tpu.memref_slice %arg3[%arg1, %dma_wait3A_217, %dma_wait3A_218] : memref<16x250x80xi32, #tpu.memory_space<hbm>> -> memref<1x250x80xi32, #tpu.memory_space<hbm>>
        %dma_wait3A_220 = tpu.memref_squeeze %dma_wait3A_219 : memref<1x250x80xi32, #tpu.memory_space<hbm>> -> memref<250x80xi32, #tpu.memory_space<hbm>>
        tpu.wait_dma2 semaphore(%run_scoped3A : memref<!tpu.dma_semaphore, #tpu.memory_space<semaphore_mem>>) src(%dma_wait3A_220 : memref<250x80xi32, #tpu.memory_space<hbm>>) dst(%arg8 : memref<250x80xi32, #tpu.memory_space<vmem>>)
        tpu.yield
      }) : () -> ()
    } else {
    }
    %eq3A_187 = arith.constant 1 : i32
    %eq3A_188 = arith.cmpi eq, %arg0, %eq3A_187 : i32
    %convert_element_type3A_189 = arith.extui %eq3A_188 : i1 to i32
    %cond3A_190 = arith.constant 0 : i32
    %cond3A_191 = arith.cmpi ne, %convert_element_type3A_189, %cond3A_190 : i32
    scf.if %cond3A_191 {
      "tpu.region"() ({
        %run_scoped3A = tpu.sem_alloc : memref<!tpu.dma_semaphore, #tpu.memory_space<semaphore_mem>>
        %dma_start3A = arith.constant 0 : i32
        %dma_start3A_207 = arith.constant 0 : i32
        %dma_start3A_208 = tpu.memref_slice %arg4[%arg1, %dma_start3A, %dma_start3A_207] : memref<16x250x80xi32, #tpu.memory_space<hbm>> -> memref<1x250x80xi32, #tpu.memory_space<hbm>>
        %dma_start3A_209 = tpu.memref_squeeze %dma_start3A_208 : memref<1x250x80xi32, #tpu.memory_space<hbm>> -> memref<250x80xi32, #tpu.memory_space<hbm>>
        %dma_start3A_210 = arith.constant 0 : i32
        %dma_start3A_211 = arith.constant 0 : i32
        %dma_start3A_212 = tpu.memref_slice %arg4[%arg1, %dma_start3A_210, %dma_start3A_211] : memref<16x250x80xi32, #tpu.memory_space<hbm>> -> memref<1x250x80xi32, #tpu.memory_space<hbm>>
        %dma_start3A_213 = tpu.memref_squeeze %dma_start3A_212 : memref<1x250x80xi32, #tpu.memory_space<hbm>> -> memref<250x80xi32, #tpu.memory_space<hbm>>
        tpu.enqueue_dma source(%dma_start3A_213 : memref<250x80xi32, #tpu.memory_space<hbm>>) target(%arg7 : memref<250x80xi32, #tpu.memory_space<vmem>>) target_semaphore(%run_scoped3A : memref<!tpu.dma_semaphore, #tpu.memory_space<semaphore_mem>>)
        %dma_wait3A = arith.constant 0 : i32
        %dma_wait3A_214 = arith.constant 0 : i32
        %dma_wait3A_215 = tpu.memref_slice %arg4[%arg1, %dma_wait3A, %dma_wait3A_214] : memref<16x250x80xi32, #tpu.memory_space<hbm>> -> memref<1x250x80xi32, #tpu.memory_space<hbm>>
        %dma_wait3A_216 = tpu.memref_squeeze %dma_wait3A_215 : memref<1x250x80xi32, #tpu.memory_space<hbm>> -> memref<250x80xi32, #tpu.memory_space<hbm>>
        %dma_wait3A_217 = arith.constant 0 : i32
        %dma_wait3A_218 = arith.constant 0 : i32
        %dma_wait3A_219 = tpu.memref_slice %arg4[%arg1, %dma_wait3A_217, %dma_wait3A_218] : memref<16x250x80xi32, #tpu.memory_space<hbm>> -> memref<1x250x80xi32, #tpu.memory_space<hbm>>
        %dma_wait3A_220 = tpu.memref_squeeze %dma_wait3A_219 : memref<1x250x80xi32, #tpu.memory_space<hbm>> -> memref<250x80xi32, #tpu.memory_space<hbm>>
        tpu.wait_dma2 semaphore(%run_scoped3A : memref<!tpu.dma_semaphore, #tpu.memory_space<semaphore_mem>>) src(%dma_wait3A_220 : memref<250x80xi32, #tpu.memory_space<hbm>>) dst(%arg7 : memref<250x80xi32, #tpu.memory_space<vmem>>)
        tpu.yield
      }) : () -> ()
      "tpu.region"() ({
        %run_scoped3A = tpu.sem_alloc : memref<!tpu.dma_semaphore, #tpu.memory_space<semaphore_mem>>
        %dma_start3A = arith.constant 0 : i32
        %dma_start3A_207 = arith.constant 0 : i32
        %dma_start3A_208 = tpu.memref_slice %arg5[%arg1, %dma_start3A, %dma_start3A_207] : memref<16x250x80xi32, #tpu.memory_space<hbm>> -> memref<1x250x80xi32, #tpu.memory_space<hbm>>
        %dma_start3A_209 = tpu.memref_squeeze %dma_start3A_208 : memref<1x250x80xi32, #tpu.memory_space<hbm>> -> memref<250x80xi32, #tpu.memory_space<hbm>>
        %dma_start3A_210 = arith.constant 0 : i32
        %dma_start3A_211 = arith.constant 0 : i32
        %dma_start3A_212 = tpu.memref_slice %arg5[%arg1, %dma_start3A_210, %dma_start3A_211] : memref<16x250x80xi32, #tpu.memory_space<hbm>> -> memref<1x250x80xi32, #tpu.memory_space<hbm>>
        %dma_start3A_213 = tpu.memref_squeeze %dma_start3A_212 : memref<1x250x80xi32, #tpu.memory_space<hbm>> -> memref<250x80xi32, #tpu.memory_space<hbm>>
        tpu.enqueue_dma source(%dma_start3A_213 : memref<250x80xi32, #tpu.memory_space<hbm>>) target(%arg8 : memref<250x80xi32, #tpu.memory_space<vmem>>) target_semaphore(%run_scoped3A : memref<!tpu.dma_semaphore, #tpu.memory_space<semaphore_mem>>)
        %dma_wait3A = arith.constant 0 : i32
        %dma_wait3A_214 = arith.constant 0 : i32
        %dma_wait3A_215 = tpu.memref_slice %arg5[%arg1, %dma_wait3A, %dma_wait3A_214] : memref<16x250x80xi32, #tpu.memory_space<hbm>> -> memref<1x250x80xi32, #tpu.memory_space<hbm>>
        %dma_wait3A_216 = tpu.memref_squeeze %dma_wait3A_215 : memref<1x250x80xi32, #tpu.memory_space<hbm>> -> memref<250x80xi32, #tpu.memory_space<hbm>>
        %dma_wait3A_217 = arith.constant 0 : i32
        %dma_wait3A_218 = arith.constant 0 : i32
        %dma_wait3A_219 = tpu.memref_slice %arg5[%arg1, %dma_wait3A_217, %dma_wait3A_218] : memref<16x250x80xi32, #tpu.memory_space<hbm>> -> memref<1x250x80xi32, #tpu.memory_space<hbm>>
        %dma_wait3A_220 = tpu.memref_squeeze %dma_wait3A_219 : memref<1x250x80xi32, #tpu.memory_space<hbm>> -> memref<250x80xi32, #tpu.memory_space<hbm>>
        tpu.wait_dma2 semaphore(%run_scoped3A : memref<!tpu.dma_semaphore, #tpu.memory_space<semaphore_mem>>) src(%dma_wait3A_220 : memref<250x80xi32, #tpu.memory_space<hbm>>) dst(%arg8 : memref<250x80xi32, #tpu.memory_space<vmem>>)
        tpu.yield
      }) : () -> ()
    } else {
    }
    %barrier3A = arith.constant 0 : index
    tpu.barrier barrier_id(%barrier3A)
    %scan3A = arith.constant 0 : i32
    %scan3A_192 = arith.constant 250 : i32
    %scan3A_193 = arith.addi %scan3A, %scan3A_192 : i32
    %scan3A_194 = arith.constant 1 : i32
    scf.for %scan3A_207 = %scan3A to %scan3A_193 step %scan3A_194  : i32 {
      %mul3A_208 = arith.constant 1 : i32
      %mul3A_209 = arith.muli %scan3A_207, %mul3A_208 : i32
      %add3A = arith.constant 0 : i32
      %add3A_210 = arith.addi %add3A, %mul3A_209 : i32
      "tpu.region"() ({
        %run_scoped3A = tpu.sem_alloc : memref<!tpu.dma_semaphore, #tpu.memory_space<semaphore_mem>>
        %dma_start3A = arith.constant 0 : i32
        %dma_start3A_211 = tpu.memref_slice %arg7[%add3A_210, %dma_start3A] : memref<250x80xi32, #tpu.memory_space<vmem>> -> memref<1x80xi32, #tpu.memory_space<vmem>>
        %dma_start3A_212 = tpu.memref_squeeze %dma_start3A_211 : memref<1x80xi32, #tpu.memory_space<vmem>> -> memref<80xi32, #tpu.memory_space<vmem>>
        %dma_start3A_213 = arith.constant 0 : i32
        %dma_start3A_214 = tpu.memref_slice %arg11[%dma_start3A_213] : memref<10240xf32, #tpu.memory_space<vmem_shared>> -> memref<10240xf32, #tpu.memory_space<vmem_shared>>
        tpu.enqueue_indirect_dma source(%arg9 : memref<80xf32, #tpu.memory_space<vmem>>) target(%dma_start3A_214 : memref<10240xf32, #tpu.memory_space<vmem_shared>>) offsets(%dma_start3A_212 : memref<80xi32, #tpu.memory_space<vmem>>) semaphore(%run_scoped3A : memref<!tpu.dma_semaphore, #tpu.memory_space<semaphore_mem>>) {add = true}
        %dma_wait3A = arith.constant 0 : i32
        %dma_wait3A_215 = tpu.memref_slice %arg7[%add3A_210, %dma_wait3A] : memref<250x80xi32, #tpu.memory_space<vmem>> -> memref<1x80xi32, #tpu.memory_space<vmem>>
        %dma_wait3A_216 = tpu.memref_squeeze %dma_wait3A_215 : memref<1x80xi32, #tpu.memory_space<vmem>> -> memref<80xi32, #tpu.memory_space<vmem>>
        %dma_wait3A_217 = arith.constant 0 : i32
        %dma_wait3A_218 = tpu.memref_slice %arg11[%dma_wait3A_217] : memref<10240xf32, #tpu.memory_space<vmem_shared>> -> memref<10240xf32, #tpu.memory_space<vmem_shared>>
        tpu.wait_indirect_dma semaphore(%run_scoped3A : memref<!tpu.dma_semaphore, #tpu.memory_space<semaphore_mem>>) src(%arg9 : memref<80xf32, #tpu.memory_space<vmem>>) dst(%dma_wait3A_218 : memref<10240xf32, #tpu.memory_space<vmem_shared>>)
        tpu.yield
      }) : () -> ()
      "tpu.region"() ({
        %run_scoped3A = tpu.sem_alloc : memref<!tpu.dma_semaphore, #tpu.memory_space<semaphore_mem>>
        %dma_start3A = arith.constant 0 : i32
        %dma_start3A_211 = tpu.memref_slice %arg8[%add3A_210, %dma_start3A] : memref<250x80xi32, #tpu.memory_space<vmem>> -> memref<1x80xi32, #tpu.memory_space<vmem>>
        %dma_start3A_212 = tpu.memref_squeeze %dma_start3A_211 : memref<1x80xi32, #tpu.memory_space<vmem>> -> memref<80xi32, #tpu.memory_space<vmem>>
        %dma_start3A_213 = arith.constant 0 : i32
        %dma_start3A_214 = tpu.memref_slice %arg12[%dma_start3A_213] : memref<10240xf32, #tpu.memory_space<vmem_shared>> -> memref<10240xf32, #tpu.memory_space<vmem_shared>>
        tpu.enqueue_indirect_dma source(%arg9 : memref<80xf32, #tpu.memory_space<vmem>>) target(%dma_start3A_214 : memref<10240xf32, #tpu.memory_space<vmem_shared>>) offsets(%dma_start3A_212 : memref<80xi32, #tpu.memory_space<vmem>>) semaphore(%run_scoped3A : memref<!tpu.dma_semaphore, #tpu.memory_space<semaphore_mem>>) {add = true}
        %dma_wait3A = arith.constant 0 : i32
        %dma_wait3A_215 = tpu.memref_slice %arg8[%add3A_210, %dma_wait3A] : memref<250x80xi32, #tpu.memory_space<vmem>> -> memref<1x80xi32, #tpu.memory_space<vmem>>
        %dma_wait3A_216 = tpu.memref_squeeze %dma_wait3A_215 : memref<1x80xi32, #tpu.memory_space<vmem>> -> memref<80xi32, #tpu.memory_space<vmem>>
        %dma_wait3A_217 = arith.constant 0 : i32
        %dma_wait3A_218 = tpu.memref_slice %arg12[%dma_wait3A_217] : memref<10240xf32, #tpu.memory_space<vmem_shared>> -> memref<10240xf32, #tpu.memory_space<vmem_shared>>
        tpu.wait_indirect_dma semaphore(%run_scoped3A : memref<!tpu.dma_semaphore, #tpu.memory_space<semaphore_mem>>) src(%arg9 : memref<80xf32, #tpu.memory_space<vmem>>) dst(%dma_wait3A_218 : memref<10240xf32, #tpu.memory_space<vmem_shared>>)
        tpu.yield
      }) : () -> ()
    }
    %scan3A_195 = arith.constant 250 : i32
    %barrier3A_196 = arith.constant 0 : index
    tpu.barrier barrier_id(%barrier3A_196)
    %eq3A_197 = arith.constant 0 : i32
    %eq3A_198 = arith.cmpi eq, %arg0, %eq3A_197 : i32
    %convert_element_type3A_199 = arith.extui %eq3A_198 : i1 to i32
    %cond3A_200 = arith.constant 0 : i32
    %cond3A_201 = arith.cmpi ne, %convert_element_type3A_199, %cond3A_200 : i32
    scf.if %cond3A_201 {
      %eq3A_207 = arith.constant 0 : i32
      %eq3A_208 = arith.cmpi eq, %arg1, %eq3A_207 : i32
      %convert_element_type3A_209 = arith.extui %eq3A_208 : i1 to i32
      %cond3A_210 = arith.constant 0 : i32
      %cond3A_211 = arith.cmpi ne, %convert_element_type3A_209, %cond3A_210 : i32
      scf.if %cond3A_211 {
        %run_scoped3A = arith.constant 0 : i32
        "tpu.region"() ({
          %run_scoped3A_217 = tpu.sem_alloc : memref<!tpu.dma_semaphore, #tpu.memory_space<semaphore_mem>>
          %dma_start3A = arith.constant 0 : i32
          %dma_start3A_218 = tpu.memref_slice %arg6[%run_scoped3A, %dma_start3A] : memref<4x10240xf32, #tpu.memory_space<hbm>> -> memref<1x10240xf32, #tpu.memory_space<hbm>>
          %dma_start3A_219 = tpu.memref_squeeze %dma_start3A_218 : memref<1x10240xf32, #tpu.memory_space<hbm>> -> memref<10240xf32, #tpu.memory_space<hbm>>
          tpu.enqueue_dma source(%arg11 : memref<10240xf32, #tpu.memory_space<vmem_shared>>) target(%dma_start3A_219 : memref<10240xf32, #tpu.memory_space<hbm>>) target_semaphore(%run_scoped3A_217 : memref<!tpu.dma_semaphore, #tpu.memory_space<semaphore_mem>>)
          %dma_wait3A = arith.constant 0 : i32
          %dma_wait3A_220 = tpu.memref_slice %arg6[%run_scoped3A, %dma_wait3A] : memref<4x10240xf32, #tpu.memory_space<hbm>> -> memref<1x10240xf32, #tpu.memory_space<hbm>>
          %dma_wait3A_221 = tpu.memref_squeeze %dma_wait3A_220 : memref<1x10240xf32, #tpu.memory_space<hbm>> -> memref<10240xf32, #tpu.memory_space<hbm>>
          tpu.wait_dma2 semaphore(%run_scoped3A_217 : memref<!tpu.dma_semaphore, #tpu.memory_space<semaphore_mem>>) src(%arg11 : memref<10240xf32, #tpu.memory_space<vmem_shared>>) dst(%dma_wait3A_221 : memref<10240xf32, #tpu.memory_space<hbm>>)
          tpu.yield
        }) : () -> ()
      } else {
      }
      %eq3A_212 = arith.constant 1 : i32
      %eq3A_213 = arith.cmpi eq, %arg1, %eq3A_212 : i32
      %convert_element_type3A_214 = arith.extui %eq3A_213 : i1 to i32
      %cond3A_215 = arith.constant 0 : i32
      %cond3A_216 = arith.cmpi ne, %convert_element_type3A_214, %cond3A_215 : i32
      scf.if %cond3A_216 {
        %run_scoped3A = arith.constant 1 : i32
        "tpu.region"() ({
          %run_scoped3A_217 = tpu.sem_alloc : memref<!tpu.dma_semaphore, #tpu.memory_space<semaphore_mem>>
          %dma_start3A = arith.constant 0 : i32
          %dma_start3A_218 = tpu.memref_slice %arg6[%run_scoped3A, %dma_start3A] : memref<4x10240xf32, #tpu.memory_space<hbm>> -> memref<1x10240xf32, #tpu.memory_space<hbm>>
          %dma_start3A_219 = tpu.memref_squeeze %dma_start3A_218 : memref<1x10240xf32, #tpu.memory_space<hbm>> -> memref<10240xf32, #tpu.memory_space<hbm>>
          tpu.enqueue_dma source(%arg12 : memref<10240xf32, #tpu.memory_space<vmem_shared>>) target(%dma_start3A_219 : memref<10240xf32, #tpu.memory_space<hbm>>) target_semaphore(%run_scoped3A_217 : memref<!tpu.dma_semaphore, #tpu.memory_space<semaphore_mem>>)
          %dma_wait3A = arith.constant 0 : i32
          %dma_wait3A_220 = tpu.memref_slice %arg6[%run_scoped3A, %dma_wait3A] : memref<4x10240xf32, #tpu.memory_space<hbm>> -> memref<1x10240xf32, #tpu.memory_space<hbm>>
          %dma_wait3A_221 = tpu.memref_squeeze %dma_wait3A_220 : memref<1x10240xf32, #tpu.memory_space<hbm>> -> memref<10240xf32, #tpu.memory_space<hbm>>
          tpu.wait_dma2 semaphore(%run_scoped3A_217 : memref<!tpu.dma_semaphore, #tpu.memory_space<semaphore_mem>>) src(%arg12 : memref<10240xf32, #tpu.memory_space<vmem_shared>>) dst(%dma_wait3A_221 : memref<10240xf32, #tpu.memory_space<hbm>>)
          tpu.yield
        }) : () -> ()
      } else {
      }
    } else {
    }
    %eq3A_202 = arith.constant 1 : i32
    %eq3A_203 = arith.cmpi eq, %arg0, %eq3A_202 : i32
    %convert_element_type3A_204 = arith.extui %eq3A_203 : i1 to i32
    %cond3A_205 = arith.constant 0 : i32
    %cond3A_206 = arith.cmpi ne, %convert_element_type3A_204, %cond3A_205 : i32
    scf.if %cond3A_206 {
      %eq3A_207 = arith.constant 0 : i32
      %eq3A_208 = arith.cmpi eq, %arg1, %eq3A_207 : i32
      %convert_element_type3A_209 = arith.extui %eq3A_208 : i1 to i32
      %cond3A_210 = arith.constant 0 : i32
      %cond3A_211 = arith.cmpi ne, %convert_element_type3A_209, %cond3A_210 : i32
      scf.if %cond3A_211 {
        %run_scoped3A = arith.constant 2 : i32
        "tpu.region"() ({
          %run_scoped3A_217 = tpu.sem_alloc : memref<!tpu.dma_semaphore, #tpu.memory_space<semaphore_mem>>
          %dma_start3A = arith.constant 0 : i32
          %dma_start3A_218 = tpu.memref_slice %arg6[%run_scoped3A, %dma_start3A] : memref<4x10240xf32, #tpu.memory_space<hbm>> -> memref<1x10240xf32, #tpu.memory_space<hbm>>
          %dma_start3A_219 = tpu.memref_squeeze %dma_start3A_218 : memref<1x10240xf32, #tpu.memory_space<hbm>> -> memref<10240xf32, #tpu.memory_space<hbm>>
          tpu.enqueue_dma source(%arg11 : memref<10240xf32, #tpu.memory_space<vmem_shared>>) target(%dma_start3A_219 : memref<10240xf32, #tpu.memory_space<hbm>>) target_semaphore(%run_scoped3A_217 : memref<!tpu.dma_semaphore, #tpu.memory_space<semaphore_mem>>)
          %dma_wait3A = arith.constant 0 : i32
          %dma_wait3A_220 = tpu.memref_slice %arg6[%run_scoped3A, %dma_wait3A] : memref<4x10240xf32, #tpu.memory_space<hbm>> -> memref<1x10240xf32, #tpu.memory_space<hbm>>
          %dma_wait3A_221 = tpu.memref_squeeze %dma_wait3A_220 : memref<1x10240xf32, #tpu.memory_space<hbm>> -> memref<10240xf32, #tpu.memory_space<hbm>>
          tpu.wait_dma2 semaphore(%run_scoped3A_217 : memref<!tpu.dma_semaphore, #tpu.memory_space<semaphore_mem>>) src(%arg11 : memref<10240xf32, #tpu.memory_space<vmem_shared>>) dst(%dma_wait3A_221 : memref<10240xf32, #tpu.memory_space<hbm>>)
          tpu.yield
        }) : () -> ()
      } else {
      }
      %eq3A_212 = arith.constant 1 : i32
      %eq3A_213 = arith.cmpi eq, %arg1, %eq3A_212 : i32
      %convert_element_type3A_214 = arith.extui %eq3A_213 : i1 to i32
      %cond3A_215 = arith.constant 0 : i32
      %cond3A_216 = arith.cmpi ne, %convert_element_type3A_214, %cond3A_215 : i32
      scf.if %cond3A_216 {
        %run_scoped3A = arith.constant 3 : i32
        "tpu.region"() ({
          %run_scoped3A_217 = tpu.sem_alloc : memref<!tpu.dma_semaphore, #tpu.memory_space<semaphore_mem>>
          %dma_start3A = arith.constant 0 : i32
          %dma_start3A_218 = tpu.memref_slice %arg6[%run_scoped3A, %dma_start3A] : memref<4x10240xf32, #tpu.memory_space<hbm>> -> memref<1x10240xf32, #tpu.memory_space<hbm>>
          %dma_start3A_219 = tpu.memref_squeeze %dma_start3A_218 : memref<1x10240xf32, #tpu.memory_space<hbm>> -> memref<10240xf32, #tpu.memory_space<hbm>>
          tpu.enqueue_dma source(%arg12 : memref<10240xf32, #tpu.memory_space<vmem_shared>>) target(%dma_start3A_219 : memref<10240xf32, #tpu.memory_space<hbm>>) target_semaphore(%run_scoped3A_217 : memref<!tpu.dma_semaphore, #tpu.memory_space<semaphore_mem>>)
          %dma_wait3A = arith.constant 0 : i32
          %dma_wait3A_220 = tpu.memref_slice %arg6[%run_scoped3A, %dma_wait3A] : memref<4x10240xf32, #tpu.memory_space<hbm>> -> memref<1x10240xf32, #tpu.memory_space<hbm>>
          %dma_wait3A_221 = tpu.memref_squeeze %dma_wait3A_220 : memref<1x10240xf32, #tpu.memory_space<hbm>> -> memref<10240xf32, #tpu.memory_space<hbm>>
          tpu.wait_dma2 semaphore(%run_scoped3A_217 : memref<!tpu.dma_semaphore, #tpu.memory_space<semaphore_mem>>) src(%arg12 : memref<10240xf32, #tpu.memory_space<vmem_shared>>) dst(%dma_wait3A_221 : memref<10240xf32, #tpu.memory_space<hbm>>)
          tpu.yield
        }) : () -> ()
      } else {
      }
    } else {
    }
    return
  }
}

module attributes {stable_mosaic.version = 14 : i64} {
  func.func @_scale_body(%arg0: i32, %arg1: memref<1000x128xf32, #tpu.memory_space<vmem>>, %arg2: memref<1000x4xf32, #tpu.memory_space<vmem>>, %arg3: memref<1000x64xf32, #tpu.memory_space<vmem>>, %arg4: memref<1000x64xf32, #tpu.memory_space<vmem>>, %arg5: memref<1000x64xf32, #tpu.memory_space<vmem>>, %arg6: memref<1000x64xf32, #tpu.memory_space<vmem>>) attributes {dimension_semantics = [#tpu.dimension_semantics<arbitrary>], iteration_bounds = array<i64: 10>, scalar_prefetch = 0 : i64, scratch_operands = 0 : i64, tpu.core_type = #tpu.core_type<tc>, window_params = [{transform_indices = @transform_0, window_bounds = array<i64: 1000, 128>}, {transform_indices = @transform_1, window_bounds = array<i64: 1000, 4>}, {transform_indices = @transform_2, window_bounds = array<i64: 1000, 64>}, {transform_indices = @transform_3, window_bounds = array<i64: 1000, 64>}, {transform_indices = @transform_4, window_bounds = array<i64: 1000, 64>}, {transform_indices = @transform_5, window_bounds = array<i64: 1000, 64>}]} {
    %get3A = arith.constant 0 : index
    %get3A_0 = arith.constant 0 : index
    %get3A_1 = vector.load %arg1[%get3A, %get3A_0] : memref<1000x128xf32, #tpu.memory_space<vmem>>, vector<1000x128xf32>
    %get3A_2 = arith.constant 0 : index
    %get3A_3 = arith.constant 0 : index
    %get3A_4 = vector.load %arg2[%get3A_2, %get3A_3] : memref<1000x4xf32, #tpu.memory_space<vmem>>, vector<1000x1xf32>
    %max3A = arith.constant 1.000000e+00 : f32
    %max3A_5 = vector.broadcast %max3A : f32 to vector<1000x1xf32>
    %max3A_6 = arith.maximumf %get3A_4, %max3A_5 : vector<1000x1xf32>
    %rsqrt3A = math.rsqrt %max3A_6 : vector<1000x1xf32>
    %get3A_7 = arith.constant 0 : index
    %get3A_8 = arith.constant 2 : index
    %get3A_9 = vector.load %arg2[%get3A_7, %get3A_8] : memref<1000x4xf32, #tpu.memory_space<vmem>>, vector<1000x1xf32>
    %max3A_10 = arith.constant 1.000000e+00 : f32
    %max3A_11 = vector.broadcast %max3A_10 : f32 to vector<1000x1xf32>
    %max3A_12 = arith.maximumf %get3A_9, %max3A_11 : vector<1000x1xf32>
    %rsqrt3A_13 = math.rsqrt %max3A_12 : vector<1000x1xf32>
    %mul3A = vector.broadcast %rsqrt3A : vector<1000x1xf32> to vector<1000x128xf32>
    %mul3A_14 = arith.mulf %get3A_1, %mul3A : vector<1000x128xf32>
    %mul3A_15 = vector.broadcast %rsqrt3A_13 : vector<1000x1xf32> to vector<1000x128xf32>
    %mul3A_16 = arith.mulf %get3A_1, %mul3A_15 : vector<1000x128xf32>
    %slice3A = vector.extract_strided_slice %mul3A_14 {offsets = [0, 0], sizes = [1000, 64], strides = [1, 1]} : vector<1000x128xf32> to vector<1000x64xf32>
    %swap3A = arith.constant 0 : index
    %swap3A_17 = arith.constant 0 : index
    %swap3A_18 = vector.load %arg3[%swap3A, %swap3A_17] : memref<1000x64xf32, #tpu.memory_space<vmem>>, vector<1000x64xf32>
    tpu.vector_store %arg3[%swap3A, %swap3A_17], %slice3A {strides = array<i32>} : memref<1000x64xf32, #tpu.memory_space<vmem>>, vector<1000x64xf32>,
    %slice3A_19 = vector.extract_strided_slice %mul3A_14 {offsets = [0, 64], sizes = [1000, 64], strides = [1, 1]} : vector<1000x128xf32> to vector<1000x64xf32>
    %swap3A_20 = arith.constant 0 : index
    %swap3A_21 = arith.constant 0 : index
    %swap3A_22 = vector.load %arg4[%swap3A_20, %swap3A_21] : memref<1000x64xf32, #tpu.memory_space<vmem>>, vector<1000x64xf32>
    tpu.vector_store %arg4[%swap3A_20, %swap3A_21], %slice3A_19 {strides = array<i32>} : memref<1000x64xf32, #tpu.memory_space<vmem>>, vector<1000x64xf32>,
    %slice3A_23 = vector.extract_strided_slice %mul3A_16 {offsets = [0, 0], sizes = [1000, 64], strides = [1, 1]} : vector<1000x128xf32> to vector<1000x64xf32>
    %swap3A_24 = arith.constant 0 : index
    %swap3A_25 = arith.constant 0 : index
    %swap3A_26 = vector.load %arg5[%swap3A_24, %swap3A_25] : memref<1000x64xf32, #tpu.memory_space<vmem>>, vector<1000x64xf32>
    tpu.vector_store %arg5[%swap3A_24, %swap3A_25], %slice3A_23 {strides = array<i32>} : memref<1000x64xf32, #tpu.memory_space<vmem>>, vector<1000x64xf32>,
    %slice3A_27 = vector.extract_strided_slice %mul3A_16 {offsets = [0, 64], sizes = [1000, 64], strides = [1, 1]} : vector<1000x128xf32> to vector<1000x64xf32>
    %swap3A_28 = arith.constant 0 : index
    %swap3A_29 = arith.constant 0 : index
    %swap3A_30 = vector.load %arg6[%swap3A_28, %swap3A_29] : memref<1000x64xf32, #tpu.memory_space<vmem>>, vector<1000x64xf32>
    tpu.vector_store %arg6[%swap3A_28, %swap3A_29], %slice3A_27 {strides = array<i32>} : memref<1000x64xf32, #tpu.memory_space<vmem>>, vector<1000x64xf32>,
    return
  }
  func.func @transform_0(%arg0: i32) -> (i32, i32) {
    %c0_i32 = arith.constant 0 : i32
    %c0_i32_0 = arith.constant 0 : i32
    return %arg0, %c0_i32 : i32, i32
  }
  func.func @transform_1(%arg0: i32) -> (i32, i32) {
    %c0_i32 = arith.constant 0 : i32
    %c0_i32_0 = arith.constant 0 : i32
    return %arg0, %c0_i32 : i32, i32
  }
  func.func @transform_2(%arg0: i32) -> (i32, i32) {
    %c0_i32 = arith.constant 0 : i32
    %c0_i32_0 = arith.constant 0 : i32
    return %arg0, %c0_i32 : i32, i32
  }
  func.func @transform_3(%arg0: i32) -> (i32, i32) {
    %c0_i32 = arith.constant 0 : i32
    %c0_i32_0 = arith.constant 0 : i32
    return %arg0, %c0_i32 : i32, i32
  }
  func.func @transform_4(%arg0: i32) -> (i32, i32) {
    %c0_i32 = arith.constant 0 : i32
    %c0_i32_0 = arith.constant 0 : i32
    return %arg0, %c0_i32 : i32, i32
  }
  func.func @transform_5(%arg0: i32) -> (i32, i32) {
    %c0_i32 = arith.constant 0 : i32
    %c0_i32_0 = arith.constant 0 : i32
    return %arg0, %c0_i32 : i32, i32
  }
}

module attributes {stable_mosaic.version = 14 : i64} {
  func.func @_finish_body(%arg0: i32, %arg1: memref<1000x64xf32, #tpu.memory_space<vmem>>, %arg2: memref<1000x64xf32, #tpu.memory_space<vmem>>, %arg3: memref<1000x64xf32, #tpu.memory_space<vmem>>, %arg4: memref<1000x64xf32, #tpu.memory_space<vmem>>, %arg5: memref<1000x4xf32, #tpu.memory_space<vmem>>, %arg6: memref<128x128xf32, #tpu.memory_space<vmem>>, %arg7: memref<128x128xf32, #tpu.memory_space<vmem>>, %arg8: memref<1x128xf32, #tpu.memory_space<vmem>>, %arg9: memref<1x128xf32, #tpu.memory_space<vmem>>, %arg10: memref<1000x128xf32, #tpu.memory_space<vmem>>) attributes {dimension_semantics = [#tpu.dimension_semantics<arbitrary>], iteration_bounds = array<i64: 10>, scalar_prefetch = 0 : i64, scratch_operands = 0 : i64, tpu.core_type = #tpu.core_type<tc>, window_params = [{transform_indices = @transform_0, window_bounds = array<i64: 1000, 64>}, {transform_indices = @transform_1, window_bounds = array<i64: 1000, 64>}, {transform_indices = @transform_2, window_bounds = array<i64: 1000, 64>}, {transform_indices = @transform_3, window_bounds = array<i64: 1000, 64>}, {transform_indices = @transform_4, window_bounds = array<i64: 1000, 4>}, {pipeline_mode = #tpu.pipeline_mode<synchronous>, transform_indices = @transform_5, window_bounds = array<i64: 128, 128>}, {pipeline_mode = #tpu.pipeline_mode<synchronous>, transform_indices = @transform_6, window_bounds = array<i64: 128, 128>}, {pipeline_mode = #tpu.pipeline_mode<synchronous>, transform_indices = @transform_7, window_bounds = array<i64: 1, 128>}, {pipeline_mode = #tpu.pipeline_mode<synchronous>, transform_indices = @transform_8, window_bounds = array<i64: 1, 128>}, {transform_indices = @transform_9, window_bounds = array<i64: 1000, 128>}]} {
    %get3A = arith.constant 0 : index
    %get3A_0 = arith.constant 1 : index
    %get3A_1 = vector.load %arg5[%get3A, %get3A_0] : memref<1000x4xf32, #tpu.memory_space<vmem>>, vector<1000x1xf32>
    %max3A = arith.constant 1.000000e+00 : f32
    %max3A_2 = vector.broadcast %max3A : f32 to vector<1000x1xf32>
    %max3A_3 = arith.maximumf %get3A_1, %max3A_2 : vector<1000x1xf32>
    %rsqrt3A = math.rsqrt %max3A_3 : vector<1000x1xf32>
    %get3A_4 = arith.constant 0 : index
    %get3A_5 = arith.constant 3 : index
    %get3A_6 = vector.load %arg5[%get3A_4, %get3A_5] : memref<1000x4xf32, #tpu.memory_space<vmem>>, vector<1000x1xf32>
    %max3A_7 = arith.constant 1.000000e+00 : f32
    %max3A_8 = vector.broadcast %max3A_7 : f32 to vector<1000x1xf32>
    %max3A_9 = arith.maximumf %get3A_6, %max3A_8 : vector<1000x1xf32>
    %rsqrt3A_10 = math.rsqrt %max3A_9 : vector<1000x1xf32>
    %get3A_11 = arith.constant 0 : index
    %get3A_12 = arith.constant 0 : index
    %get3A_13 = vector.load %arg1[%get3A_11, %get3A_12] : memref<1000x64xf32, #tpu.memory_space<vmem>>, vector<1000x64xf32>
    %get3A_14 = arith.constant 0 : index
    %get3A_15 = arith.constant 0 : index
    %get3A_16 = vector.load %arg2[%get3A_14, %get3A_15] : memref<1000x64xf32, #tpu.memory_space<vmem>>, vector<1000x64xf32>
    %concatenate3A = tpu.concatenate %get3A_13, %get3A_16 in 1 : vector<1000x64xf32>, vector<1000x64xf32> -> vector<1000x128xf32>
    %get3A_17 = arith.constant 0 : index
    %get3A_18 = arith.constant 0 : index
    %get3A_19 = vector.load %arg3[%get3A_17, %get3A_18] : memref<1000x64xf32, #tpu.memory_space<vmem>>, vector<1000x64xf32>
    %get3A_20 = arith.constant 0 : index
    %get3A_21 = arith.constant 0 : index
    %get3A_22 = vector.load %arg4[%get3A_20, %get3A_21] : memref<1000x64xf32, #tpu.memory_space<vmem>>, vector<1000x64xf32>
    %concatenate3A_23 = tpu.concatenate %get3A_19, %get3A_22 in 1 : vector<1000x64xf32>, vector<1000x64xf32> -> vector<1000x128xf32>
    %mul3A = vector.broadcast %rsqrt3A : vector<1000x1xf32> to vector<1000x128xf32>
    %mul3A_24 = arith.mulf %concatenate3A, %mul3A : vector<1000x128xf32>
    %get3A_25 = arith.constant 0 : index
    %get3A_26 = arith.constant 0 : index
    %get3A_27 = vector.load %arg6[%get3A_25, %get3A_26] : memref<128x128xf32, #tpu.memory_space<vmem>>, vector<128x128xf32>
    %dot_general3A = arith.constant dense<0.000000e+00> : vector<1000x128xf32>
    %dot_general3A_28 = tpu.matmul %mul3A_24, %get3A_27, %dot_general3A {dimension_numbers = #tpu.dot_dimension_numbers<[1], [0], [0], [1], [0, 0, 1, 1], [], []>, transpose_lhs_hint = false} : vector<1000x128xf32>, vector<128x128xf32>, vector<1000x128xf32> -> vector<1000x128xf32>
    %get3A_29 = arith.constant 0 : index
    %get3A_30 = arith.constant 0 : index
    %get3A_31 = vector.load %arg8[%get3A_29, %get3A_30] : memref<1x128xf32, #tpu.memory_space<vmem>>, vector<1x128xf32>
    %add3A = vector.broadcast %get3A_31 : vector<1x128xf32> to vector<1000x128xf32>
    %add3A_32 = arith.addf %dot_general3A_28, %add3A : vector<1000x128xf32>
    %mul3A_33 = vector.broadcast %rsqrt3A_10 : vector<1000x1xf32> to vector<1000x128xf32>
    %mul3A_34 = arith.mulf %concatenate3A_23, %mul3A_33 : vector<1000x128xf32>
    %get3A_35 = arith.constant 0 : index
    %get3A_36 = arith.constant 0 : index
    %get3A_37 = vector.load %arg7[%get3A_35, %get3A_36] : memref<128x128xf32, #tpu.memory_space<vmem>>, vector<128x128xf32>
    %dot_general3A_38 = arith.constant dense<0.000000e+00> : vector<1000x128xf32>
    %dot_general3A_39 = tpu.matmul %mul3A_34, %get3A_37, %dot_general3A_38 {dimension_numbers = #tpu.dot_dimension_numbers<[1], [0], [0], [1], [0, 0, 1, 1], [], []>, transpose_lhs_hint = false} : vector<1000x128xf32>, vector<128x128xf32>, vector<1000x128xf32> -> vector<1000x128xf32>
    %add3A_40 = arith.addf %add3A_32, %dot_general3A_39 : vector<1000x128xf32>
    %get3A_41 = arith.constant 0 : index
    %get3A_42 = arith.constant 0 : index
    %get3A_43 = vector.load %arg9[%get3A_41, %get3A_42] : memref<1x128xf32, #tpu.memory_space<vmem>>, vector<1x128xf32>
    %add3A_44 = vector.broadcast %get3A_43 : vector<1x128xf32> to vector<1000x128xf32>
    %add3A_45 = arith.addf %add3A_40, %add3A_44 : vector<1000x128xf32>
    %mul3A_46 = arith.mulf %add3A_45, %add3A_45 : vector<1000x128xf32>
    %reduce_sum3A = arith.constant dense<0.000000e+00> : vector<1000xf32>
    %reduce_sum3A_47 = vector.multi_reduction <add>, %mul3A_46, %reduce_sum3A [1] : vector<1000x128xf32> to vector<1000xf32>
    %broadcast_in_dim3A = vector.shape_cast %reduce_sum3A_47 : vector<1000xf32> to vector<1000x1xf32>
    %sqrt3A = math.sqrt %broadcast_in_dim3A : vector<1000x1xf32>
    %max3A_48 = arith.constant 9.99999996E-13 : f32
    %max3A_49 = vector.broadcast %max3A_48 : f32 to vector<1000x1xf32>
    %max3A_50 = arith.maximumf %sqrt3A, %max3A_49 : vector<1000x1xf32>
    %div3A = vector.broadcast %max3A_50 : vector<1000x1xf32> to vector<1000x128xf32>
    %div3A_51 = arith.divf %add3A_45, %div3A : vector<1000x128xf32>
    %swap3A = arith.constant 0 : index
    %swap3A_52 = arith.constant 0 : index
    %swap3A_53 = vector.load %arg10[%swap3A, %swap3A_52] : memref<1000x128xf32, #tpu.memory_space<vmem>>, vector<1000x128xf32>
    tpu.vector_store %arg10[%swap3A, %swap3A_52], %div3A_51 {strides = array<i32>} : memref<1000x128xf32, #tpu.memory_space<vmem>>, vector<1000x128xf32>,
    return
  }
  func.func @transform_0(%arg0: i32) -> (i32, i32) {
    %c0_i32 = arith.constant 0 : i32
    %c0_i32_0 = arith.constant 0 : i32
    return %arg0, %c0_i32 : i32, i32
  }
  func.func @transform_1(%arg0: i32) -> (i32, i32) {
    %c0_i32 = arith.constant 0 : i32
    %c0_i32_0 = arith.constant 0 : i32
    return %arg0, %c0_i32 : i32, i32
  }
  func.func @transform_2(%arg0: i32) -> (i32, i32) {
    %c0_i32 = arith.constant 0 : i32
    %c0_i32_0 = arith.constant 0 : i32
    return %arg0, %c0_i32 : i32, i32
  }
  func.func @transform_3(%arg0: i32) -> (i32, i32) {
    %c0_i32 = arith.constant 0 : i32
    %c0_i32_0 = arith.constant 0 : i32
    return %arg0, %c0_i32 : i32, i32
  }
  func.func @transform_4(%arg0: i32) -> (i32, i32) {
    %c0_i32 = arith.constant 0 : i32
    %c0_i32_0 = arith.constant 0 : i32
    return %arg0, %c0_i32 : i32, i32
  }
  func.func @transform_5(%arg0: i32) -> (i32, i32) {
    %c0_i32 = arith.constant 0 : i32
    %c0_i32_0 = arith.constant 0 : i32
    %c0_i32_1 = arith.constant 0 : i32
    return %c0_i32, %c0_i32_0 : i32, i32
  }
  func.func @transform_6(%arg0: i32) -> (i32, i32) {
    %c0_i32 = arith.constant 0 : i32
    %c0_i32_0 = arith.constant 0 : i32
    %c0_i32_1 = arith.constant 0 : i32
    return %c0_i32, %c0_i32_0 : i32, i32
  }
  func.func @transform_7(%arg0: i32) -> (i32, i32) {
    %c0_i32 = arith.constant 0 : i32
    %c0_i32_0 = arith.constant 0 : i32
    %c0_i32_1 = arith.constant 0 : i32
    return %c0_i32, %c0_i32_0 : i32, i32
  }
  func.func @transform_8(%arg0: i32) -> (i32, i32) {
    %c0_i32 = arith.constant 0 : i32
    %c0_i32_0 = arith.constant 0 : i32
    %c0_i32_1 = arith.constant 0 : i32
    return %c0_i32, %c0_i32_0 : i32, i32
  }
  func.func @transform_9(%arg0: i32) -> (i32, i32) {
    %c0_i32 = arith.constant 0 : i32
    %c0_i32_0 = arith.constant 0 : i32
    return %arg0, %c0_i32 : i32, i32
  }
}

</mosaic_0001>

<sc_bundles>
// kernel: kernel.6.cloned.1.call-start
scs
__scs_entry_jumppad:
0x0: {  	(pc) =	sbr.rel $0x88, $3  }
0x1: {  	(tag) =	ssettag $0x0;
	lr =	simm.s32 $0x1  }
0x2: {  	[smem:$0x3F9A] =	sst lr;
	_ =	strace $0xD0000000  }
0x3: {  	_ = 	snop  }
0x4: {  	_ = 	snop  }
0x5: {  	_ = 	snop  }
0x6: {  	_ = 	snop  }
0x7: {  	_ = 	snop  }
__scs_overlays_trampoline_lowered:
0x8: {  	[smem:$0x3FA9] =	sst s0  }
0x9: {  	[smem:$0x3FAA] =	sst s1  }
0xa: {  	[smem:$0x3FAB] =	sst s2  }
0xb: {  	[smem:$0x3FAC] =	sst s3  }
0xc: {  	[smem:$0x3FAD] =	sst s4  }
0xd: {  	[smem:$0x3FAE] =	sst s5  }
0xe: {  	[smem:$0x3FAF] =	sst s6  }
0xf: {  	[smem:$0x3FB0] =	sst s7  }
0x10: {  	[smem:$0x3FB1] =	sst s8  }
0x11: {  	[smem:$0x3FB2] =	sst s9;
	s0 =	simm.s32 @!p0 $0x0  }
0x12: {  	s1 =	sld [smem:$0x3F98];
	s0 =	simm.s32 @p0 $0x1  }
0x13: {  	[smem:$0x3FB3] =	sst s0;
	s0 =	simm.s32 @!p1 $0x0  }
0x14: {  	s2 =	sld [smem:$0x3F97];
	s0 =	simm.s32 @p1 $0x1  }
0x15: {  	[smem:$0x3FB4] =	sst s0;
	s0 =	simm.s32 @!p2 $0x0  }
0x16: {  	s3 =	sld [smem:$0x3FDB];
	s0 =	simm.s32 @p2 $0x1  }
0x17: {  	s4 =	simm.s32 $0x1BF5;
	[smem:$0x3FB6] =	sst s0  }
0x18: {  	s0 =	sld [smem:$0x3F99];
	_ =	swait.ge [sflag:s4], $0x0  }
0x19: {  	s7 =	sld [smem:$0x3F9A]  }
0x1a: {  	s8 =	sadd.s32 $0xFFFFE003, lr  }
0x1b: {  	s9 =	sadd.s32 $0xFFFFFEF7, lr;
	s5 =	simm.s32 $0xFFFFFFFF;
	p2 =	slt.u32 s8, $0xFFFFF086  }
0x1c: {  	p1 =	slt.u32 s9, $0xF7A;
	s5 =	simm.s32 @!p2 $0x0  }
0x1d: {  	s5 =	simm.s32 @p1 $0x1;
	p0 =	seq.s32 s7, s2  }
0x1e: {  	s7 =	smul.u32 @!p0 $0xF7A, s2;
	p2 =	seq.s32 @!p0 s5, $0x0  }
0x1f: {  	s9 =	smul.u32 $0xF7A, s1;
	s8 =	simm.s32 @!p0 $0x1BF5;
	p2 =	por !p2, p0  }
0x20: {  	[sflag:s8] =	ssyncset.s32 @!p0 $0xFFFFF086;
	s6 =	sadd.s32 @!p0 s3, s7;
	s7 =	simm.s32 @!p0 $0x108  }
0x21: {  	s3 =	sadd.s32 s3, s9;
	s6 =	sadd.s32 @!p0 $0x88, s6;
	s7 =	simm.s32 @p2 $0x1082  }
0x22: {  	[simem:s7], [sflag:s8] =	dma.local @!p0 [hbm:s6], $0xF7A  }
0x23: {  	s9 =	sor.u32 $0xD0000000, s2;
	s6 =	simm.s32 $0x108;
	_ =	swait.ge @!p0 [sflag:s8], $0x0  }
0x24: {  	s3 =	sadd.s32 $0x88, s3;
	s6 =	simm.s32 @!p1 $0x1082;
	[sflag:s4] =	ssyncset.s32 $0xFFFFF086  }
0x25: {  	[simem:s6], [sflag:s4] =	dma.local [hbm:s3], $0xF7A  }
0x26: {  	[smem:$0x3F9A] =	sst s1;
	(tag) =	ssettag s2;
	_ =	strace s9  }
0x27: {  	s1 =	sld [smem:$0x3FAA]  }
0x28: {  	s2 =	sld [smem:$0x3FAB]  }
0x29: {  	s4 =	sld [smem:$0x3FAD]  }
0x2a: {  	p0 =	seq.s32 s5, $0x0;
	s5 =	sld [smem:$0x3FAE]  }
0x2b: {  	s6 =	sld [smem:$0x3FAF]  }
0x2c: {  	s7 =	sld [smem:$0x3FB0]  }
0x2d: {  	s3 =	simm.s32 $0x108;
	s8 =	sld [smem:$0x3FB1]  }
0x2e: {  	s3 =	simm.s32 @!p0 $0x1082;
	s9 =	sld [smem:$0x3FB2]  }
0x2f: {  	lr =	sadd.s32 s0, s3;
	s0 =	sld [smem:$0x3FA9]  }
0x30: {  	s3 =	sld [smem:$0x3FAC]  }
0x31: {  	[smem:$0x3FB5] =	sst s10  }
0x32: {  	s10 =	sld [smem:$0x3FB3];
	_ =	sdelay $0x3  }
0x33: {  	p0 =	seq.s32 s10, $0x1;
	s10 =	sld [smem:$0x3FB5];
	_ =	sdelay $0x3  }
0x34: {  	[smem:$0x3FB5] =	sst s10  }
0x35: {  	s10 =	sld [smem:$0x3FB4];
	_ =	sdelay $0x3  }
0x36: {  	p1 =	seq.s32 s10, $0x1;
	s10 =	sld [smem:$0x3FB5];
	_ =	sdelay $0x3  }
0x37: {  	[smem:$0x3FB5] =	sst s10  }
0x38: {  	s10 =	sld [smem:$0x3FB6]  }
0x39: {  	_ = 	snop;
	(pc) =	sbr.ind lr, $3  }
0x3a: {  	_ = 	snop  }
0x3b: {  	_ = 	snop  }
0x3c: {  	p2 =	seq.s32 s10, $0x1;
	s10 =	sld [smem:$0x3FB5]  }
0x3d: {  	_ =	shalt  }
0x3e: {  	_ =	shalt  }
0x3f: {  	_ =	shalt  }
0x40: {  	_ =	shalt  }
0x41: {  	_ =	shalt  }
0x42: {  	_ =	shalt  }
0x43: {  	_ =	shalt  }
0x44: {  	_ =	shalt  }
0x45: {  	_ =	shalt  }
0x46: {  	_ =	shalt  }
0x47: {  	_ =	shalt  }
0x48: {  	_ =	shalt  }
0x49: {  	_ =	shalt  }
0x4a: {  	_ =	shalt  }
0x4b: {  	_ =	shalt  }
0x4c: {  	_ =	shalt  }
0x4d: {  	_ =	shalt  }
0x4e: {  	_ =	shalt  }
0x4f: {  	_ =	shalt  }
0x50: {  	_ =	shalt  }
0x51: {  	_ =	shalt  }
0x52: {  	_ =	shalt  }
0x53: {  	_ =	shalt  }
0x54: {  	_ =	shalt  }
0x55: {  	_ =	shalt  }
0x56: {  	_ =	shalt  }
0x57: {  	_ =	shalt  }
0x58: {  	_ =	shalt  }
0x59: {  	_ =	shalt  }
0x5a: {  	_ =	shalt  }
0x5b: {  	_ =	shalt  }
0x5c: {  	_ =	shalt  }
0x5d: {  	_ =	shalt  }
0x5e: {  	_ =	shalt  }
0x5f: {  	_ =	shalt  }
0x60: {  	_ =	shalt  }
0x61: {  	_ =	shalt  }
0x62: {  	_ =	shalt  }
0x63: {  	_ =	shalt  }
0x64: {  	_ =	shalt  }
0x65: {  	_ =	shalt  }
0x66: {  	_ =	shalt  }
0x67: {  	_ =	shalt  }
0x68: {  	_ =	shalt  }
0x69: {  	_ =	shalt  }
0x6a: {  	_ =	shalt  }
0x6b: {  	_ =	shalt  }
0x6c: {  	_ =	shalt  }
0x6d: {  	_ =	shalt  }
0x6e: {  	_ =	shalt  }
0x6f: {  	_ =	shalt  }
0x70: {  	_ =	shalt  }
0x71: {  	_ =	shalt  }
0x72: {  	_ =	shalt  }
0x73: {  	_ =	shalt  }
0x74: {  	_ =	shalt  }
0x75: {  	_ =	shalt  }
0x76: {  	_ =	shalt  }
0x77: {  	_ =	shalt  }
0x78: {  	_ =	shalt  }
0x79: {  	_ =	shalt  }
0x7a: {  	_ =	shalt  }
0x7b: {  	_ =	shalt  }
0x7c: {  	_ =	shalt  }
0x7d: {  	_ =	shalt  }
0x7e: {  	_ =	shalt  }
0x7f: {  	_ =	shalt  }
0x80: {  	_ =	shalt  }
0x81: {  	_ =	shalt  }
0x82: {  	_ =	shalt  }
0x83: {  	_ =	shalt  }
0x84: {  	_ =	shalt  }
0x85: {  	_ =	shalt  }
0x86: {  	_ =	shalt  }
0x87: {  	_ =	shalt  }
.Lfunc_end0:
.L_simem_size_0:
called_computation_lowered:
.L_overlay_start_0:
0x88: {  	s2 =	sld [smem:$0x3FD9]  }
0x89: {  	s3 =	sld [smem:$0x3FFE];
	_ =	sdelay $0x1  }
0x8a: {  	s1 =	srdreg.scid  }
0x8b: {  	s0 =	sand.u32 $0x1, s1  }
0x8c: {  	s17 =	sshll.u32 s0, $0xA;
	s2 =	sadd.s32 s3, s2  }
0x8d: {  	s2 =	sadd.s32 s2, s17  }
0x8e: {  	[smem:$0x3FC1] =	sst s2  }
0x8f: {  	_ = 	snop  }
0x90: {  	s2 =	sld [smem:$0x3FD0];
	(tm) =	ssettm $0x1  }
0x91: {  	s18 =	sld [smem:$0x3FFB];
	_ =	sdelay $0x3  }
0x92: {  	_ =	strace s18  }
0x93: {  	s3 =	sld [smem:$0x3FFC];
	_ =	sdelay $0x3  }
0x94: {  	_ =	strace s3  }
0x95: {  	s3 =	sld [smem:$0x3FFD];
	_ =	sdelay $0x3  }
0x96: {  	_ =	strace s3  }
0x97: {  	_ =	strace $0x8FFFFFFF  }
0x98: {  	s19 =	sld [smem:$0x3FDB];
	_ =	sdelay $0x1  }
0x99: {  	s4 =	simm.s32 $_scs_section_size  }
0x9a: {  	s5 =	simm.s32 $_size__tile_overlayer_lowered;
	s6 =	simm.s32 $_tile_overlayer_lowered  }
0x9b: {  	s22 =	simm.s32 $0x1BFF;
	s21 =	sshll.u32 s6, $0x1;
	s3 =	sadd.s32 s4, s19  }
0x9c: {  	s7 =	simm.s32 $0x0;
	s20 =	sshll.u32 s5, $0x1;
	s5 =	sadd.s32 s21, s3  }
0x9d: {  	[timem:s7], [sflag:s22] =	dma.local [hbm:s5], s20  }
0x9e: {  	_ =	swait.ge [sflag:s22], s20  }
0x9f: {  	s4 =	ssub.s32 $0x0, s20;
	[sflag:s22] =	ssyncset.done $0x0  }
0xa0: {  	[sflag:s22] =	ssyncadd.s32 s4;
	_ =	sdelay $0x1  }
0xa1: {  	s23 =	simm.s32 $0x1B8B  }
0xa2: {  	_ =	swait.ge [sflag:s23], $0x1  }
0xa3: {  	[sflag:s23] =	ssyncset.done $0x0  }
0xa4: {  	s25 =	simm.s32 $0x1B8E;
	s24 =	sld [smem:$0x3FFE];
	[sflag:s23] =	ssyncadd.s32 $0xFFFFFFFF  }
0xa5: {  	s26 =	simm.s32 $execute0_lowered;
	[smem:$0x3FD2] =	sst s25  }
0xa6: {  	s5 =	sshll.u32 s26, $0x1;
	_ =	strace $0x80000046;
	[dreg:$0x1] =	wrdreg $0xFFFFFFFF  }
0xa7: {  	s28 =	simm.s32 $_size_execute0_lowered;
	s3 =	sadd.s32 s3, s5;
	[dreg:$0x0] =	wrdreg $0x0  }
0xa8: {  	s5 =	sshll.u32 s28, $0x1;
	[dreg:$0x2] =	wrdreg s3  }
0xa9: {  	[dreg:$0x3] =	wrdreg s5  }
0xaa: {  	[dreg:$0x4] =	wrdreg $0xC0  }
0xab: {  	_ =	task [dreg:s7], $0x5FFFF  }
0xac: {  	[dreg:$0x1] =	wrdreg $0xFFFFFFFF  }
0xad: {  	[dreg:$0x0] =	wrdreg $0x60  }
0xae: {  	[dreg:$0x2] =	wrdreg s2  }
0xaf: {  	[dreg:$0x3] =	wrdreg s24  }
0xb0: {  	[dreg:$0x4] =	wrdreg $0x103000  }
0xb1: {  	[dreg:$0x5] =	wrdreg $0x105800  }
0xb2: {  	[dreg:$0x6] =	wrdreg $0x9  }
0xb3: {  	_ =	task.clear_ibuf [dreg:s7], $0x7FFFF;
	_ =	strace $0x90000046  }
0xb4: {  	s29 =	simm.s32 $0x9;
	_ =	strace $0x80000048  }
0xb5: {  	_ =	swait.ge [sflag:s29], $0x1  }
0xb6: {  	[sflag:s29] =	ssyncadd.s32 $0xFFFFFFFF  }
0xb7: {  	_ =	strace $0x90000048  }
0xb8: {  	_ =	sfence  }
0xb9: {  	s30 =	sld [smem:$0x0];
	_ =	sdelay $0x2  }
0xba: {  	s31 =	sshll.u32 s1, $0xD;
	s1 =	sshrl.u32 s1, $0x2  }
0xbb: {  	s3 =	sand.u32 $0x4000, s31;
	s1 =	sadd.s32 s1, s30  }
0xbc: {  	s0 =	sor.u32 s3, s0;
	s1 =	sshll.u32 s1, $0x11  }
0xbd: {  	s0 =	sor.u32 s1, s0  }
0xbe: {  	s0 =	sadd.s32 $0x8F2B, s0  }
0xbf: {  	[sflag:s0] =	ssyncadd.remote.s32 $0x1  }
0xc0: {  	_ =	sfence.sel $0xFFFF  }
0xc1: {  	[dreg:$0x0] =	wrdreg $0xFFFFFFFF;
	(pc) =	sbr.abs _section_cstart, $3  }
0xc2: {  	[dreg:$0x1] =	wrdreg $0xFFFFFFFF  }
0xc3: {  	_ =	task.clear_ibuf [dreg:s7], $0x2FFFF;
	_ =	strace $0x9FFFFFFF  }
0xc4: {  	(tm) =	ssettm $0x7FFFFFFF  }
0xc5: {  	_ =	shalt  }
tec
execute0_lowered:
.L_overlay_start_1:
0x0: {  	(tag) =	ssettag $0x1  }
0x1: {  	s10 =	rddreg [dreg:$0x0]  }
0x2: {  	s9 =	rddreg [dreg:$0x1]  }
0x3: {  	s1 =	rddreg [dreg:$0x2]  }
0x4: {  	s2 =	rddreg [dreg:$0x3]  }
0x5: {  	s0 =	rddreg [dreg:$0x4]  }
0x6: {  	s3 =	simm.s32 $0x0;
	s4 =	srdreg.scid;
	s22 =	stileid.u32  }
0x7: {  	s16 =	simm.s32 $0x50;
	s17 =	simm.s32 $0x10000;
	s19 =	simm.s32 $0x40  }
0x8: {  	s20 =	simm.s32 $0x10;
	s21 =	simm.s32 $0x1C41;
	s23 =	simm.s32 $0x1C01  }
0x9: {  	s24 =	simm.s32 $0x0;
	[smem:$0x7FF] =	sst s3;
	s18 =	sand.u32 $0x1, s4  }
0xa: {  	s11 =	sadd.s32 $0x15800, s9;
	s12 =	sadd.s32 $0x49400, s9;
	s7 =	smul.u32 $0x280, s22  }
0xb: {  	s13 =	sadd.s32 $0x39400, s9;
	s4 =	sadd.s32 $0x59400, s9;
	s15 =	sshll.u32 s22, $0xC  }
0xc: {  	s8 =	sadd.s32 $0x59420, s9;
	p2 =	seq.s32 s22, $0x1;
	_ =	strace $0x80000047  }
0xd: {  	s5 =	ssub.s32 $0x2, s18;
	p0 =	seq.s32 s18, $0x0;
	p1 =	sne.s32 s18, $0x0  }
0xe: {  	s18 =	sshrl.u32 s2, $0x3;
	s6 =	sshrl.u32 s5, $0x1;
	s12 =	smov.u32 @p0 s10  }
.Ltmp0:
0xf: {  	s13 =	smov.u32 @p0 s11;
	p0 =	sne.s32 s22, $0x0;
	(pc) =	sbr.rel .LBB2_1-.Ltmp0, $4  }
0x10: {  	s22 =	sshrl.u32 s1, $0x3;
	s14 =	ssub.s32 s5, s6;
	s5 =	sadd.s32 s7, s1  }
0x11: {  	s6 =	sadd.s32 s7, s2;
	s7 =	sadd.s32 $0x59430, s9;
	s9 =	sadd.s32 $0x59410, s9  }
0x12: {  	s11 =	sadd.s32 s12, s15;
	s12 =	sadd.s32 s13, s15;
	s13 =	simm.s32 $0x10080  }
0x13: {  	v0 =	vimm.f32 $0.0e+00;
	v1 =	vimm.f32 $1.000000000e+00;
	s15 =	simm.s32 $0x8000;
	s10 =	smax.u32 s14, $0x1;
	s14 =	simm.s32 $0x1  }
.LBB2_11:
0x14: {  	[hbm:s7@s19], [sflag:s21] =	dma.strided [spmem:s18@s20], $0x500, s14, $0x10   }
.LBB2_12:
0x15: {  	_ =	swait.ge [sflag:s14], $0x500  }
0x16: {  	[sflag:s14] =	ssyncset.done $0x0  }
0x17: {  	[sflag:s14] =	ssyncadd.s32 $0xFFFFFB00  }
.LBB2_13:
0x18: {  	s24 =	sadd.s32 $0x1, s24  }
0x19: {  	p3 =	sne.s32 s24, s10  }
.Ltmp1:
0x1a: {  	_ = 	snop;
	(pc) =	sbr.rel @!p3 .LBB2_14-.Ltmp1, $1  }
0x1b: {  	_ =	sdelay $0x3  }
.LBB2_1:
0x1c: {  	[tilespmem:$0x10080] =	vst v0  }
0x1d: {  	[tilespmem:$0x10090] =	vst v0  }
0x1e: {  	[tilespmem:$0x100A0] =	vst v0  }
0x1f: {  	[tilespmem:$0x100B0] =	vst v0  }
0x20: {  	[tilespmem:$0x100C0] =	vst v0  }
0x21: {  	[tilespmem:$0x100D0] =	vst v0  }
0x22: {  	[tilespmem:$0x100E0] =	vst v0  }
0x23: {  	[tilespmem:$0x100F0] =	vst v0  }
0x24: {  	[tilespmem:$0x10100] =	vst v0  }
0x25: {  	[tilespmem:$0x10110] =	vst v0  }
0x26: {  	[tilespmem:$0x10120] =	vst v0  }
0x27: {  	[tilespmem:$0x10130] =	vst v0  }
0x28: {  	[tilespmem:$0x10140] =	vst v0  }
0x29: {  	[tilespmem:$0x10150] =	vst v0  }
0x2a: {  	[tilespmem:$0x10160] =	vst v0  }
0x2b: {  	[tilespmem:$0x10170] =	vst v0  }
0x2c: {  	[tilespmem:$0x10180] =	vst v0  }
0x2d: {  	[tilespmem:$0x10190] =	vst v0  }
0x2e: {  	[tilespmem:$0x101A0] =	vst v0  }
0x2f: {  	[tilespmem:$0x101B0] =	vst v0  }
0x30: {  	[tilespmem:$0x101C0] =	vst v0  }
0x31: {  	[tilespmem:$0x101D0] =	vst v0  }
0x32: {  	[tilespmem:$0x101E0] =	vst v0  }
0x33: {  	[tilespmem:$0x101F0] =	vst v0  }
0x34: {  	[tilespmem:$0x10200] =	vst v0  }
0x35: {  	[tilespmem:$0x10210] =	vst v0  }
0x36: {  	[tilespmem:$0x10220] =	vst v0  }
0x37: {  	[tilespmem:$0x10230] =	vst v0  }
0x38: {  	[tilespmem:$0x10240] =	vst v0  }
0x39: {  	[tilespmem:$0x10250] =	vst v0  }
0x3a: {  	[tilespmem:$0x10260] =	vst v0  }
0x3b: {  	[tilespmem:$0x10270] =	vst v0  }
0x3c: {  	[tilespmem:$0x10280] =	vst v0  }
0x3d: {  	[tilespmem:$0x10290] =	vst v0  }
0x3e: {  	[tilespmem:$0x102A0] =	vst v0  }
0x3f: {  	[tilespmem:$0x102B0] =	vst v0  }
0x40: {  	[tilespmem:$0x102C0] =	vst v0  }
0x41: {  	[tilespmem:$0x102D0] =	vst v0  }
0x42: {  	[tilespmem:$0x102E0] =	vst v0  }
0x43: {  	[tilespmem:$0x102F0] =	vst v0  }
0x44: {  	[tilespmem:$0x10000] =	vst v1  }
0x45: {  	[tilespmem:$0x10010] =	vst v1  }
0x46: {  	[tilespmem:$0x10020] =	vst v1  }
0x47: {  	[tilespmem:$0x10030] =	vst v1  }
0x48: {  	[tilespmem:$0x10040] =	vst v1  }
0x49: {  	[spmem:s5] =	stream.linear.scatter [tilespmem:s13], [sflag:$0x1], $0x280, $0x38;
	[tilespmem:$0x10800] =	vst v63  }
0x4a: {  	_ =	swait.ge [sflag:s14], $0x280  }
0x4b: {  	[sflag:s14] =	ssyncset.done $0x0  }
0x4c: {  	[sflag:s14] =	ssyncadd.s32 $0xFFFFFD80  }
0x4d: {  	[spmem:s6] =	stream.linear.scatter [tilespmem:s13], [sflag:$0x1], $0x280, $0x38;
	[tilespmem:$0x10800] =	vst v63  }
0x4e: {  	_ =	swait.ge [sflag:s14], $0x280  }
0x4f: {  	[sflag:s14] =	ssyncset.done $0x0  }
0x50: {  	[sflag:s14] =	ssyncadd.s32 $0xFFFFFD80  }
0x51: {  	[tilespmem:s3], [sflag:$0x1] =	stream.linear.gather [hbm4b:s11+s3], $0x7D00, $0x38;
	[tilespmem:$0x10800] =	vst v63  }
0x52: {  	_ =	swait.ge [sflag:s14], $0x7D00  }
0x53: {  	[sflag:s14] =	ssyncset.done $0x0  }
0x54: {  	[sflag:s14] =	ssyncadd.s32 $0xFFFF8300  }
0x55: {  	[tilespmem:s15], [sflag:$0x1] =	stream.linear.gather [hbm4b:s12+s3], $0x7D00, $0x38;
	[tilespmem:$0x10800] =	vst v63  }
0x56: {  	_ =	swait.ge [sflag:s14], $0x7D00  }
0x57: {  	[sflag:s14] =	ssyncset.done $0x0  }
0x58: {  	[sflag:s14] =	ssyncadd.s32 $0xFFFF8300  }
0x59: {  	s25 =	simm.s32 $0x0;
	[bflag:$0x0] =	sbarrier.arrive $0xFFFF  }
0x5a: {  	[spmem:s1] =	stream.indirect.scatter.add.f32 [tilespmem:s17], [sflag:$0x1], $0x1, s25, s16, $0xb8;
	[tilespmem:$0x10800] =	vst v63  }
0x5b: {  	_ =	swait.ge [sflag:s14], $0x50  }
0x5c: {  	[sflag:s14] =	ssyncset.done $0x0  }
0x5d: {  	s31 =	simm.s32 $0x8000;
	[sflag:s14] =	ssyncadd.s32 $0xFFFFFFB0  }
0x5e: {  	[spmem:s2] =	stream.indirect.scatter.add.f32 [tilespmem:s17], [sflag:$0x1], $0x1, s31, s16, $0xb8;
	[tilespmem:$0x10800] =	vst v63  }
0x5f: {  	_ =	swait.ge [sflag:s14], $0x50  }
0x60: {  	s26 =	simm.s32 $0x400;
	s25 =	simm.s32 $0x200;
	[sflag:s14] =	ssyncset.done $0x0  }
.LBB2_2:
0x61: {  	s28 =	sshra.s32 s25, $0x2  }
0x62: {  	[sflag:s14] =	ssyncadd.s32 $0xFFFFFFB0;
	s25 =	smov.u32 s26;
	s29 =	sadd.s32 $0x200, s26  }
0x63: {  	[spmem:s1] =	stream.indirect.scatter.add.f32 [tilespmem:s17], [sflag:$0x1], $0x1, s28, s16, $0xb8;
	[tilespmem:$0x10800] =	vst v63  }
0x64: {  	p3 =	sne.s32 s26, $0x1F200;
	_ =	swait.ge [sflag:s14], $0x50  }
.Ltmp2:
0x65: {  	[sflag:s14] =	ssyncset.done $0x0;
	(pc) =	sbr.rel @p3 .LBB2_2-.Ltmp2, $4  }
0x66: {  	s26 =	sadd.s32 $0x8000, s28;
	[sflag:s14] =	ssyncadd.s32 $0xFFFFFFB0  }
0x67: {  	[spmem:s2] =	stream.indirect.scatter.add.f32 [tilespmem:s17], [sflag:$0x1], $0x1, s26, s16, $0xb8;
	[tilespmem:$0x10800] =	vst v63  }
0x68: {  	_ =	swait.ge [sflag:s14], $0x50  }
0x69: {  	s26 =	smov.u32 s29;
	[sflag:s14] =	ssyncset.done $0x0  }
0x6a: {  	s25 =	sshra.s32 s25, $0x2;
	[sflag:s14] =	ssyncadd.s32 $0xFFFFFFB0  }
0x6b: {  	[spmem:s1] =	stream.indirect.scatter.add.f32 [tilespmem:s17], [sflag:$0x1], $0x1, s25, s16, $0xb8;
	[tilespmem:$0x10800] =	vst v63  }
0x6c: {  	_ =	swait.ge [sflag:s14], $0x50  }
0x6d: {  	[sflag:s14] =	ssyncset.done $0x0  }
0x6e: {  	s25 =	sadd.s32 $0x8000, s25;
	[sflag:s14] =	ssyncadd.s32 $0xFFFFFFB0  }
0x6f: {  	[spmem:s2] =	stream.indirect.scatter.add.f32 [tilespmem:s17], [sflag:$0x1], $0x1, s25, s16, $0xb8;
	[tilespmem:$0x10800] =	vst v63  }
.Ltmp3:
0x70: {  	_ =	swait.ge [sflag:s14], $0x50;
	(pc) =	sbr.rel @p1 .LBB2_8-.Ltmp3, $3  }
0x71: {  	[sflag:s14] =	ssyncset.done $0x0  }
0x72: {  	[sflag:s14] =	ssyncadd.s32 $0xFFFFFFB0  }
0x73: {  	[bflag:$0x0] =	sbarrier.arrive $0xFFFF;
	_ =	sdelay $0x1  }
.Ltmp4:
0x74: {  	(pc) =	sbr.rel @p2 .LBB2_7-.Ltmp4, $1  }
0x75: {  	_ =	sdelay $0x3  }
.Ltmp5:
0x76: {  	(pc) =	sbr.rel @p0 .LBB2_13-.Ltmp5, $1  }
0x77: {  	_ =	sdelay $0x3  }
.Ltmp6:
0x78: {  	(pc) =	sbr.rel .LBB2_12-.Ltmp6, $2  }
0x79: {  	_ =	sdelay $0x2  }
0x7a: {  	[hbm:s4@s19], [sflag:s23] =	dma.strided [spmem:s22@s20], $0x500, s14, $0x10   }
.LBB2_8:
.Ltmp7:
0x7b: {  	(pc) =	sbr.rel @p2 .LBB2_11-.Ltmp7, $1  }
0x7c: {  	_ =	sdelay $0x3  }
.Ltmp8:
0x7d: {  	(pc) =	sbr.rel @p0 .LBB2_13-.Ltmp8, $1  }
0x7e: {  	_ =	sdelay $0x3  }
.Ltmp9:
0x7f: {  	(pc) =	sbr.rel .LBB2_12-.Ltmp9, $2  }
0x80: {  	_ =	sdelay $0x2  }
0x81: {  	[hbm:s8@s19], [sflag:s23] =	dma.strided [spmem:s22@s20], $0x500, s14, $0x10   }
.LBB2_7:
.Ltmp10:
0x82: {  	(pc) =	sbr.rel .LBB2_12-.Ltmp10, $2  }
0x83: {  	_ =	sdelay $0x2  }
0x84: {  	[hbm:s9@s19], [sflag:s21] =	dma.strided [spmem:s18@s20], $0x500, s14, $0x10   }
.LBB2_14:
0x85: {  	_ =	sfence.sel $0x180000  }
0x86: {  	[bflag:$0x0] =	sbarrier.arrive $0xFFFF  }
0x87: {  	_ =	strace $0x90000047  }
0x88: {  	s0 =	sadd.s32 @!p0 $0x100000, s0;
	[bflag:$0x2] =	sbarrier.arrive $0xFFFF  }
0x89: {  	[sflag:s0] =	ssyncadd.tile.s32 @!p0 $0x1;
	_ =	shalt  }
.Lfunc_end2:
_tile_overlayer_lowered:
.L_overlay_start_2:
0x8a: {  	(tag) =	ssettag $0x2  }
0x8b: {  	s0 =	rddreg [dreg:$0x0];
	s2 =	stileid.u32  }
0x8c: {  	s1 =	rddreg [dreg:$0x1];
	p0 =	sne.s32 s2, $0x0  }
0x8d: {  	s3 =	rddreg [dreg:$0x2];
	[bflag:$0x3] =	sbarrier.arrive $0xFFFF;
	s2 =	simm.s32 @!p0 $0x1C01  }
0x8e: {  	[timem:s3], [sflag:s2] =	dma.local @!p0 [hbm:s0], s1  }
0x8f: {  	s0 =	simm.s32 @!p0 $0x1  }
0x90: {  	_ =	swait.ge @!p0 [sflag:s0], s1  }
0x91: {  	s1 =	ssub.s32 @!p0 $0x0, s1;
	[sflag:s0] =	ssyncset.done @!p0 $0x0  }
0x92: {  	[sflag:s0] =	ssyncadd.s32 @!p0 s1  }
0x93: {  	[bflag:$0x3] =	sbarrier.arrive $0xFFFF  }
0x94: {  	_ =	shalt  }

// kernel: kernel.9.cloned.1.call-start
scs
__scs_entry_jumppad:
0x0: {  	(pc) =	sbr.rel $0x88, $3  }
0x1: {  	(tag) =	ssettag $0x0;
	lr =	simm.s32 $0x1  }
0x2: {  	[smem:$0x3F9A] =	sst lr;
	_ =	strace $0xD0000000  }
0x3: {  	_ = 	snop  }
0x4: {  	_ = 	snop  }
0x5: {  	_ = 	snop  }
0x6: {  	_ = 	snop  }
0x7: {  	_ = 	snop  }
__scs_overlays_trampoline_lowered:
0x8: {  	[smem:$0x3FA9] =	sst s0  }
0x9: {  	[smem:$0x3FAA] =	sst s1  }
0xa: {  	[smem:$0x3FAB] =	sst s2  }
0xb: {  	[smem:$0x3FAC] =	sst s3  }
0xc: {  	[smem:$0x3FAD] =	sst s4  }
0xd: {  	[smem:$0x3FAE] =	sst s5  }
0xe: {  	[smem:$0x3FAF] =	sst s6  }
0xf: {  	[smem:$0x3FB0] =	sst s7  }
0x10: {  	[smem:$0x3FB1] =	sst s8  }
0x11: {  	[smem:$0x3FB2] =	sst s9;
	s0 =	simm.s32 @!p0 $0x0  }
0x12: {  	s1 =	sld [smem:$0x3F98];
	s0 =	simm.s32 @p0 $0x1  }
0x13: {  	[smem:$0x3FB3] =	sst s0;
	s0 =	simm.s32 @!p1 $0x0  }
0x14: {  	s2 =	sld [smem:$0x3F97];
	s0 =	simm.s32 @p1 $0x1  }
0x15: {  	[smem:$0x3FB4] =	sst s0;
	s0 =	simm.s32 @!p2 $0x0  }
0x16: {  	s3 =	sld [smem:$0x3FDB];
	s0 =	simm.s32 @p2 $0x1  }
0x17: {  	s4 =	simm.s32 $0x1BF5;
	[smem:$0x3FB6] =	sst s0  }
0x18: {  	s0 =	sld [smem:$0x3F99];
	_ =	swait.ge [sflag:s4], $0x0  }
0x19: {  	s7 =	sld [smem:$0x3F9A]  }
0x1a: {  	s8 =	sadd.s32 $0xFFFFE003, lr  }
0x1b: {  	s9 =	sadd.s32 $0xFFFFFEF7, lr;
	s5 =	simm.s32 $0xFFFFFFFF;
	p2 =	slt.u32 s8, $0xFFFFF086  }
0x1c: {  	p1 =	slt.u32 s9, $0xF7A;
	s5 =	simm.s32 @!p2 $0x0  }
0x1d: {  	s5 =	simm.s32 @p1 $0x1;
	p0 =	seq.s32 s7, s2  }
0x1e: {  	s7 =	smul.u32 @!p0 $0xF7A, s2;
	p2 =	seq.s32 @!p0 s5, $0x0  }
0x1f: {  	s9 =	smul.u32 $0xF7A, s1;
	s8 =	simm.s32 @!p0 $0x1BF5;
	p2 =	por !p2, p0  }
0x20: {  	[sflag:s8] =	ssyncset.s32 @!p0 $0xFFFFF086;
	s6 =	sadd.s32 @!p0 s3, s7;
	s7 =	simm.s32 @!p0 $0x108  }
0x21: {  	s3 =	sadd.s32 s3, s9;
	s6 =	sadd.s32 @!p0 $0x88, s6;
	s7 =	simm.s32 @p2 $0x1082  }
0x22: {  	[simem:s7], [sflag:s8] =	dma.local @!p0 [hbm:s6], $0xF7A  }
0x23: {  	s9 =	sor.u32 $0xD0000000, s2;
	s6 =	simm.s32 $0x108;
	_ =	swait.ge @!p0 [sflag:s8], $0x0  }
0x24: {  	s3 =	sadd.s32 $0x88, s3;
	s6 =	simm.s32 @!p1 $0x1082;
	[sflag:s4] =	ssyncset.s32 $0xFFFFF086  }
0x25: {  	[simem:s6], [sflag:s4] =	dma.local [hbm:s3], $0xF7A  }
0x26: {  	[smem:$0x3F9A] =	sst s1;
	(tag) =	ssettag s2;
	_ =	strace s9  }
0x27: {  	s1 =	sld [smem:$0x3FAA]  }
0x28: {  	s2 =	sld [smem:$0x3FAB]  }
0x29: {  	s4 =	sld [smem:$0x3FAD]  }
0x2a: {  	p0 =	seq.s32 s5, $0x0;
	s5 =	sld [smem:$0x3FAE]  }
0x2b: {  	s6 =	sld [smem:$0x3FAF]  }
0x2c: {  	s7 =	sld [smem:$0x3FB0]  }
0x2d: {  	s3 =	simm.s32 $0x108;
	s8 =	sld [smem:$0x3FB1]  }
0x2e: {  	s3 =	simm.s32 @!p0 $0x1082;
	s9 =	sld [smem:$0x3FB2]  }
0x2f: {  	lr =	sadd.s32 s0, s3;
	s0 =	sld [smem:$0x3FA9]  }
0x30: {  	s3 =	sld [smem:$0x3FAC]  }
0x31: {  	[smem:$0x3FB5] =	sst s10  }
0x32: {  	s10 =	sld [smem:$0x3FB3];
	_ =	sdelay $0x3  }
0x33: {  	p0 =	seq.s32 s10, $0x1;
	s10 =	sld [smem:$0x3FB5];
	_ =	sdelay $0x3  }
0x34: {  	[smem:$0x3FB5] =	sst s10  }
0x35: {  	s10 =	sld [smem:$0x3FB4];
	_ =	sdelay $0x3  }
0x36: {  	p1 =	seq.s32 s10, $0x1;
	s10 =	sld [smem:$0x3FB5];
	_ =	sdelay $0x3  }
0x37: {  	[smem:$0x3FB5] =	sst s10  }
0x38: {  	s10 =	sld [smem:$0x3FB6]  }
0x39: {  	_ = 	snop;
	(pc) =	sbr.ind lr, $3  }
0x3a: {  	_ = 	snop  }
0x3b: {  	_ = 	snop  }
0x3c: {  	p2 =	seq.s32 s10, $0x1;
	s10 =	sld [smem:$0x3FB5]  }
0x3d: {  	_ =	shalt  }
0x3e: {  	_ =	shalt  }
0x3f: {  	_ =	shalt  }
0x40: {  	_ =	shalt  }
0x41: {  	_ =	shalt  }
0x42: {  	_ =	shalt  }
0x43: {  	_ =	shalt  }
0x44: {  	_ =	shalt  }
0x45: {  	_ =	shalt  }
0x46: {  	_ =	shalt  }
0x47: {  	_ =	shalt  }
0x48: {  	_ =	shalt  }
0x49: {  	_ =	shalt  }
0x4a: {  	_ =	shalt  }
0x4b: {  	_ =	shalt  }
0x4c: {  	_ =	shalt  }
0x4d: {  	_ =	shalt  }
0x4e: {  	_ =	shalt  }
0x4f: {  	_ =	shalt  }
0x50: {  	_ =	shalt  }
0x51: {  	_ =	shalt  }
0x52: {  	_ =	shalt  }
0x53: {  	_ =	shalt  }
0x54: {  	_ =	shalt  }
0x55: {  	_ =	shalt  }
0x56: {  	_ =	shalt  }
0x57: {  	_ =	shalt  }
0x58: {  	_ =	shalt  }
0x59: {  	_ =	shalt  }
0x5a: {  	_ =	shalt  }
0x5b: {  	_ =	shalt  }
0x5c: {  	_ =	shalt  }
0x5d: {  	_ =	shalt  }
0x5e: {  	_ =	shalt  }
0x5f: {  	_ =	shalt  }
0x60: {  	_ =	shalt  }
0x61: {  	_ =	shalt  }
0x62: {  	_ =	shalt  }
0x63: {  	_ =	shalt  }
0x64: {  	_ =	shalt  }
0x65: {  	_ =	shalt  }
0x66: {  	_ =	shalt  }
0x67: {  	_ =	shalt  }
0x68: {  	_ =	shalt  }
0x69: {  	_ =	shalt  }
0x6a: {  	_ =	shalt  }
0x6b: {  	_ =	shalt  }
0x6c: {  	_ =	shalt  }
0x6d: {  	_ =	shalt  }
0x6e: {  	_ =	shalt  }
0x6f: {  	_ =	shalt  }
0x70: {  	_ =	shalt  }
0x71: {  	_ =	shalt  }
0x72: {  	_ =	shalt  }
0x73: {  	_ =	shalt  }
0x74: {  	_ =	shalt  }
0x75: {  	_ =	shalt  }
0x76: {  	_ =	shalt  }
0x77: {  	_ =	shalt  }
0x78: {  	_ =	shalt  }
0x79: {  	_ =	shalt  }
0x7a: {  	_ =	shalt  }
0x7b: {  	_ =	shalt  }
0x7c: {  	_ =	shalt  }
0x7d: {  	_ =	shalt  }
0x7e: {  	_ =	shalt  }
0x7f: {  	_ =	shalt  }
0x80: {  	_ =	shalt  }
0x81: {  	_ =	shalt  }
0x82: {  	_ =	shalt  }
0x83: {  	_ =	shalt  }
0x84: {  	_ =	shalt  }
0x85: {  	_ =	shalt  }
0x86: {  	_ =	shalt  }
0x87: {  	_ =	shalt  }
.Lfunc_end0:
.L_simem_size_0:
called_computation.1_lowered:
.L_overlay_start_0:
0x88: {  	s2 =	sld [smem:$0x3FD9]  }
0x89: {  	s3 =	sld [smem:$0x3FFE];
	_ =	sdelay $0x1  }
0x8a: {  	s1 =	srdreg.scid  }
0x8b: {  	s0 =	sand.u32 $0x1, s1  }
0x8c: {  	s16 =	sshll.u32 s0, $0xA;
	s2 =	sadd.s32 s3, s2  }
0x8d: {  	s2 =	sadd.s32 s2, s16  }
0x8e: {  	[smem:$0x3FC1] =	sst s2  }
0x8f: {  	_ = 	snop  }
0x90: {  	(tm) =	ssettm $0x1  }
0x91: {  	s17 =	sld [smem:$0x3FFB];
	_ =	sdelay $0x3  }
0x92: {  	_ =	strace s17  }
0x93: {  	s2 =	sld [smem:$0x3FFC];
	_ =	sdelay $0x3  }
0x94: {  	_ =	strace s2  }
0x95: {  	s2 =	sld [smem:$0x3FFD];
	_ =	sdelay $0x3  }
0x96: {  	_ =	strace s2  }
0x97: {  	_ =	strace $0x8FFFFFFF  }
0x98: {  	s18 =	sld [smem:$0x3FDB];
	_ =	sdelay $0x1  }
0x99: {  	s19 =	simm.s32 $_scs_section_size  }
0x9a: {  	s4 =	simm.s32 $_size__tile_overlayer_lowered;
	s5 =	simm.s32 $_tile_overlayer_lowered  }
0x9b: {  	s22 =	simm.s32 $0x1BFF;
	s21 =	sshll.u32 s5, $0x1;
	s2 =	sadd.s32 s19, s18  }
0x9c: {  	s6 =	simm.s32 $0x0;
	s20 =	sshll.u32 s4, $0x1;
	s4 =	sadd.s32 s21, s2  }
0x9d: {  	[timem:s6], [sflag:s22] =	dma.local [hbm:s4], s20  }
0x9e: {  	_ =	swait.ge [sflag:s22], s20  }
0x9f: {  	s3 =	ssub.s32 $0x0, s20;
	[sflag:s22] =	ssyncset.done $0x0  }
0xa0: {  	[sflag:s22] =	ssyncadd.s32 s3;
	_ =	sdelay $0x1  }
0xa1: {  	s23 =	simm.s32 $0x1B8B  }
0xa2: {  	_ =	swait.ge [sflag:s23], $0x1  }
0xa3: {  	[sflag:s23] =	ssyncset.done $0x0  }
0xa4: {  	s25 =	simm.s32 $0x1B8E;
	s24 =	sld [smem:$0x3FFE];
	[sflag:s23] =	ssyncadd.s32 $0xFFFFFFFF  }
0xa5: {  	s26 =	simm.s32 $execute0_lowered;
	[smem:$0x3FD2] =	sst s25  }
0xa6: {  	s4 =	sshll.u32 s26, $0x1;
	_ =	strace $0x80000049;
	[dreg:$0x1] =	wrdreg $0xFFFFFFFF  }
0xa7: {  	s28 =	simm.s32 $_size_execute0_lowered;
	s2 =	sadd.s32 s2, s4;
	[dreg:$0x0] =	wrdreg $0x0  }
0xa8: {  	s4 =	sshll.u32 s28, $0x1;
	[dreg:$0x2] =	wrdreg s2  }
0xa9: {  	[dreg:$0x3] =	wrdreg s4  }
0xaa: {  	[dreg:$0x4] =	wrdreg $0xC0  }
0xab: {  	_ =	task [dreg:s6], $0x5FFFF  }
0xac: {  	[dreg:$0x1] =	wrdreg $0xFFFFFFFF  }
0xad: {  	[dreg:$0x0] =	wrdreg $0x60  }
0xae: {  	[dreg:$0x2] =	wrdreg s24  }
0xaf: {  	[dreg:$0x3] =	wrdreg $0x120400  }
0xb0: {  	[dreg:$0x4] =	wrdreg $0x9  }
0xb1: {  	_ =	task.clear_ibuf [dreg:s6], $0x5FFFF;
	_ =	strace $0x90000049  }
0xb2: {  	s29 =	simm.s32 $0x9;
	_ =	strace $0x8000004B  }
0xb3: {  	_ =	swait.ge [sflag:s29], $0x1  }
0xb4: {  	[sflag:s29] =	ssyncadd.s32 $0xFFFFFFFF  }
0xb5: {  	_ =	strace $0x9000004B  }
0xb6: {  	_ =	sfence  }
0xb7: {  	s30 =	sld [smem:$0x0];
	_ =	sdelay $0x2  }
0xb8: {  	s31 =	sshll.u32 s1, $0xD;
	s1 =	sshrl.u32 s1, $0x2  }
0xb9: {  	s3 =	sand.u32 $0x4000, s31;
	s1 =	sadd.s32 s1, s30  }
0xba: {  	s0 =	sor.u32 s3, s0;
	s1 =	sshll.u32 s1, $0x11  }
0xbb: {  	s0 =	sor.u32 s1, s0  }
0xbc: {  	s0 =	sadd.s32 $0x8F2B, s0  }
0xbd: {  	[sflag:s0] =	ssyncadd.remote.s32 $0x1  }
0xbe: {  	_ =	sfence.sel $0xFFFF  }
0xbf: {  	[dreg:$0x0] =	wrdreg $0xFFFFFFFF;
	(pc) =	sbr.abs _section_cstart, $3  }
0xc0: {  	[dreg:$0x1] =	wrdreg $0xFFFFFFFF  }
0xc1: {  	_ =	task.clear_ibuf [dreg:s6], $0x2FFFF;
	_ =	strace $0x9FFFFFFF  }
0xc2: {  	(tm) =	ssettm $0x7FFFFFFF  }
0xc3: {  	_ =	shalt  }
tec
execute0_lowered:
.L_overlay_start_1:
0x0: {  	(tag) =	ssettag $0x1  }
0x1: {  	s0 =	rddreg [dreg:$0x0]  }
0x2: {  	s1 =	rddreg [dreg:$0x1]  }
0x3: {  	s2 =	simm.s32 $0x0;
	s8 =	srdreg.scid;
	s12 =	stileid.u32  }
0x4: {  	s28 =	simm.s32 $0xC440;
	[smem:$0x7FF] =	sst s2;
	s3 =	sadd.s32 $0x39400, s0  }
0x5: {  	s4 =	sadd.s32 $0x4CE00, s0;
	s5 =	sadd.s32 $0x60800, s0;
	s6 =	sadd.s32 $0x74200, s0  }
0x6: {  	s7 =	sadd.s32 $0xBA00, s0;
	s14 =	sadd.s32 $0x1C00, s0;
	s16 =	sadd.s32 $0x2F600, s0  }
0x7: {  	s17 =	sadd.s32 $0x25800, s0;
	s18 =	sadd.s32 $0x9BC00, s0;
	s9 =	smul.u32 $0x28000, s12  }
0x8: {  	s19 =	sadd.s32 $0x87C00, s0;
	s8 =	sand.u32 $0x1, s8;
	s15 =	smul.u32 $0xA000, s12  }
0x9: {  	s20 =	sadd.s32 $0xAFC00, s0;
	s0 =	sadd.s32 $0xC3C00, s0;
	s22 =	smul.u32 $0x9C4, s12  }
0xa: {  	_ =	strace $0x8000004A;
	s10 =	ssub.s32 $0x2, s8;
	p0 =	seq.s32 s8, $0x0  }
0xb: {  	s11 =	sshrl.u32 s10, $0x1;
	s9 =	sshrl.u32 s9, $0x2;
	s12 =	sadd.s32 s15, s1  }
0xc: {  	s16 =	smov.u32 @p0 s7;
	s17 =	smov.u32 @p0 s14;
	s20 =	smov.u32 @p0 s18  }
0xd: {  	s18 =	smov.u32 s6;
	s0 =	smov.u32 @p0 s19;
	s14 =	simm.s32 $0x3  }
0xe: {  	s21 =	ssub.s32 s10, s11;
	[dreg:$0x3] =	wrdreg s12;
	s7 =	sadd.s32 s16, s22  }
0xf: {  	s13 =	sadd.s32 s9, s1;
	s30 =	sadd.s32 s17, s22;
	[dreg:$0x9] =	wrdreg s7  }
0x10: {  	s18 =	smov.u32 @p0 s4;
	s23 =	sadd.s32 $0x2000, s13;
	[dreg:$0xa] =	wrdreg s30  }
0x11: {  	s22 =	simm.s32 $0xB040;
	s24 =	sadd.s32 $0x4000, s13;
	[dreg:$0x4] =	wrdreg s23  }
0x12: {  	s16 =	simm.s32 $0x5;
	s25 =	sadd.s32 $0x6000, s13;
	[dreg:$0x5] =	wrdreg s24  }
0x13: {  	s26 =	sadd.s32 $0x8000, s13;
	s29 =	smax.u32 s21, $0x1;
	[dreg:$0x6] =	wrdreg s25  }
.Ltmp0:
0x14: {  	s21 =	simm.s32 $0x6;
	[dreg:$0x7] =	wrdreg s26;
	(pc) =	sbr.rel .LBB2_1-.Ltmp0, $4  }
0x15: {  	s7 =	simm.s32 $0x1;
	s23 =	sshrl.u32 s15, $0x3;
	[dreg:$0x8] =	wrdreg s29  }
0x16: {  	s15 =	smov.u32 s5;
	s24 =	simm.s32 $0x9C40;
	s31 =	sadd.s32 s20, s23  }
0x17: {  	s15 =	smov.u32 @p0 s3;
	s0 =	sadd.s32 s0, s23;
	[dreg:$0xb] =	wrdreg s31  }
0x18: {  	v0 =	vimm.f32 $0.0e+00;
	s23 =	simm.s32 $0x50;
	[dreg:$0xc] =	wrdreg s0;
	s0 =	simm.s32 $0xEC40  }
.LBB2_9:
0x19: {  	[bflag:$0x0] =	sbarrier.arrive $0xFFFF  }
0x1a: {  	s9 =	rddreg [dreg:$0xc]  }
0x1b: {  	[hbm:s9], [sflag:s17] =	dma.local [spmem:s19], $0x1400  }
0x1c: {  	_ =	swait.ge [sflag:s21], $0x1400  }
0x1d: {  	s2 =	sadd.s32 $0x1, s2;
	s31 =	rddreg [dreg:$0x8]  }
0x1e: {  	p0 =	sne.s32 s2, s31  }
.Ltmp1:
0x1f: {  	_ = 	snop;
	(pc) =	sbr.rel @!p0 .LBB2_10-.Ltmp1, $3  }
0x20: {  	_ =	sdelay $0x1  }
0x21: {  	[sflag:s21] =	ssyncset.done $0x0  }
0x22: {  	s22 =	simm.s32 $0xB040;
	[sflag:s21] =	ssyncadd.s32 $0xFFFFEC00  }
.LBB2_1:
0x23: {  	s19 =	simm.s32 $0x100;
	s17 =	simm.s32 $0x0  }
.LBB2_2:
0x24: {  	p0 =	sne.s32 s19, $0x7F00;
	[tilespmem:s17+$0x10070] =	vst v0;
	s20 =	smov.u32 s19;
	s19 =	sadd.s32 $0x100, s19  }
.Ltmp2:
0x25: {  	[tilespmem:s17+$0x10060] =	vst v0;
	(pc) =	sbr.rel @p0 .LBB2_2-.Ltmp2, $3  }
0x26: {  	[tilespmem:s17+$0x10040] =	vst v0  }
0x27: {  	[tilespmem:s17+$0x10050] =	vst v0;
	_ =	sdelay $0x1  }
0x28: {  	s17 =	sshra.s32 s20, $0x2  }
0x29: {  	[tilespmem:s17+$0x10070] =	vst v0  }
0x2a: {  	[tilespmem:s17+$0x10060] =	vst v0  }
0x2b: {  	[tilespmem:s17+$0x10040] =	vst v0  }
0x2c: {  	[tilespmem:s17+$0x10050] =	vst v0;
	s17 =	simm.s32 $0x0;
	s9 =	rddreg [dreg:$0x9]  }
0x2d: {  	[tilespmem:s17], [sflag:$0x6] =	stream.linear.gather [hbm4b:s9+s17], $0x4E20, $0x38;
	[tilespmem:$0x1C040] =	vst v63  }
0x2e: {  	_ =	swait.ge [sflag:s21], $0x4E20  }
0x2f: {  	[sflag:s21] =	ssyncset.done $0x0  }
0x30: {  	s10 =	simm.s32 $0x4E20;
	s31 =	rddreg [dreg:$0xa];
	[sflag:s21] =	ssyncadd.s32 $0xFFFFB1E0  }
0x31: {  	[tilespmem:s10], [sflag:$0x6] =	stream.linear.gather [hbm4b:s31+s17], $0x4E20, $0x38;
	[tilespmem:$0x1C040] =	vst v63  }
0x32: {  	_ =	swait.ge [sflag:s21], $0x4E20  }
0x33: {  	[sflag:s21] =	ssyncset.done $0x0  }
0x34: {  	[sflag:s21] =	ssyncadd.s32 $0xFFFFB1E0  }
0x35: {  	[tilespmem:s24], [sflag:$0x1] =	stream.indirect.gather [hbm4b:s15+s23], $0x40, s17, s23, $0xb8;
	[tilespmem:$0x1C040] =	vst v63  }
0x36: {  	_ = 	snop  }
0x37: {  	[tilespmem:s22], [sflag:$0x2] =	stream.indirect.gather [hbm4b:s15+s23], $0x40, s23, s23, $0xb8;
	[tilespmem:$0x1C040] =	vst v63  }
0x38: {  	s11 =	simm.s32 $0xA0  }
0x39: {  	[tilespmem:s28], [sflag:$0x3] =	stream.indirect.gather [hbm4b:s15+s23], $0x40, s11, s23, $0xb8;
	[tilespmem:$0x1C040] =	vst v63  }
0x3a: {  	s12 =	simm.s32 $0xF0;
	s13 =	simm.s32 $0xD840  }
0x3b: {  	[tilespmem:s13], [sflag:$0x4] =	stream.indirect.gather [hbm4b:s15+s23], $0x40, s12, s23, $0xb8;
	[tilespmem:$0x1C040] =	vst v63  }
0x3c: {  	s19 =	simm.s32 $0x140  }
0x3d: {  	[tilespmem:s0], [sflag:$0x5] =	stream.indirect.gather [hbm4b:s15+s23], $0x40, s19, s23, $0xb8;
	[tilespmem:$0x1C040] =	vst v63  }
0x3e: {  	s25 =	simm.s32 $0x10040;
	s20 =	rddreg [dreg:$0x3]  }
0x3f: {  	[spmem:s20] =	stream.linear.scatter [tilespmem:s25], [sflag:$0x6], $0x2000, $0x38;
	[tilespmem:$0x1C040] =	vst v63  }
0x40: {  	_ =	swait.ge [sflag:s21], $0x2000  }
0x41: {  	[sflag:s21] =	ssyncset.done $0x0  }
0x42: {  	s26 =	rddreg [dreg:$0x4];
	[sflag:s21] =	ssyncadd.s32 $0xFFFFE000  }
0x43: {  	[spmem:s26] =	stream.linear.scatter [tilespmem:s25], [sflag:$0x6], $0x2000, $0x38;
	[tilespmem:$0x1C040] =	vst v63  }
0x44: {  	_ =	swait.ge [sflag:s21], $0x2000  }
0x45: {  	[sflag:s21] =	ssyncset.done $0x0  }
0x46: {  	s29 =	rddreg [dreg:$0x5];
	[sflag:s21] =	ssyncadd.s32 $0xFFFFE000  }
0x47: {  	[spmem:s29] =	stream.linear.scatter [tilespmem:s25], [sflag:$0x6], $0x2000, $0x38;
	[tilespmem:$0x1C040] =	vst v63  }
0x48: {  	_ =	swait.ge [sflag:s21], $0x2000  }
0x49: {  	[sflag:s21] =	ssyncset.done $0x0  }
0x4a: {  	s30 =	rddreg [dreg:$0x6];
	[sflag:s21] =	ssyncadd.s32 $0xFFFFE000  }
0x4b: {  	[spmem:s30] =	stream.linear.scatter [tilespmem:s25], [sflag:$0x6], $0x2000, $0x38;
	[tilespmem:$0x1C040] =	vst v63  }
0x4c: {  	_ =	swait.ge [sflag:s21], $0x2000  }
0x4d: {  	[sflag:s21] =	ssyncset.done $0x0  }
0x4e: {  	s31 =	rddreg [dreg:$0x7];
	[sflag:s21] =	ssyncadd.s32 $0xFFFFE000  }
0x4f: {  	[spmem:s31] =	stream.linear.scatter [tilespmem:s25], [sflag:$0x6], $0x2000, $0x38;
	[tilespmem:$0x1C040] =	vst v63  }
0x50: {  	_ =	swait.ge [sflag:s21], $0x2000  }
0x51: {  	[sflag:s21] =	ssyncset.done $0x0  }
0x52: {  	[sflag:s21] =	ssyncadd.s32 $0xFFFFE000  }
0x53: {  	[bflag:$0x0] =	sbarrier.arrive $0xFFFF  }
.LBB2_4:
0x54: {  	_ =	swait.ge [sflag:s7], $0x1400  }
0x55: {  	s19 =	sshra.s32 s17, $0x2;
	[sflag:s7] =	ssyncset.done $0x0  }
0x56: {  	s20 =	sadd.s32 $0x4E20, s19;
	[sflag:s7] =	ssyncadd.s32 $0xFFFFEC00  }
0x57: {  	[spmem:s1] =	stream.indirect.scatter.add.f32 [tilespmem:s24], [sflag:$0x6], $0x40, s20, s23, $0xb8;
	[tilespmem:$0x1C040] =	vst v63  }
0x58: {  	_ =	swait.ge [sflag:s21], $0x1400  }
0x59: {  	p0 =	seq.s32 s17, $0x13240;
	[sflag:s21] =	ssyncset.done $0x0  }
0x5a: {  	s20 =	simm.s32 @p0 $0x2;
	[sflag:s21] =	ssyncadd.s32 $0xFFFFEC00  }
0x5b: {  	_ =	swait.ge @p0 [sflag:s20], $0x1400  }
0x5c: {  	[sflag:s20] =	ssyncset.done @p0 $0x0  }
0x5d: {  	[sflag:s20] =	ssyncadd.s32 @p0 $0xFFFFEC00;
	s20 =	sshra.s32 @p0 s17, $0x2  }
0x5e: {  	s26 =	simm.s32 @p0 $0x50;
	s29 =	simm.s32 @p0 $0xB040;
	s25 =	sadd.s32 @p0 $0x4E70, s20  }
0x5f: {  	[spmem:s1] =	stream.indirect.scatter.add.f32 @p0 [tilespmem:s29], [sflag:$0x6], $0x40, s25, s26, $0xb8;
	[tilespmem:$0x1C040] =	vst v63  }
0x60: {  	s25 =	simm.s32 @p0 $0x6  }
0x61: {  	_ =	swait.ge @p0 [sflag:s25], $0x1400  }
0x62: {  	s31 =	simm.s32 @!p0 $0x50;
	s29 =	sshra.s32 @!p0 s17, $0x2;
	[sflag:s25] =	ssyncset.done @p0 $0x0  }
0x63: {  	s10 =	simm.s32 @!p0 $0x9C40;
	s30 =	sadd.s32 @!p0 $0x190, s29;
	[sflag:s25] =	ssyncadd.s32 @p0 $0xFFFFEC00  }
0x64: {  	[tilespmem:s10], [sflag:$0x1] =	stream.indirect.gather @!p0 [hbm4b:s15+s31], $0x40, s30, s31, $0xb8;
	[tilespmem:$0x1C040] =	vst v63  }
0x65: {  	s10 =	simm.s32 @!p0 $0x2  }
0x66: {  	_ =	swait.ge @!p0 [sflag:s10], $0x1400  }
0x67: {  	[sflag:s10] =	ssyncset.done @!p0 $0x0  }
0x68: {  	s30 =	simm.s32 @!p0 $0xB040;
	[sflag:s10] =	ssyncadd.s32 @!p0 $0xFFFFEC00;
	s10 =	sadd.s32 @!p0 $0x4E70, s29  }
0x69: {  	[spmem:s1] =	stream.indirect.scatter.add.f32 @!p0 [tilespmem:s30], [sflag:$0x6], $0x40, s10, s31, $0xb8;
	[tilespmem:$0x1C040] =	vst v63  }
0x6a: {  	p2 =	sne.s32 @!p0 s8, $0x0;
	s10 =	simm.s32 @!p0 $0x6  }
0x6b: {  	p1 =	por !p2, p0;
	_ =	swait.ge @!p0 [sflag:s10], $0x1400  }
0x6c: {  	p2 =	por p2, p0;
	s11 =	simm.s32 @!p1 $0x50;
	[sflag:s10] =	ssyncset.done @!p0 $0x0  }
0x6d: {  	s12 =	simm.s32 @!p1 $0xB040;
	s30 =	sadd.s32 @!p0 $0x1E0, s29;
	[sflag:s10] =	ssyncadd.s32 @!p0 $0xFFFFEC00  }
0x6e: {  	[tilespmem:s12], [sflag:$0x2] =	stream.indirect.gather @!p1 [hbm4b:s5+s11], $0x40, s30, s11, $0xb8;
	[tilespmem:$0x1C040] =	vst v63  }
0x6f: {  	s13 =	simm.s32 @!p2 $0xB040;
	s12 =	simm.s32 @!p2 $0x50  }
0x70: {  	[tilespmem:s13], [sflag:$0x2] =	stream.indirect.gather @!p2 [hbm4b:s3+s12], $0x40, s30, s12, $0xb8;
	[tilespmem:$0x1C040] =	vst v63  }
0x71: {  	_ =	swait.ge [sflag:s14], $0x1400  }
0x72: {  	[sflag:s14] =	ssyncset.done $0x0  }
0x73: {  	s30 =	sadd.s32 $0x4EC0, s19;
	[sflag:s14] =	ssyncadd.s32 $0xFFFFEC00  }
0x74: {  	[spmem:s1] =	stream.indirect.scatter.add.f32 [tilespmem:s28], [sflag:$0x6], $0x40, s30, s23, $0xb8;
	[tilespmem:$0x1C040] =	vst v63  }
0x75: {  	_ =	swait.ge [sflag:s21], $0x1400  }
0x76: {  	[sflag:s21] =	ssyncset.done $0x0  }
0x77: {  	s13 =	simm.s32 @p0 $0x4;
	[sflag:s21] =	ssyncadd.s32 $0xFFFFEC00  }
0x78: {  	_ =	swait.ge @p0 [sflag:s13], $0x1400  }
0x79: {  	[sflag:s13] =	ssyncset.done @p0 $0x0  }
0x7a: {  	[sflag:s13] =	ssyncadd.s32 @p0 $0xFFFFEC00;
	s13 =	sadd.s32 @p0 $0x4F10, s20;
	s20 =	simm.s32 @p0 $0xD840  }
0x7b: {  	[spmem:s1] =	stream.indirect.scatter.add.f32 @p0 [tilespmem:s20], [sflag:$0x6], $0x40, s13, s26, $0xb8;
	[tilespmem:$0x1C040] =	vst v63  }
0x7c: {  	_ =	swait.ge @p0 [sflag:s25], $0x1400  }
0x7d: {  	[sflag:s25] =	ssyncset.done @p0 $0x0  }
0x7e: {  	s13 =	sadd.s32 @!p0 $0x230, s29;
	s20 =	simm.s32 @!p0 $0xC440;
	[sflag:s25] =	ssyncadd.s32 @p0 $0xFFFFEC00  }
0x7f: {  	[tilespmem:s20], [sflag:$0x3] =	stream.indirect.gather @!p0 [hbm4b:s15+s31], $0x40, s13, s31, $0xb8;
	[tilespmem:$0x1C040] =	vst v63  }
0x80: {  	s13 =	simm.s32 @!p0 $0x4  }
0x81: {  	_ =	swait.ge @!p0 [sflag:s13], $0x1400  }
0x82: {  	[sflag:s13] =	ssyncset.done @!p0 $0x0  }
0x83: {  	s20 =	simm.s32 @!p0 $0xD840;
	[sflag:s13] =	ssyncadd.s32 @!p0 $0xFFFFEC00;
	s13 =	sadd.s32 @!p0 $0x4F10, s29  }
0x84: {  	[spmem:s1] =	stream.indirect.scatter.add.f32 @!p0 [tilespmem:s20], [sflag:$0x6], $0x40, s13, s31, $0xb8;
	[tilespmem:$0x1C040] =	vst v63  }
0x85: {  	_ =	swait.ge @!p0 [sflag:s10], $0x1400  }
0x86: {  	[sflag:s10] =	ssyncset.done @!p0 $0x0  }
0x87: {  	s13 =	simm.s32 @!p1 $0xD840;
	[sflag:s10] =	ssyncadd.s32 @!p0 $0xFFFFEC00;
	s10 =	sadd.s32 @!p0 $0x280, s29  }
0x88: {  	[tilespmem:s13], [sflag:$0x4] =	stream.indirect.gather @!p1 [hbm4b:s5+s11], $0x40, s10, s11, $0xb8;
	[tilespmem:$0x1C040] =	vst v63  }
0x89: {  	s11 =	simm.s32 @!p2 $0xD840  }
0x8a: {  	[tilespmem:s11], [sflag:$0x4] =	stream.indirect.gather @!p2 [hbm4b:s3+s12], $0x40, s10, s12, $0xb8;
	[tilespmem:$0x1C040] =	vst v63  }
0x8b: {  	_ =	swait.ge [sflag:s16], $0x1400  }
0x8c: {  	[sflag:s16] =	ssyncset.done $0x0  }
.Ltmp3:
0x8d: {  	s31 =	sadd.s32 $0x4F60, s19;
	[sflag:s16] =	ssyncadd.s32 $0xFFFFEC00;
	(pc) =	sbr.rel @p0 .LBB2_6-.Ltmp3, $4  }
0x8e: {  	[spmem:s1] =	stream.indirect.scatter.add.f32 [tilespmem:s0], [sflag:$0x6], $0x40, s31, s23, $0xb8;
	[tilespmem:$0x1C040] =	vst v63  }
0x8f: {  	_ =	swait.ge [sflag:s21], $0x1400  }
0x90: {  	[sflag:s21] =	ssyncset.done $0x0  }
0x91: {  	[sflag:s21] =	ssyncadd.s32 $0xFFFFEC00  }
.Ltmp4:
0x92: {  	(pc) =	sbr.rel .LBB2_4-.Ltmp4, $3  }
0x93: {  	_ =	sdelay $0x1  }
0x94: {  	s10 =	sadd.s32 $0x2D0, s19;
	s17 =	sadd.s32 $0x640, s17  }
0x95: {  	[tilespmem:s0], [sflag:$0x5] =	stream.indirect.gather [hbm4b:s15+s23], $0x40, s10, s23, $0xb8;
	[tilespmem:$0x1C040] =	vst v63  }
.LBB2_6:
0x96: {  	s9 =	stileid.u32;
	[bflag:$0x0] =	sbarrier.arrive $0xFFFF  }
0x97: {  	s10 =	sshll.u32 s9, $0x6;
	s31 =	rddreg [dreg:$0x3]  }
0x98: {  	s11 =	rddreg [dreg:$0xb];
	s17 =	sor.u32 $0x1C06, s10;
	s19 =	sshrl.u32 s31, $0x3  }
0x99: {  	[hbm:s11], [sflag:s17] =	dma.local [spmem:s19], $0x1400  }
0x9a: {  	_ =	swait.ge [sflag:s21], $0x1400  }
0x9b: {  	[sflag:s21] =	ssyncset.done $0x0  }
0x9c: {  	s25 =	simm.s32 $0x0;
	[sflag:s21] =	ssyncadd.s32 $0xFFFFEC00  }
0x9d: {  	[tilespmem:s24], [sflag:$0x1] =	stream.indirect.gather [hbm4b:s18+s23], $0x40, s25, s23, $0xb8;
	[tilespmem:$0x1C040] =	vst v63  }
0x9e: {  	_ = 	snop  }
0x9f: {  	[tilespmem:s22], [sflag:$0x2] =	stream.indirect.gather [hbm4b:s18+s23], $0x40, s23, s23, $0xb8;
	[tilespmem:$0x1C040] =	vst v63  }
0xa0: {  	s12 =	simm.s32 $0xA0  }
0xa1: {  	[tilespmem:s28], [sflag:$0x3] =	stream.indirect.gather [hbm4b:s18+s23], $0x40, s12, s23, $0xb8;
	[tilespmem:$0x1C040] =	vst v63  }
0xa2: {  	s13 =	simm.s32 $0xF0;
	s11 =	simm.s32 $0xD840  }
0xa3: {  	[tilespmem:s11], [sflag:$0x4] =	stream.indirect.gather [hbm4b:s18+s23], $0x40, s13, s23, $0xb8;
	[tilespmem:$0x1C040] =	vst v63  }
0xa4: {  	s20 =	simm.s32 $0x140  }
0xa5: {  	[tilespmem:s0], [sflag:$0x5] =	stream.indirect.gather [hbm4b:s18+s23], $0x40, s20, s23, $0xb8;
	[tilespmem:$0x1C040] =	vst v63  }
0xa6: {  	s22 =	simm.s32 $0x10040  }
0xa7: {  	[spmem:s31] =	stream.linear.scatter [tilespmem:s22], [sflag:$0x6], $0x2000, $0x38;
	[tilespmem:$0x1C040] =	vst v63  }
0xa8: {  	_ =	swait.ge [sflag:s21], $0x2000  }
0xa9: {  	[sflag:s21] =	ssyncset.done $0x0  }
0xaa: {  	s26 =	rddreg [dreg:$0x4];
	[sflag:s21] =	ssyncadd.s32 $0xFFFFE000  }
0xab: {  	[spmem:s26] =	stream.linear.scatter [tilespmem:s22], [sflag:$0x6], $0x2000, $0x38;
	[tilespmem:$0x1C040] =	vst v63  }
0xac: {  	_ =	swait.ge [sflag:s21], $0x2000  }
0xad: {  	[sflag:s21] =	ssyncset.done $0x0  }
0xae: {  	s29 =	rddreg [dreg:$0x5];
	[sflag:s21] =	ssyncadd.s32 $0xFFFFE000  }
0xaf: {  	[spmem:s29] =	stream.linear.scatter [tilespmem:s22], [sflag:$0x6], $0x2000, $0x38;
	[tilespmem:$0x1C040] =	vst v63  }
0xb0: {  	_ =	swait.ge [sflag:s21], $0x2000  }
0xb1: {  	[sflag:s21] =	ssyncset.done $0x0  }
0xb2: {  	s30 =	rddreg [dreg:$0x6];
	[sflag:s21] =	ssyncadd.s32 $0xFFFFE000  }
0xb3: {  	[spmem:s30] =	stream.linear.scatter [tilespmem:s22], [sflag:$0x6], $0x2000, $0x38;
	[tilespmem:$0x1C040] =	vst v63  }
0xb4: {  	_ =	swait.ge [sflag:s21], $0x2000  }
0xb5: {  	[sflag:s21] =	ssyncset.done $0x0  }
0xb6: {  	s31 =	rddreg [dreg:$0x7];
	[sflag:s21] =	ssyncadd.s32 $0xFFFFE000  }
0xb7: {  	[spmem:s31] =	stream.linear.scatter [tilespmem:s22], [sflag:$0x6], $0x2000, $0x38;
	[tilespmem:$0x1C040] =	vst v63  }
0xb8: {  	_ =	swait.ge [sflag:s21], $0x2000  }
0xb9: {  	[sflag:s21] =	ssyncset.done $0x0  }
0xba: {  	[sflag:s21] =	ssyncadd.s32 $0xFFFFE000  }
0xbb: {  	[bflag:$0x0] =	sbarrier.arrive $0xFFFF  }
.LBB2_7:
0xbc: {  	_ =	swait.ge [sflag:s7], $0x1400  }
0xbd: {  	s20 =	sshra.s32 s25, $0x2;
	[sflag:s7] =	ssyncset.done $0x0  }
0xbe: {  	s10 =	sadd.s32 $0x4E20, s20;
	[sflag:s7] =	ssyncadd.s32 $0xFFFFEC00  }
0xbf: {  	[spmem:s1] =	stream.indirect.scatter.add.f32 [tilespmem:s24], [sflag:$0x6], $0x40, s10, s23, $0xb8;
	[tilespmem:$0x1C040] =	vst v63  }
0xc0: {  	_ =	swait.ge [sflag:s21], $0x1400  }
0xc1: {  	p0 =	seq.s32 s25, $0x13240;
	[sflag:s21] =	ssyncset.done $0x0  }
0xc2: {  	s10 =	simm.s32 @p0 $0x2;
	[sflag:s21] =	ssyncadd.s32 $0xFFFFEC00  }
0xc3: {  	_ =	swait.ge @p0 [sflag:s10], $0x1400  }
0xc4: {  	[sflag:s10] =	ssyncset.done @p0 $0x0  }
0xc5: {  	[sflag:s10] =	ssyncadd.s32 @p0 $0xFFFFEC00;
	s10 =	sshra.s32 @p0 s25, $0x2  }
0xc6: {  	s12 =	simm.s32 @p0 $0x50;
	s13 =	simm.s32 @p0 $0xB040;
	s11 =	sadd.s32 @p0 $0x4E70, s10  }
0xc7: {  	[spmem:s1] =	stream.indirect.scatter.add.f32 @p0 [tilespmem:s13], [sflag:$0x6], $0x40, s11, s12, $0xb8;
	[tilespmem:$0x1C040] =	vst v63  }
0xc8: {  	s11 =	simm.s32 @p0 $0x6  }
0xc9: {  	_ =	swait.ge @p0 [sflag:s11], $0x1400  }
0xca: {  	s29 =	simm.s32 @!p0 $0x50;
	s13 =	sshra.s32 @!p0 s25, $0x2;
	[sflag:s11] =	ssyncset.done @p0 $0x0  }
0xcb: {  	s30 =	simm.s32 @!p0 $0x9C40;
	s26 =	sadd.s32 @!p0 $0x190, s13;
	[sflag:s11] =	ssyncadd.s32 @p0 $0xFFFFEC00  }
0xcc: {  	[tilespmem:s30], [sflag:$0x1] =	stream.indirect.gather @!p0 [hbm4b:s18+s29], $0x40, s26, s29, $0xb8;
	[tilespmem:$0x1C040] =	vst v63  }
0xcd: {  	s26 =	simm.s32 @!p0 $0x2  }
0xce: {  	_ =	swait.ge @!p0 [sflag:s26], $0x1400  }
0xcf: {  	[sflag:s26] =	ssyncset.done @!p0 $0x0  }
0xd0: {  	s30 =	simm.s32 @!p0 $0xB040;
	[sflag:s26] =	ssyncadd.s32 @!p0 $0xFFFFEC00;
	s26 =	sadd.s32 @!p0 $0x4E70, s13  }
0xd1: {  	[spmem:s1] =	stream.indirect.scatter.add.f32 @!p0 [tilespmem:s30], [sflag:$0x6], $0x40, s26, s29, $0xb8;
	[tilespmem:$0x1C040] =	vst v63  }
0xd2: {  	p2 =	sne.s32 @!p0 s8, $0x0;
	s26 =	simm.s32 @!p0 $0x6  }
0xd3: {  	p1 =	por !p2, p0;
	_ =	swait.ge @!p0 [sflag:s26], $0x1400  }
0xd4: {  	p2 =	por p2, p0;
	s31 =	simm.s32 @!p1 $0x50;
	[sflag:s26] =	ssyncset.done @!p0 $0x0  }
0xd5: {  	s9 =	simm.s32 @!p1 $0xB040;
	s30 =	sadd.s32 @!p0 $0x1E0, s13;
	[sflag:s26] =	ssyncadd.s32 @!p0 $0xFFFFEC00  }
0xd6: {  	[tilespmem:s9], [sflag:$0x2] =	stream.indirect.gather @!p1 [hbm4b:s6+s31], $0x40, s30, s31, $0xb8;
	[tilespmem:$0x1C040] =	vst v63  }
0xd7: {  	s22 =	simm.s32 @!p2 $0xB040;
	s9 =	simm.s32 @!p2 $0x50  }
0xd8: {  	[tilespmem:s22], [sflag:$0x2] =	stream.indirect.gather @!p2 [hbm4b:s4+s9], $0x40, s30, s9, $0xb8;
	[tilespmem:$0x1C040] =	vst v63  }
0xd9: {  	_ =	swait.ge [sflag:s14], $0x1400  }
0xda: {  	[sflag:s14] =	ssyncset.done $0x0  }
0xdb: {  	s30 =	sadd.s32 $0x4EC0, s20;
	[sflag:s14] =	ssyncadd.s32 $0xFFFFEC00  }
0xdc: {  	[spmem:s1] =	stream.indirect.scatter.add.f32 [tilespmem:s28], [sflag:$0x6], $0x40, s30, s23, $0xb8;
	[tilespmem:$0x1C040] =	vst v63  }
0xdd: {  	_ =	swait.ge [sflag:s21], $0x1400  }
0xde: {  	[sflag:s21] =	ssyncset.done $0x0  }
0xdf: {  	s22 =	simm.s32 @p0 $0x4;
	[sflag:s21] =	ssyncadd.s32 $0xFFFFEC00  }
0xe0: {  	_ =	swait.ge @p0 [sflag:s22], $0x1400  }
0xe1: {  	[sflag:s22] =	ssyncset.done @p0 $0x0  }
0xe2: {  	s10 =	sadd.s32 @p0 $0x4F10, s10;
	[sflag:s22] =	ssyncadd.s32 @p0 $0xFFFFEC00;
	s22 =	simm.s32 @p0 $0xD840  }
0xe3: {  	[spmem:s1] =	stream.indirect.scatter.add.f32 @p0 [tilespmem:s22], [sflag:$0x6], $0x40, s10, s12, $0xb8;
	[tilespmem:$0x1C040] =	vst v63  }
0xe4: {  	_ =	swait.ge @p0 [sflag:s11], $0x1400  }
0xe5: {  	[sflag:s11] =	ssyncset.done @p0 $0x0  }
0xe6: {  	s10 =	sadd.s32 @!p0 $0x230, s13;
	[sflag:s11] =	ssyncadd.s32 @p0 $0xFFFFEC00;
	s11 =	simm.s32 @!p0 $0xC440  }
0xe7: {  	[tilespmem:s11], [sflag:$0x3] =	stream.indirect.gather @!p0 [hbm4b:s18+s29], $0x40, s10, s29, $0xb8;
	[tilespmem:$0x1C040] =	vst v63  }
0xe8: {  	s10 =	simm.s32 @!p0 $0x4  }
0xe9: {  	_ =	swait.ge @!p0 [sflag:s10], $0x1400  }
0xea: {  	[sflag:s10] =	ssyncset.done @!p0 $0x0  }
0xeb: {  	s11 =	simm.s32 @!p0 $0xD840;
	[sflag:s10] =	ssyncadd.s32 @!p0 $0xFFFFEC00;
	s10 =	sadd.s32 @!p0 $0x4F10, s13  }
0xec: {  	[spmem:s1] =	stream.indirect.scatter.add.f32 @!p0 [tilespmem:s11], [sflag:$0x6], $0x40, s10, s29, $0xb8;
	[tilespmem:$0x1C040] =	vst v63  }
0xed: {  	_ =	swait.ge @!p0 [sflag:s26], $0x1400  }
0xee: {  	[sflag:s26] =	ssyncset.done @!p0 $0x0  }
0xef: {  	s10 =	sadd.s32 @!p0 $0x280, s13;
	s11 =	simm.s32 @!p1 $0xD840;
	[sflag:s26] =	ssyncadd.s32 @!p0 $0xFFFFEC00  }
0xf0: {  	[tilespmem:s11], [sflag:$0x4] =	stream.indirect.gather @!p1 [hbm4b:s6+s31], $0x40, s10, s31, $0xb8;
	[tilespmem:$0x1C040] =	vst v63  }
0xf1: {  	s11 =	simm.s32 @!p2 $0xD840  }
0xf2: {  	[tilespmem:s11], [sflag:$0x4] =	stream.indirect.gather @!p2 [hbm4b:s4+s9], $0x40, s10, s9, $0xb8;
	[tilespmem:$0x1C040] =	vst v63  }
0xf3: {  	_ =	swait.ge [sflag:s16], $0x1400  }
0xf4: {  	[sflag:s16] =	ssyncset.done $0x0  }
.Ltmp5:
0xf5: {  	s31 =	sadd.s32 $0x4F60, s20;
	[sflag:s16] =	ssyncadd.s32 $0xFFFFEC00;
	(pc) =	sbr.rel @p0 .LBB2_9-.Ltmp5, $4  }
0xf6: {  	[spmem:s1] =	stream.indirect.scatter.add.f32 [tilespmem:s0], [sflag:$0x6], $0x40, s31, s23, $0xb8;
	[tilespmem:$0x1C040] =	vst v63  }
0xf7: {  	_ =	swait.ge [sflag:s21], $0x1400  }
0xf8: {  	[sflag:s21] =	ssyncset.done $0x0  }
0xf9: {  	[sflag:s21] =	ssyncadd.s32 $0xFFFFEC00  }
.Ltmp6:
0xfa: {  	(pc) =	sbr.rel .LBB2_7-.Ltmp6, $3  }
0xfb: {  	_ =	sdelay $0x1  }
0xfc: {  	s9 =	sadd.s32 $0x2D0, s20;
	s25 =	sadd.s32 $0x640, s25  }
0xfd: {  	[tilespmem:s0], [sflag:$0x5] =	stream.indirect.gather [hbm4b:s18+s23], $0x40, s9, s23, $0xb8;
	[tilespmem:$0x1C040] =	vst v63  }
.LBB2_10:
0xfe: {  	_ =	sfence.sel $0x180000  }
0xff: {  	[bflag:$0x0] =	sbarrier.arrive $0xFFFF  }
0x100: {  	_ =	strace $0x9000004A  }
0x101: {  	s0 =	stileid.u32;
	[bflag:$0x2] =	sbarrier.arrive $0xFFFF  }
0x102: {  	p0 =	sne.s32 s0, $0x0;
	s0 =	rddreg [dreg:$0x2]  }
0x103: {  	s0 =	sadd.s32 @!p0 $0x100000, s0  }
0x104: {  	[sflag:s0] =	ssyncadd.tile.s32 @!p0 $0x1;
	_ =	shalt  }
.Lfunc_end2:
_tile_overlayer_lowered:
.L_overlay_start_2:
0x105: {  	(tag) =	ssettag $0x2  }
0x106: {  	s0 =	rddreg [dreg:$0x0];
	s2 =	stileid.u32  }
0x107: {  	s1 =	rddreg [dreg:$0x1];
	p0 =	sne.s32 s2, $0x0  }
0x108: {  	s3 =	rddreg [dreg:$0x2];
	[bflag:$0x3] =	sbarrier.arrive $0xFFFF;
	s2 =	simm.s32 @!p0 $0x1C06  }
0x109: {  	[timem:s3], [sflag:s2] =	dma.local @!p0 [hbm:s0], s1  }
0x10a: {  	s0 =	simm.s32 @!p0 $0x6  }
0x10b: {  	_ =	swait.ge @!p0 [sflag:s0], s1  }
0x10c: {  	s1 =	ssub.s32 @!p0 $0x0, s1;
	[sflag:s0] =	ssyncset.done @!p0 $0x0  }
0x10d: {  	[sflag:s0] =	ssyncadd.s32 @!p0 s1  }
0x10e: {  	[bflag:$0x3] =	sbarrier.arrive $0xFFFF  }
0x10f: {  	_ =	shalt  }

</sc_bundles>
